<compile_context>
chip_gen: v7x
topology: tpu7x:2x2x1
jax: 0.10.2.dev20260603
libtpu: 0.0.44.dev20260713+nightly
codegen_flags: <defaults>
</compile_context>

<pallas_src>
import functools

import jax
import jax.numpy as jnp
from jax import lax
from jax.experimental import pallas as pl
from jax.experimental.pallas import tpu as pltpu
from jax.experimental.pallas import tpu_sc as plsc

N = 10000
D = 128
DH = D // 2
E = 320000
NC, NS = 2, 16
CH = 128
R = 10240
EPW = 20480
NCHUNK = EPW // CH
EP = NS * EPW
RPT = R // NS
CNTW = 16
GB = 40
NGB = NCHUNK // GB
NBUF = 8


def _mm_body(x_ref, w_ref, o0_ref, o1_ref):
    b = jnp.dot(x_ref[...], w_ref[...], preferred_element_type=jnp.float32)
    o0_ref[...] = b[:, :DH]
    o1_ref[...] = b[:, DH:]


def _combine_body(x_ref, wc_ref, b_ref, s0_ref, s1_ref, c_ref, o_ref):
    alpha = jnp.dot(x_ref[...], wc_ref[...],
                    preferred_element_type=jnp.float32)
    s = jnp.concatenate([s0_ref[0:N, :], s1_ref[0:N, :]], axis=1)
    c = c_ref[0:N, 0:1]
    gamma = s / jnp.maximum(c, 1.0)
    o_ref[...] = alpha + gamma + b_ref[...]


def _sc_body(beta0, beta1, dsti, srci, s0_o, s1_o, cnt_o,
             dstv, srcv, rows, rows1, rows2, rows3, rows4, rows5, rows6,
             rows7, ones_v, acc_s, acc_c,
             gsa, gsb, gsc, gsd, gse, gsf, gsg, gsh,
             ssa, ssb, ssc, ssd, sse, ssf, ssg, ssh, csem):
    cid = lax.axis_index("c")
    sid = lax.axis_index("s")
    z16 = jnp.zeros((16,), jnp.float32)
    o16 = jnp.ones((16,), jnp.float32)

    @pl.loop(0, CH)
    def _(j):
        for k in range(DH // 16):
            rows[j, pl.ds(k * 16, 16)] = z16
        ones_v[j, pl.ds(0, 16)] = z16

    @pl.loop(0, RPT // CH)
    def _(k):
        base = sid * RPT + k * CH
        pltpu.async_copy(rows, acc_s.at[pl.ds(base, CH)], gsa)

        @pl.when(cid == 0)
        def _():
            pltpu.async_copy(ones_v, acc_c.at[pl.ds(base, CH)], csem)

    @pl.loop(0, RPT // CH)
    def _(k):
        base = sid * RPT + k * CH
        pltpu.make_async_copy(rows, acc_s.at[pl.ds(base, CH)], gsa).wait()

        @pl.when(cid == 0)
        def _():
            pltpu.make_async_copy(
                ones_v, acc_c.at[pl.ds(base, CH)], csem).wait()

    @pl.loop(0, CH)
    def _(j):
        ones_v[j, pl.ds(0, 16)] = o16

    plsc.subcore_barrier()

    def run(beta_h, with_cnt):
        bufs = (rows, rows1, rows2, rows3, rows4, rows5, rows6, rows7)
        gsems = (gsa, gsb, gsc, gsd, gse, gsf, gsg, gsh)
        ssems = (ssa, ssb, ssc, ssd, sse, ssf, ssg, ssh)

        def g_start(buf, j):
            pltpu.async_copy(beta_h.at[dstv.at[j]], bufs[buf], gsems[buf])

        def g_wait(buf, j):
            pltpu.make_async_copy(
                beta_h.at[dstv.at[j]], bufs[buf], gsems[buf]).wait()

        def s_start(buf, j):
            pltpu.async_copy(bufs[buf], acc_s.at[srcv.at[j]], ssems[buf],
                             add=True)
            if with_cnt:
                pltpu.async_copy(ones_v, acc_c.at[srcv.at[j]], csem,
                                 add=True)

        def s_wait(buf, j):
            pltpu.make_async_copy(
                bufs[buf], acc_s.at[srcv.at[j]], ssems[buf]).wait()
            if with_cnt:
                pltpu.make_async_copy(
                    ones_v, acc_c.at[srcv.at[j]], csem).wait()

        @pl.loop(0, NGB)
        def _(g):
            pltpu.sync_copy(dsti.at[pl.ds(sid * NCHUNK + g * GB, GB)], dstv)
            pltpu.sync_copy(srci.at[pl.ds(sid * NCHUNK + g * GB, GB)], srcv)
            hd = NBUF // 2
            for t in range(hd):
                g_start(t, t)

            @pl.loop(0, GB, step=NBUF)
            def _(j):
                for t in range(NBUF):
                    b, bp = t, (t + hd) % NBUF
                    c = j + t
                    g_wait(b, c)
                    s_start(b, c)

                    @pl.when(c >= hd)
                    def _():
                        s_wait(bp, c - hd)

                    @pl.when(c + hd < GB)
                    def _():
                        g_start(bp, c + hd)

            for t in range(hd):
                s_wait(t + hd, GB - hd + t)

    @pl.when(cid == 0)
    def _():
        run(beta0, True)

    @pl.when(cid == 1)
    def _():
        run(beta1, False)

    plsc.subcore_barrier()

    obufs = (rows, rows1, rows2, rows3, rows4)
    osems = (gsa, gsb, gsc, gsd, gse)
    for k in range(RPT // CH):
        base = sid * RPT + k * CH
        pltpu.sync_copy(acc_s.at[pl.ds(base, CH)], obufs[k])

        @pl.when(cid == 0)
        def _():
            pltpu.async_copy(obufs[k], s0_o.at[pl.ds(base, CH)], osems[k])

        @pl.when(cid == 1)
        def _():
            pltpu.async_copy(obufs[k], s1_o.at[pl.ds(base, CH)], osems[k])

    @pl.when(cid == 0)
    def _():
        @pl.loop(0, RPT // CH)
        def _(k):
            base = sid * RPT + k * CH
            pltpu.sync_copy(acc_c.at[pl.ds(base, CH)], ones_v)
            pltpu.sync_copy(ones_v, cnt_o.at[pl.ds(base, CH)])

    for k in range(RPT // CH):
        base = sid * RPT + k * CH

        @pl.when(cid == 0)
        def _():
            pltpu.make_async_copy(
                obufs[k], s0_o.at[pl.ds(base, CH)], osems[k]).wait()

        @pl.when(cid == 1)
        def _():
            pltpu.make_async_copy(
                obufs[k], s1_o.at[pl.ds(base, CH)], osems[k]).wait()


_sc_aggregate = functools.partial(
    pl.kernel,
    out_type=[
        jax.ShapeDtypeStruct((R, DH), jnp.float32),
        jax.ShapeDtypeStruct((R, DH), jnp.float32),
        jax.ShapeDtypeStruct((R, CNTW), jnp.float32),
    ],
    mesh=plsc.VectorSubcoreMesh(core_axis_name="c", subcore_axis_name="s"),
    compiler_params=pltpu.CompilerParams(use_tc_tiling_on_sc=False),
    scratch_types=[
        pltpu.VMEM((GB, CH), jnp.int32),
        pltpu.VMEM((GB, CH), jnp.int32),
    ] + [pltpu.VMEM((CH, DH), jnp.float32)] * NBUF
      + [
        pltpu.VMEM((CH, CNTW), jnp.float32),
        pltpu.VMEM_SHARED((R, DH), jnp.float32),
        pltpu.VMEM_SHARED((R, CNTW), jnp.float32),
    ] + [pltpu.SemaphoreType.DMA] * (2 * NBUF + 1),
)(_sc_body)


def kernel(x, edge_index, wc, wn, bias):
    src = edge_index[0].astype(jnp.int32)
    dst = edge_index[1].astype(jnp.int32)
    pad = EP - E
    pad_iota = jnp.arange(pad, dtype=jnp.int32)
    src_p = jnp.concatenate(
        [src, N + pad_iota % (R - N)]).reshape(EP // CH, CH)
    dst_p = jnp.concatenate(
        [dst, pad_iota % N]).reshape(EP // CH, CH)

    beta0, beta1 = pl.pallas_call(
        _mm_body,
        out_shape=[
            jax.ShapeDtypeStruct((N, DH), jnp.float32),
            jax.ShapeDtypeStruct((N, DH), jnp.float32),
        ],
    )(x, wn)

    s0, s1, cnt = _sc_aggregate(beta0, beta1, dst_p, src_p)

    out = pl.pallas_call(
        _combine_body,
        out_shape=jax.ShapeDtypeStruct((N, D), jnp.float32),
    )(x, wc, bias.reshape(1, D), s0, s1, cnt)
    return out

# --- scband reference (transcript-rebuilt; emitter-appended) ---
"""Pipeline reference for scband-fout-layer-54760833024352 (READ-ONLY COPY).

The authoritative reference and input builder live on the scoring server;
editing this copy changes nothing except your own understanding.
"""

import jax, jax.numpy as jnp
import numpy as np

IN_CHANNELS = 128
OUT_CHANNELS = 128
NUM_NODES = 10000
NUM_EDGES = 320000


def setup_inputs(seed: int = 0) -> dict:
    key = jax.random.key(seed)
    k_x, k_e, k_wc, k_wn, k_b = jax.random.split(key, 5)
    x = jax.random.normal(k_x, (NUM_NODES, IN_CHANNELS), dtype=jnp.float32)
    edge_index = jax.random.randint(k_e, (2, NUM_EDGES), 0, NUM_NODES, dtype=jnp.int64)
    # uniform(size, tensor) in torch_geometric: U(-1/sqrt(size), 1/sqrt(size)) with size=in_channels
    bound = 1.0 / np.sqrt(IN_CHANNELS)
    wc = jax.random.uniform(k_wc, (IN_CHANNELS, OUT_CHANNELS), minval=-bound, maxval=bound, dtype=jnp.float32)
    wn = jax.random.uniform(k_wn, (IN_CHANNELS, OUT_CHANNELS), minval=-bound, maxval=bound, dtype=jnp.float32)
    bias = jax.random.uniform(k_b, (OUT_CHANNELS,), minval=-bound, maxval=bound, dtype=jnp.float32)
    return {"x": x, "edge_index": edge_index, "wc": wc, "wn": wn, "bias": bias}


def reference(x, edge_index, wc, wn, bias):
    # FoutLayer forward (eq. 1 of Fout et al. NIPS 2018).
    # The original torch loop computes, for each node n:
    #   gamma[n] = mean over edges with src==n of beta[dst]
    # which is a gather + segment-mean over edge source ids.
    num_nodes = x.shape[0]
    src = edge_index[0]
    dst = edge_index[1]
    alpha = jnp.matmul(x, wc)
    beta = jnp.matmul(x, wn)
    gathered = jnp.take(beta, dst, axis=0)                     # gather [E, out]
    summed = jax.ops.segment_sum(gathered, src, num_segments=num_nodes)
    count = jax.ops.segment_sum(jnp.ones((src.shape[0],), dtype=beta.dtype), src, num_segments=num_nodes)
    gamma = summed / jnp.maximum(count, 1.0)[:, None]          # segment mean
    out = alpha + gamma + bias
    return out

if __name__ == "__main__":
    import jax
    _d = setup_inputs()
    print(jax.jit(kernel)(*tuple(_d.values())))

</pallas_src>

<mosaic_0001>
#map = affine_map<(d0, d1) -> (0, 0)>
module attributes {stable_mosaic.version = 14 : i64} {
  func.func @_sc_body(%arg0: i32, %arg1: i32, %arg2: memref<10000x64xf32, #tpu.memory_space<hbm>>, %arg3: memref<10000x64xf32, #tpu.memory_space<hbm>>, %arg4: memref<2560x128xi32, #tpu.memory_space<hbm>>, %arg5: memref<2560x128xi32, #tpu.memory_space<hbm>>, %arg6: memref<10240x64xf32, #tpu.memory_space<hbm>>, %arg7: memref<10240x64xf32, #tpu.memory_space<hbm>>, %arg8: memref<10240x16xf32, #tpu.memory_space<hbm>>, %arg9: memref<40x128xi32, #tpu.memory_space<vmem>>, %arg10: memref<40x128xi32, #tpu.memory_space<vmem>>, %arg11: memref<128x64xf32, #tpu.memory_space<vmem>>, %arg12: memref<128x64xf32, #tpu.memory_space<vmem>>, %arg13: memref<128x64xf32, #tpu.memory_space<vmem>>, %arg14: memref<128x64xf32, #tpu.memory_space<vmem>>, %arg15: memref<128x64xf32, #tpu.memory_space<vmem>>, %arg16: memref<128x64xf32, #tpu.memory_space<vmem>>, %arg17: memref<128x64xf32, #tpu.memory_space<vmem>>, %arg18: memref<128x64xf32, #tpu.memory_space<vmem>>, %arg19: memref<128x16xf32, #tpu.memory_space<vmem>>, %arg20: memref<10240x64xf32, #tpu.memory_space<vmem_shared>>, %arg21: memref<10240x16xf32, #tpu.memory_space<vmem_shared>>, %arg22: memref<!tpu.dma_semaphore, #tpu.memory_space<semaphore_mem>>, %arg23: memref<!tpu.dma_semaphore, #tpu.memory_space<semaphore_mem>>, %arg24: memref<!tpu.dma_semaphore, #tpu.memory_space<semaphore_mem>>, %arg25: memref<!tpu.dma_semaphore, #tpu.memory_space<semaphore_mem>>, %arg26: memref<!tpu.dma_semaphore, #tpu.memory_space<semaphore_mem>>, %arg27: memref<!tpu.dma_semaphore, #tpu.memory_space<semaphore_mem>>, %arg28: memref<!tpu.dma_semaphore, #tpu.memory_space<semaphore_mem>>, %arg29: memref<!tpu.dma_semaphore, #tpu.memory_space<semaphore_mem>>, %arg30: memref<!tpu.dma_semaphore, #tpu.memory_space<semaphore_mem>>, %arg31: memref<!tpu.dma_semaphore, #tpu.memory_space<semaphore_mem>>, %arg32: memref<!tpu.dma_semaphore, #tpu.memory_space<semaphore_mem>>, %arg33: memref<!tpu.dma_semaphore, #tpu.memory_space<semaphore_mem>>, %arg34: memref<!tpu.dma_semaphore, #tpu.memory_space<semaphore_mem>>, %arg35: memref<!tpu.dma_semaphore, #tpu.memory_space<semaphore_mem>>, %arg36: memref<!tpu.dma_semaphore, #tpu.memory_space<semaphore_mem>>, %arg37: memref<!tpu.dma_semaphore, #tpu.memory_space<semaphore_mem>>, %arg38: memref<!tpu.dma_semaphore, #tpu.memory_space<semaphore_mem>>) attributes {dimension_semantics = [#tpu.dimension_semantics<core_parallel>, #tpu.dimension_semantics<subcore_parallel>], iteration_bounds = array<i64: 2, 16>, scalar_prefetch = 0 : i64, scratch_operands = 30 : i64, tpu.core_type = #tpu.core_type<sc_vector_subcore>, window_params = [{transform_indices = #map}, {transform_indices = #map}, {transform_indices = #map}, {transform_indices = #map}, {transform_indices = #map}, {transform_indices = #map}, {transform_indices = #map}]} {
    %broadcast_in_dim3A = arith.constant 0.000000e+00 : f32
    %broadcast_in_dim3A_0 = vector.broadcast %broadcast_in_dim3A : f32 to vector<16xf32>
    %broadcast_in_dim3A_1 = arith.constant 1.000000e+00 : f32
    %broadcast_in_dim3A_2 = vector.broadcast %broadcast_in_dim3A_1 : f32 to vector<16xf32>
    %scan3A = arith.constant 0 : i32
    %scan3A_3 = arith.constant 128 : i32
    %scan3A_4 = arith.addi %scan3A, %scan3A_3 : i32
    %scan3A_5 = arith.constant 1 : i32
    scf.for %scan3A_173 = %scan3A to %scan3A_4 step %scan3A_5  : i32 {
      %mul3A_174 = arith.constant 1 : i32
      %mul3A_175 = arith.muli %scan3A_173, %mul3A_174 : i32
      %add3A_176 = arith.constant 0 : i32
      %add3A_177 = arith.addi %add3A_176, %mul3A_175 : i32
      %swap3A = arith.index_cast %add3A_177 : i32 to index
      %swap3A_178 = arith.constant 0 : index
      %swap3A_179 = tpu.vector_load %arg11[%swap3A, %swap3A_178] {strides = array<i32>} : memref<128x64xf32, #tpu.memory_space<vmem>>, vector<1x16xf32>,
      %swap3A_180 = vector.shape_cast %swap3A_179 : vector<1x16xf32> to vector<16xf32>
      %swap3A_181 = vector.shape_cast %broadcast_in_dim3A_0 : vector<16xf32> to vector<1x16xf32>
      tpu.vector_store %arg11[%swap3A, %swap3A_178], %swap3A_181 {strides = array<i32>} : memref<128x64xf32, #tpu.memory_space<vmem>>, vector<1x16xf32>,
      %swap3A_182 = arith.index_cast %add3A_177 : i32 to index
      %swap3A_183 = arith.constant 16 : index
      %swap3A_184 = tpu.vector_load %arg11[%swap3A_182, %swap3A_183] {strides = array<i32>} : memref<128x64xf32, #tpu.memory_space<vmem>>, vector<1x16xf32>,
      %swap3A_185 = vector.shape_cast %swap3A_184 : vector<1x16xf32> to vector<16xf32>
      %swap3A_186 = vector.shape_cast %broadcast_in_dim3A_0 : vector<16xf32> to vector<1x16xf32>
      tpu.vector_store %arg11[%swap3A_182, %swap3A_183], %swap3A_186 {strides = array<i32>} : memref<128x64xf32, #tpu.memory_space<vmem>>, vector<1x16xf32>,
      %swap3A_187 = arith.index_cast %add3A_177 : i32 to index
      %swap3A_188 = arith.constant 32 : index
      %swap3A_189 = tpu.vector_load %arg11[%swap3A_187, %swap3A_188] {strides = array<i32>} : memref<128x64xf32, #tpu.memory_space<vmem>>, vector<1x16xf32>,
      %swap3A_190 = vector.shape_cast %swap3A_189 : vector<1x16xf32> to vector<16xf32>
      %swap3A_191 = vector.shape_cast %broadcast_in_dim3A_0 : vector<16xf32> to vector<1x16xf32>
      tpu.vector_store %arg11[%swap3A_187, %swap3A_188], %swap3A_191 {strides = array<i32>} : memref<128x64xf32, #tpu.memory_space<vmem>>, vector<1x16xf32>,
      %swap3A_192 = arith.index_cast %add3A_177 : i32 to index
      %swap3A_193 = arith.constant 48 : index
      %swap3A_194 = tpu.vector_load %arg11[%swap3A_192, %swap3A_193] {strides = array<i32>} : memref<128x64xf32, #tpu.memory_space<vmem>>, vector<1x16xf32>,
      %swap3A_195 = vector.shape_cast %swap3A_194 : vector<1x16xf32> to vector<16xf32>
      %swap3A_196 = vector.shape_cast %broadcast_in_dim3A_0 : vector<16xf32> to vector<1x16xf32>
      tpu.vector_store %arg11[%swap3A_192, %swap3A_193], %swap3A_196 {strides = array<i32>} : memref<128x64xf32, #tpu.memory_space<vmem>>, vector<1x16xf32>,
      %swap3A_197 = arith.index_cast %add3A_177 : i32 to index
      %swap3A_198 = arith.constant 0 : index
      %swap3A_199 = tpu.vector_load %arg19[%swap3A_197, %swap3A_198] {strides = array<i32>} : memref<128x16xf32, #tpu.memory_space<vmem>>, vector<1x16xf32>,
      %swap3A_200 = vector.shape_cast %swap3A_199 : vector<1x16xf32> to vector<16xf32>
      %swap3A_201 = vector.shape_cast %broadcast_in_dim3A_0 : vector<16xf32> to vector<1x16xf32>
      tpu.vector_store %arg19[%swap3A_197, %swap3A_198], %swap3A_201 {strides = array<i32>} : memref<128x16xf32, #tpu.memory_space<vmem>>, vector<1x16xf32>,
    }
    %scan3A_6 = arith.constant 128 : i32
    %scan3A_7 = arith.constant 0 : i32
    %scan3A_8 = arith.constant 5 : i32
    %scan3A_9 = arith.addi %scan3A_7, %scan3A_8 : i32
    %scan3A_10 = arith.constant 1 : i32
    scf.for %scan3A_173 = %scan3A_7 to %scan3A_9 step %scan3A_10  : i32 {
      %mul3A_174 = arith.constant 1 : i32
      %mul3A_175 = arith.muli %scan3A_173, %mul3A_174 : i32
      %add3A_176 = arith.constant 0 : i32
      %add3A_177 = arith.addi %add3A_176, %mul3A_175 : i32
      %mul3A_178 = arith.constant 640 : i32
      %mul3A_179 = arith.muli %arg1, %mul3A_178 : i32
      %mul3A_180 = arith.constant 128 : i32
      %mul3A_181 = arith.muli %add3A_177, %mul3A_180 : i32
      %add3A_182 = arith.addi %mul3A_179, %mul3A_181 : i32
      %dma_start3A = arith.constant 0 : i32
      %dma_start3A_183 = tpu.memref_slice %arg20[%add3A_182, %dma_start3A] : memref<10240x64xf32, #tpu.memory_space<vmem_shared>> -> memref<128x64xf32, #tpu.memory_space<vmem_shared>>
      %dma_start3A_184 = arith.constant 0 : i32
      %dma_start3A_185 = tpu.memref_slice %arg20[%add3A_182, %dma_start3A_184] : memref<10240x64xf32, #tpu.memory_space<vmem_shared>> -> memref<128x64xf32, #tpu.memory_space<vmem_shared>>
      tpu.enqueue_dma source(%arg11 : memref<128x64xf32, #tpu.memory_space<vmem>>) target(%dma_start3A_185 : memref<128x64xf32, #tpu.memory_space<vmem_shared>>) target_semaphore(%arg22 : memref<!tpu.dma_semaphore, #tpu.memory_space<semaphore_mem>>)
      %eq3A_186 = arith.constant 0 : i32
      %eq3A_187 = arith.cmpi eq, %arg0, %eq3A_186 : i32
      %convert_element_type3A_188 = arith.extui %eq3A_187 : i1 to i32
      %cond3A_189 = arith.constant 0 : i32
      %cond3A_190 = arith.cmpi ne, %convert_element_type3A_188, %cond3A_189 : i32
      scf.if %cond3A_190 {
        %dma_start3A_191 = arith.constant 0 : i32
        %dma_start3A_192 = tpu.memref_slice %arg21[%add3A_182, %dma_start3A_191] : memref<10240x16xf32, #tpu.memory_space<vmem_shared>> -> memref<128x16xf32, #tpu.memory_space<vmem_shared>>
        %dma_start3A_193 = arith.constant 0 : i32
        %dma_start3A_194 = tpu.memref_slice %arg21[%add3A_182, %dma_start3A_193] : memref<10240x16xf32, #tpu.memory_space<vmem_shared>> -> memref<128x16xf32, #tpu.memory_space<vmem_shared>>
        tpu.enqueue_dma source(%arg19 : memref<128x16xf32, #tpu.memory_space<vmem>>) target(%dma_start3A_194 : memref<128x16xf32, #tpu.memory_space<vmem_shared>>) target_semaphore(%arg38 : memref<!tpu.dma_semaphore, #tpu.memory_space<semaphore_mem>>)
      } else {
      }
    }
    %scan3A_11 = arith.constant 5 : i32
    %scan3A_12 = arith.constant 0 : i32
    %scan3A_13 = arith.constant 5 : i32
    %scan3A_14 = arith.addi %scan3A_12, %scan3A_13 : i32
    %scan3A_15 = arith.constant 1 : i32
    scf.for %scan3A_173 = %scan3A_12 to %scan3A_14 step %scan3A_15  : i32 {
      %mul3A_174 = arith.constant 1 : i32
      %mul3A_175 = arith.muli %scan3A_173, %mul3A_174 : i32
      %add3A_176 = arith.constant 0 : i32
      %add3A_177 = arith.addi %add3A_176, %mul3A_175 : i32
      %mul3A_178 = arith.constant 640 : i32
      %mul3A_179 = arith.muli %arg1, %mul3A_178 : i32
      %mul3A_180 = arith.constant 128 : i32
      %mul3A_181 = arith.muli %add3A_177, %mul3A_180 : i32
      %add3A_182 = arith.addi %mul3A_179, %mul3A_181 : i32
      %dma_wait3A = arith.constant 0 : i32
      %dma_wait3A_183 = tpu.memref_slice %arg20[%add3A_182, %dma_wait3A] : memref<10240x64xf32, #tpu.memory_space<vmem_shared>> -> memref<128x64xf32, #tpu.memory_space<vmem_shared>>
      %dma_wait3A_184 = arith.constant 0 : i32
      %dma_wait3A_185 = tpu.memref_slice %arg20[%add3A_182, %dma_wait3A_184] : memref<10240x64xf32, #tpu.memory_space<vmem_shared>> -> memref<128x64xf32, #tpu.memory_space<vmem_shared>>
      tpu.wait_dma2 semaphore(%arg22 : memref<!tpu.dma_semaphore, #tpu.memory_space<semaphore_mem>>) src(%arg11 : memref<128x64xf32, #tpu.memory_space<vmem>>) dst(%dma_wait3A_185 : memref<128x64xf32, #tpu.memory_space<vmem_shared>>)
      %eq3A_186 = arith.constant 0 : i32
      %eq3A_187 = arith.cmpi eq, %arg0, %eq3A_186 : i32
      %convert_element_type3A_188 = arith.extui %eq3A_187 : i1 to i32
      %cond3A_189 = arith.constant 0 : i32
      %cond3A_190 = arith.cmpi ne, %convert_element_type3A_188, %cond3A_189 : i32
      scf.if %cond3A_190 {
        %dma_wait3A_191 = arith.constant 0 : i32
        %dma_wait3A_192 = tpu.memref_slice %arg21[%add3A_182, %dma_wait3A_191] : memref<10240x16xf32, #tpu.memory_space<vmem_shared>> -> memref<128x16xf32, #tpu.memory_space<vmem_shared>>
        %dma_wait3A_193 = arith.constant 0 : i32
        %dma_wait3A_194 = tpu.memref_slice %arg21[%add3A_182, %dma_wait3A_193] : memref<10240x16xf32, #tpu.memory_space<vmem_shared>> -> memref<128x16xf32, #tpu.memory_space<vmem_shared>>
        tpu.wait_dma2 semaphore(%arg38 : memref<!tpu.dma_semaphore, #tpu.memory_space<semaphore_mem>>) src(%arg19 : memref<128x16xf32, #tpu.memory_space<vmem>>) dst(%dma_wait3A_194 : memref<128x16xf32, #tpu.memory_space<vmem_shared>>)
      } else {
      }
    }
    %scan3A_16 = arith.constant 5 : i32
    %scan3A_17 = arith.constant 0 : i32
    %scan3A_18 = arith.constant 128 : i32
    %scan3A_19 = arith.addi %scan3A_17, %scan3A_18 : i32
    %scan3A_20 = arith.constant 1 : i32
    scf.for %scan3A_173 = %scan3A_17 to %scan3A_19 step %scan3A_20  : i32 {
      %mul3A_174 = arith.constant 1 : i32
      %mul3A_175 = arith.muli %scan3A_173, %mul3A_174 : i32
      %add3A_176 = arith.constant 0 : i32
      %add3A_177 = arith.addi %add3A_176, %mul3A_175 : i32
      %swap3A = arith.index_cast %add3A_177 : i32 to index
      %swap3A_178 = arith.constant 0 : index
      %swap3A_179 = tpu.vector_load %arg19[%swap3A, %swap3A_178] {strides = array<i32>} : memref<128x16xf32, #tpu.memory_space<vmem>>, vector<1x16xf32>,
      %swap3A_180 = vector.shape_cast %swap3A_179 : vector<1x16xf32> to vector<16xf32>
      %swap3A_181 = vector.shape_cast %broadcast_in_dim3A_2 : vector<16xf32> to vector<1x16xf32>
      tpu.vector_store %arg19[%swap3A, %swap3A_178], %swap3A_181 {strides = array<i32>} : memref<128x16xf32, #tpu.memory_space<vmem>>, vector<1x16xf32>,
    }
    %scan3A_21 = arith.constant 128 : i32
    %barrier3A = arith.constant 0 : index
    tpu.barrier barrier_id(%barrier3A)
    %eq3A = arith.constant 0 : i32
    %eq3A_22 = arith.cmpi eq, %arg0, %eq3A : i32
    %convert_element_type3A = arith.extui %eq3A_22 : i1 to i32
    %cond3A = arith.constant 0 : i32
    %cond3A_23 = arith.cmpi ne, %convert_element_type3A, %cond3A : i32
    scf.if %cond3A_23 {
      %scan3A_173 = arith.constant 0 : i32
      %scan3A_174 = arith.constant 4 : i32
      %scan3A_175 = arith.addi %scan3A_173, %scan3A_174 : i32
      %scan3A_176 = arith.constant 1 : i32
      scf.for %scan3A_178 = %scan3A_173 to %scan3A_175 step %scan3A_176  : i32 {
        %mul3A_179 = arith.constant 1 : i32
        %mul3A_180 = arith.muli %scan3A_178, %mul3A_179 : i32
        %add3A_181 = arith.constant 0 : i32
        %add3A_182 = arith.addi %add3A_181, %mul3A_180 : i32
        %mul3A_183 = arith.constant 160 : i32
        %mul3A_184 = arith.muli %arg1, %mul3A_183 : i32
        %mul3A_185 = arith.constant 40 : i32
        %mul3A_186 = arith.muli %add3A_182, %mul3A_185 : i32
        %add3A_187 = arith.addi %mul3A_184, %mul3A_186 : i32
        "tpu.region"() ({
          %run_scoped3A = tpu.sem_alloc : memref<!tpu.dma_semaphore, #tpu.memory_space<semaphore_mem>>
          %dma_start3A_280 = arith.constant 0 : i32
          %dma_start3A_281 = tpu.memref_slice %arg4[%add3A_187, %dma_start3A_280] : memref<2560x128xi32, #tpu.memory_space<hbm>> -> memref<40x128xi32, #tpu.memory_space<hbm>>
          %dma_start3A_282 = arith.constant 0 : i32
          %dma_start3A_283 = tpu.memref_slice %arg4[%add3A_187, %dma_start3A_282] : memref<2560x128xi32, #tpu.memory_space<hbm>> -> memref<40x128xi32, #tpu.memory_space<hbm>>
          tpu.enqueue_dma source(%dma_start3A_283 : memref<40x128xi32, #tpu.memory_space<hbm>>) target(%arg9 : memref<40x128xi32, #tpu.memory_space<vmem>>) target_semaphore(%run_scoped3A : memref<!tpu.dma_semaphore, #tpu.memory_space<semaphore_mem>>)
          %dma_wait3A_284 = arith.constant 0 : i32
          %dma_wait3A_285 = tpu.memref_slice %arg4[%add3A_187, %dma_wait3A_284] : memref<2560x128xi32, #tpu.memory_space<hbm>> -> memref<40x128xi32, #tpu.memory_space<hbm>>
          %dma_wait3A_286 = arith.constant 0 : i32
          %dma_wait3A_287 = tpu.memref_slice %arg4[%add3A_187, %dma_wait3A_286] : memref<2560x128xi32, #tpu.memory_space<hbm>> -> memref<40x128xi32, #tpu.memory_space<hbm>>
          tpu.wait_dma2 semaphore(%run_scoped3A : memref<!tpu.dma_semaphore, #tpu.memory_space<semaphore_mem>>) src(%dma_wait3A_287 : memref<40x128xi32, #tpu.memory_space<hbm>>) dst(%arg9 : memref<40x128xi32, #tpu.memory_space<vmem>>)
          tpu.yield
        }) : () -> ()
        %mul3A_188 = arith.constant 160 : i32
        %mul3A_189 = arith.muli %arg1, %mul3A_188 : i32
        %mul3A_190 = arith.constant 40 : i32
        %mul3A_191 = arith.muli %add3A_182, %mul3A_190 : i32
        %add3A_192 = arith.addi %mul3A_189, %mul3A_191 : i32
        "tpu.region"() ({
          %run_scoped3A = tpu.sem_alloc : memref<!tpu.dma_semaphore, #tpu.memory_space<semaphore_mem>>
          %dma_start3A_280 = arith.constant 0 : i32
          %dma_start3A_281 = tpu.memref_slice %arg5[%add3A_192, %dma_start3A_280] : memref<2560x128xi32, #tpu.memory_space<hbm>> -> memref<40x128xi32, #tpu.memory_space<hbm>>
          %dma_start3A_282 = arith.constant 0 : i32
          %dma_start3A_283 = tpu.memref_slice %arg5[%add3A_192, %dma_start3A_282] : memref<2560x128xi32, #tpu.memory_space<hbm>> -> memref<40x128xi32, #tpu.memory_space<hbm>>
          tpu.enqueue_dma source(%dma_start3A_283 : memref<40x128xi32, #tpu.memory_space<hbm>>) target(%arg10 : memref<40x128xi32, #tpu.memory_space<vmem>>) target_semaphore(%run_scoped3A : memref<!tpu.dma_semaphore, #tpu.memory_space<semaphore_mem>>)
          %dma_wait3A_284 = arith.constant 0 : i32
          %dma_wait3A_285 = tpu.memref_slice %arg5[%add3A_192, %dma_wait3A_284] : memref<2560x128xi32, #tpu.memory_space<hbm>> -> memref<40x128xi32, #tpu.memory_space<hbm>>
          %dma_wait3A_286 = arith.constant 0 : i32
          %dma_wait3A_287 = tpu.memref_slice %arg5[%add3A_192, %dma_wait3A_286] : memref<2560x128xi32, #tpu.memory_space<hbm>> -> memref<40x128xi32, #tpu.memory_space<hbm>>
          tpu.wait_dma2 semaphore(%run_scoped3A : memref<!tpu.dma_semaphore, #tpu.memory_space<semaphore_mem>>) src(%dma_wait3A_287 : memref<40x128xi32, #tpu.memory_space<hbm>>) dst(%arg10 : memref<40x128xi32, #tpu.memory_space<vmem>>)
          tpu.yield
        }) : () -> ()
        %dma_start3A = arith.constant 0 : i32
        %dma_start3A_193 = arith.constant 0 : i32
        %dma_start3A_194 = tpu.memref_slice %arg9[%dma_start3A, %dma_start3A_193] : memref<40x128xi32, #tpu.memory_space<vmem>> -> memref<1x128xi32, #tpu.memory_space<vmem>>
        %dma_start3A_195 = tpu.memref_squeeze %dma_start3A_194 : memref<1x128xi32, #tpu.memory_space<vmem>> -> memref<128xi32, #tpu.memory_space<vmem>>
        %dma_start3A_196 = arith.constant 0 : i32
        %dma_start3A_197 = arith.constant 0 : i32
        %dma_start3A_198 = tpu.memref_slice %arg2[%dma_start3A_196, %dma_start3A_197] : memref<10000x64xf32, #tpu.memory_space<hbm>> -> memref<10000x64xf32, #tpu.memory_space<hbm>>
        tpu.enqueue_indirect_dma source(%dma_start3A_198 : memref<10000x64xf32, #tpu.memory_space<hbm>>) target(%arg11 : memref<128x64xf32, #tpu.memory_space<vmem>>) offsets(%dma_start3A_195 : memref<128xi32, #tpu.memory_space<vmem>>) semaphore(%arg22 : memref<!tpu.dma_semaphore, #tpu.memory_space<semaphore_mem>>)
        %dma_start3A_199 = arith.constant 1 : i32
        %dma_start3A_200 = arith.constant 0 : i32
        %dma_start3A_201 = tpu.memref_slice %arg9[%dma_start3A_199, %dma_start3A_200] : memref<40x128xi32, #tpu.memory_space<vmem>> -> memref<1x128xi32, #tpu.memory_space<vmem>>
        %dma_start3A_202 = tpu.memref_squeeze %dma_start3A_201 : memref<1x128xi32, #tpu.memory_space<vmem>> -> memref<128xi32, #tpu.memory_space<vmem>>
        %dma_start3A_203 = arith.constant 0 : i32
        %dma_start3A_204 = arith.constant 0 : i32
        %dma_start3A_205 = tpu.memref_slice %arg2[%dma_start3A_203, %dma_start3A_204] : memref<10000x64xf32, #tpu.memory_space<hbm>> -> memref<10000x64xf32, #tpu.memory_space<hbm>>
        tpu.enqueue_indirect_dma source(%dma_start3A_205 : memref<10000x64xf32, #tpu.memory_space<hbm>>) target(%arg12 : memref<128x64xf32, #tpu.memory_space<vmem>>) offsets(%dma_start3A_202 : memref<128xi32, #tpu.memory_space<vmem>>) semaphore(%arg23 : memref<!tpu.dma_semaphore, #tpu.memory_space<semaphore_mem>>)
        %dma_start3A_206 = arith.constant 2 : i32
        %dma_start3A_207 = arith.constant 0 : i32
        %dma_start3A_208 = tpu.memref_slice %arg9[%dma_start3A_206, %dma_start3A_207] : memref<40x128xi32, #tpu.memory_space<vmem>> -> memref<1x128xi32, #tpu.memory_space<vmem>>
        %dma_start3A_209 = tpu.memref_squeeze %dma_start3A_208 : memref<1x128xi32, #tpu.memory_space<vmem>> -> memref<128xi32, #tpu.memory_space<vmem>>
        %dma_start3A_210 = arith.constant 0 : i32
        %dma_start3A_211 = arith.constant 0 : i32
        %dma_start3A_212 = tpu.memref_slice %arg2[%dma_start3A_210, %dma_start3A_211] : memref<10000x64xf32, #tpu.memory_space<hbm>> -> memref<10000x64xf32, #tpu.memory_space<hbm>>
        tpu.enqueue_indirect_dma source(%dma_start3A_212 : memref<10000x64xf32, #tpu.memory_space<hbm>>) target(%arg13 : memref<128x64xf32, #tpu.memory_space<vmem>>) offsets(%dma_start3A_209 : memref<128xi32, #tpu.memory_space<vmem>>) semaphore(%arg24 : memref<!tpu.dma_semaphore, #tpu.memory_space<semaphore_mem>>)
        %dma_start3A_213 = arith.constant 3 : i32
        %dma_start3A_214 = arith.constant 0 : i32
        %dma_start3A_215 = tpu.memref_slice %arg9[%dma_start3A_213, %dma_start3A_214] : memref<40x128xi32, #tpu.memory_space<vmem>> -> memref<1x128xi32, #tpu.memory_space<vmem>>
        %dma_start3A_216 = tpu.memref_squeeze %dma_start3A_215 : memref<1x128xi32, #tpu.memory_space<vmem>> -> memref<128xi32, #tpu.memory_space<vmem>>
        %dma_start3A_217 = arith.constant 0 : i32
        %dma_start3A_218 = arith.constant 0 : i32
        %dma_start3A_219 = tpu.memref_slice %arg2[%dma_start3A_217, %dma_start3A_218] : memref<10000x64xf32, #tpu.memory_space<hbm>> -> memref<10000x64xf32, #tpu.memory_space<hbm>>
        tpu.enqueue_indirect_dma source(%dma_start3A_219 : memref<10000x64xf32, #tpu.memory_space<hbm>>) target(%arg14 : memref<128x64xf32, #tpu.memory_space<vmem>>) offsets(%dma_start3A_216 : memref<128xi32, #tpu.memory_space<vmem>>) semaphore(%arg25 : memref<!tpu.dma_semaphore, #tpu.memory_space<semaphore_mem>>)
        %scan3A_220 = arith.constant 0 : i32
        %scan3A_221 = arith.constant 5 : i32
        %scan3A_222 = arith.addi %scan3A_220, %scan3A_221 : i32
        %scan3A_223 = arith.constant 1 : i32
        scf.for %scan3A_280 = %scan3A_220 to %scan3A_222 step %scan3A_223  : i32 {
          %mul3A_281 = arith.constant 8 : i32
          %mul3A_282 = arith.muli %scan3A_280, %mul3A_281 : i32
          %add3A_283 = arith.constant 0 : i32
          %add3A_284 = arith.addi %add3A_283, %mul3A_282 : i32
          %add3A_285 = arith.constant 0 : i32
          %add3A_286 = arith.addi %add3A_284, %add3A_285 : i32
          %dma_wait3A_287 = arith.constant 0 : i32
          %dma_wait3A_288 = tpu.memref_slice %arg9[%add3A_286, %dma_wait3A_287] : memref<40x128xi32, #tpu.memory_space<vmem>> -> memref<1x128xi32, #tpu.memory_space<vmem>>
          %dma_wait3A_289 = tpu.memref_squeeze %dma_wait3A_288 : memref<1x128xi32, #tpu.memory_space<vmem>> -> memref<128xi32, #tpu.memory_space<vmem>>
          %dma_wait3A_290 = arith.constant 0 : i32
          %dma_wait3A_291 = arith.constant 0 : i32
          %dma_wait3A_292 = tpu.memref_slice %arg2[%dma_wait3A_290, %dma_wait3A_291] : memref<10000x64xf32, #tpu.memory_space<hbm>> -> memref<10000x64xf32, #tpu.memory_space<hbm>>
          tpu.wait_indirect_dma semaphore(%arg22 : memref<!tpu.dma_semaphore, #tpu.memory_space<semaphore_mem>>) src(%dma_wait3A_292 : memref<10000x64xf32, #tpu.memory_space<hbm>>) dst(%arg11 : memref<128x64xf32, #tpu.memory_space<vmem>>)
          %dma_start3A_293 = arith.constant 0 : i32
          %dma_start3A_294 = tpu.memref_slice %arg10[%add3A_286, %dma_start3A_293] : memref<40x128xi32, #tpu.memory_space<vmem>> -> memref<1x128xi32, #tpu.memory_space<vmem>>
          %dma_start3A_295 = tpu.memref_squeeze %dma_start3A_294 : memref<1x128xi32, #tpu.memory_space<vmem>> -> memref<128xi32, #tpu.memory_space<vmem>>
          %dma_start3A_296 = arith.constant 0 : i32
          %dma_start3A_297 = arith.constant 0 : i32
          %dma_start3A_298 = tpu.memref_slice %arg20[%dma_start3A_296, %dma_start3A_297] : memref<10240x64xf32, #tpu.memory_space<vmem_shared>> -> memref<10240x64xf32, #tpu.memory_space<vmem_shared>>
          tpu.enqueue_indirect_dma source(%arg11 : memref<128x64xf32, #tpu.memory_space<vmem>>) target(%dma_start3A_298 : memref<10240x64xf32, #tpu.memory_space<vmem_shared>>) offsets(%dma_start3A_295 : memref<128xi32, #tpu.memory_space<vmem>>) semaphore(%arg30 : memref<!tpu.dma_semaphore, #tpu.memory_space<semaphore_mem>>) {add = true}
          %dma_start3A_299 = arith.constant 0 : i32
          %dma_start3A_300 = tpu.memref_slice %arg10[%add3A_286, %dma_start3A_299] : memref<40x128xi32, #tpu.memory_space<vmem>> -> memref<1x128xi32, #tpu.memory_space<vmem>>
          %dma_start3A_301 = tpu.memref_squeeze %dma_start3A_300 : memref<1x128xi32, #tpu.memory_space<vmem>> -> memref<128xi32, #tpu.memory_space<vmem>>
          %dma_start3A_302 = arith.constant 0 : i32
          %dma_start3A_303 = arith.constant 0 : i32
          %dma_start3A_304 = tpu.memref_slice %arg21[%dma_start3A_302, %dma_start3A_303] : memref<10240x16xf32, #tpu.memory_space<vmem_shared>> -> memref<10240x16xf32, #tpu.memory_space<vmem_shared>>
          tpu.enqueue_indirect_dma source(%arg19 : memref<128x16xf32, #tpu.memory_space<vmem>>) target(%dma_start3A_304 : memref<10240x16xf32, #tpu.memory_space<vmem_shared>>) offsets(%dma_start3A_301 : memref<128xi32, #tpu.memory_space<vmem>>) semaphore(%arg38 : memref<!tpu.dma_semaphore, #tpu.memory_space<semaphore_mem>>) {add = true}
          %ge3A = arith.constant 4 : i32
          %ge3A_305 = arith.cmpi sge, %add3A_286, %ge3A : i32
          %convert_element_type3A_306 = arith.extui %ge3A_305 : i1 to i32
          %cond3A_307 = arith.constant 0 : i32
          %cond3A_308 = arith.cmpi ne, %convert_element_type3A_306, %cond3A_307 : i32
          scf.if %cond3A_308 {
            %sub3A = arith.constant 4 : i32
            %sub3A_539 = arith.subi %add3A_286, %sub3A : i32
            %dma_wait3A_540 = arith.constant 0 : i32
            %dma_wait3A_541 = tpu.memref_slice %arg10[%sub3A_539, %dma_wait3A_540] : memref<40x128xi32, #tpu.memory_space<vmem>> -> memref<1x128xi32, #tpu.memory_space<vmem>>
            %dma_wait3A_542 = tpu.memref_squeeze %dma_wait3A_541 : memref<1x128xi32, #tpu.memory_space<vmem>> -> memref<128xi32, #tpu.memory_space<vmem>>
            %dma_wait3A_543 = arith.constant 0 : i32
            %dma_wait3A_544 = arith.constant 0 : i32
            %dma_wait3A_545 = tpu.memref_slice %arg20[%dma_wait3A_543, %dma_wait3A_544] : memref<10240x64xf32, #tpu.memory_space<vmem_shared>> -> memref<10240x64xf32, #tpu.memory_space<vmem_shared>>
            tpu.wait_indirect_dma semaphore(%arg34 : memref<!tpu.dma_semaphore, #tpu.memory_space<semaphore_mem>>) src(%arg15 : memref<128x64xf32, #tpu.memory_space<vmem>>) dst(%dma_wait3A_545 : memref<10240x64xf32, #tpu.memory_space<vmem_shared>>)
            %dma_wait3A_546 = arith.constant 0 : i32
            %dma_wait3A_547 = tpu.memref_slice %arg10[%sub3A_539, %dma_wait3A_546] : memref<40x128xi32, #tpu.memory_space<vmem>> -> memref<1x128xi32, #tpu.memory_space<vmem>>
            %dma_wait3A_548 = tpu.memref_squeeze %dma_wait3A_547 : memref<1x128xi32, #tpu.memory_space<vmem>> -> memref<128xi32, #tpu.memory_space<vmem>>
            %dma_wait3A_549 = arith.constant 0 : i32
            %dma_wait3A_550 = arith.constant 0 : i32
            %dma_wait3A_551 = tpu.memref_slice %arg21[%dma_wait3A_549, %dma_wait3A_550] : memref<10240x16xf32, #tpu.memory_space<vmem_shared>> -> memref<10240x16xf32, #tpu.memory_space<vmem_shared>>
            tpu.wait_indirect_dma semaphore(%arg38 : memref<!tpu.dma_semaphore, #tpu.memory_space<semaphore_mem>>) src(%arg19 : memref<128x16xf32, #tpu.memory_space<vmem>>) dst(%dma_wait3A_551 : memref<10240x16xf32, #tpu.memory_space<vmem_shared>>)
          } else {
          }
          %add3A_309 = arith.constant 4 : i32
          %add3A_310 = arith.addi %add3A_286, %add3A_309 : i32
          %lt3A = arith.constant 40 : i32
          %lt3A_311 = arith.cmpi slt, %add3A_310, %lt3A : i32
          %convert_element_type3A_312 = arith.extui %lt3A_311 : i1 to i32
          %cond3A_313 = arith.constant 0 : i32
          %cond3A_314 = arith.cmpi ne, %convert_element_type3A_312, %cond3A_313 : i32
          scf.if %cond3A_314 {
            %add3A_539 = arith.constant 4 : i32
            %add3A_540 = arith.addi %add3A_286, %add3A_539 : i32
            %dma_start3A_541 = arith.constant 0 : i32
            %dma_start3A_542 = tpu.memref_slice %arg9[%add3A_540, %dma_start3A_541] : memref<40x128xi32, #tpu.memory_space<vmem>> -> memref<1x128xi32, #tpu.memory_space<vmem>>
            %dma_start3A_543 = tpu.memref_squeeze %dma_start3A_542 : memref<1x128xi32, #tpu.memory_space<vmem>> -> memref<128xi32, #tpu.memory_space<vmem>>
            %dma_start3A_544 = arith.constant 0 : i32
            %dma_start3A_545 = arith.constant 0 : i32
            %dma_start3A_546 = tpu.memref_slice %arg2[%dma_start3A_544, %dma_start3A_545] : memref<10000x64xf32, #tpu.memory_space<hbm>> -> memref<10000x64xf32, #tpu.memory_space<hbm>>
            tpu.enqueue_indirect_dma source(%dma_start3A_546 : memref<10000x64xf32, #tpu.memory_space<hbm>>) target(%arg15 : memref<128x64xf32, #tpu.memory_space<vmem>>) offsets(%dma_start3A_543 : memref<128xi32, #tpu.memory_space<vmem>>) semaphore(%arg26 : memref<!tpu.dma_semaphore, #tpu.memory_space<semaphore_mem>>)
          } else {
          }
          %add3A_315 = arith.constant 1 : i32
          %add3A_316 = arith.addi %add3A_284, %add3A_315 : i32
          %dma_wait3A_317 = arith.constant 0 : i32
          %dma_wait3A_318 = tpu.memref_slice %arg9[%add3A_316, %dma_wait3A_317] : memref<40x128xi32, #tpu.memory_space<vmem>> -> memref<1x128xi32, #tpu.memory_space<vmem>>
          %dma_wait3A_319 = tpu.memref_squeeze %dma_wait3A_318 : memref<1x128xi32, #tpu.memory_space<vmem>> -> memref<128xi32, #tpu.memory_space<vmem>>
          %dma_wait3A_320 = arith.constant 0 : i32
          %dma_wait3A_321 = arith.constant 0 : i32
          %dma_wait3A_322 = tpu.memref_slice %arg2[%dma_wait3A_320, %dma_wait3A_321] : memref<10000x64xf32, #tpu.memory_space<hbm>> -> memref<10000x64xf32, #tpu.memory_space<hbm>>
          tpu.wait_indirect_dma semaphore(%arg23 : memref<!tpu.dma_semaphore, #tpu.memory_space<semaphore_mem>>) src(%dma_wait3A_322 : memref<10000x64xf32, #tpu.memory_space<hbm>>) dst(%arg12 : memref<128x64xf32, #tpu.memory_space<vmem>>)
          %dma_start3A_323 = arith.constant 0 : i32
          %dma_start3A_324 = tpu.memref_slice %arg10[%add3A_316, %dma_start3A_323] : memref<40x128xi32, #tpu.memory_space<vmem>> -> memref<1x128xi32, #tpu.memory_space<vmem>>
          %dma_start3A_325 = tpu.memref_squeeze %dma_start3A_324 : memref<1x128xi32, #tpu.memory_space<vmem>> -> memref<128xi32, #tpu.memory_space<vmem>>
          %dma_start3A_326 = arith.constant 0 : i32
          %dma_start3A_327 = arith.constant 0 : i32
          %dma_start3A_328 = tpu.memref_slice %arg20[%dma_start3A_326, %dma_start3A_327] : memref<10240x64xf32, #tpu.memory_space<vmem_shared>> -> memref<10240x64xf32, #tpu.memory_space<vmem_shared>>
          tpu.enqueue_indirect_dma source(%arg12 : memref<128x64xf32, #tpu.memory_space<vmem>>) target(%dma_start3A_328 : memref<10240x64xf32, #tpu.memory_space<vmem_shared>>) offsets(%dma_start3A_325 : memref<128xi32, #tpu.memory_space<vmem>>) semaphore(%arg31 : memref<!tpu.dma_semaphore, #tpu.memory_space<semaphore_mem>>) {add = true}
          %dma_start3A_329 = arith.constant 0 : i32
          %dma_start3A_330 = tpu.memref_slice %arg10[%add3A_316, %dma_start3A_329] : memref<40x128xi32, #tpu.memory_space<vmem>> -> memref<1x128xi32, #tpu.memory_space<vmem>>
          %dma_start3A_331 = tpu.memref_squeeze %dma_start3A_330 : memref<1x128xi32, #tpu.memory_space<vmem>> -> memref<128xi32, #tpu.memory_space<vmem>>
          %dma_start3A_332 = arith.constant 0 : i32
          %dma_start3A_333 = arith.constant 0 : i32
          %dma_start3A_334 = tpu.memref_slice %arg21[%dma_start3A_332, %dma_start3A_333] : memref<10240x16xf32, #tpu.memory_space<vmem_shared>> -> memref<10240x16xf32, #tpu.memory_space<vmem_shared>>
          tpu.enqueue_indirect_dma source(%arg19 : memref<128x16xf32, #tpu.memory_space<vmem>>) target(%dma_start3A_334 : memref<10240x16xf32, #tpu.memory_space<vmem_shared>>) offsets(%dma_start3A_331 : memref<128xi32, #tpu.memory_space<vmem>>) semaphore(%arg38 : memref<!tpu.dma_semaphore, #tpu.memory_space<semaphore_mem>>) {add = true}
          %ge3A_335 = arith.constant 4 : i32
          %ge3A_336 = arith.cmpi sge, %add3A_316, %ge3A_335 : i32
          %convert_element_type3A_337 = arith.extui %ge3A_336 : i1 to i32
          %cond3A_338 = arith.constant 0 : i32
          %cond3A_339 = arith.cmpi ne, %convert_element_type3A_337, %cond3A_338 : i32
          scf.if %cond3A_339 {
            %sub3A = arith.constant 4 : i32
            %sub3A_539 = arith.subi %add3A_316, %sub3A : i32
            %dma_wait3A_540 = arith.constant 0 : i32
            %dma_wait3A_541 = tpu.memref_slice %arg10[%sub3A_539, %dma_wait3A_540] : memref<40x128xi32, #tpu.memory_space<vmem>> -> memref<1x128xi32, #tpu.memory_space<vmem>>
            %dma_wait3A_542 = tpu.memref_squeeze %dma_wait3A_541 : memref<1x128xi32, #tpu.memory_space<vmem>> -> memref<128xi32, #tpu.memory_space<vmem>>
            %dma_wait3A_543 = arith.constant 0 : i32
            %dma_wait3A_544 = arith.constant 0 : i32
            %dma_wait3A_545 = tpu.memref_slice %arg20[%dma_wait3A_543, %dma_wait3A_544] : memref<10240x64xf32, #tpu.memory_space<vmem_shared>> -> memref<10240x64xf32, #tpu.memory_space<vmem_shared>>
            tpu.wait_indirect_dma semaphore(%arg35 : memref<!tpu.dma_semaphore, #tpu.memory_space<semaphore_mem>>) src(%arg16 : memref<128x64xf32, #tpu.memory_space<vmem>>) dst(%dma_wait3A_545 : memref<10240x64xf32, #tpu.memory_space<vmem_shared>>)
            %dma_wait3A_546 = arith.constant 0 : i32
            %dma_wait3A_547 = tpu.memref_slice %arg10[%sub3A_539, %dma_wait3A_546] : memref<40x128xi32, #tpu.memory_space<vmem>> -> memref<1x128xi32, #tpu.memory_space<vmem>>
            %dma_wait3A_548 = tpu.memref_squeeze %dma_wait3A_547 : memref<1x128xi32, #tpu.memory_space<vmem>> -> memref<128xi32, #tpu.memory_space<vmem>>
            %dma_wait3A_549 = arith.constant 0 : i32
            %dma_wait3A_550 = arith.constant 0 : i32
            %dma_wait3A_551 = tpu.memref_slice %arg21[%dma_wait3A_549, %dma_wait3A_550] : memref<10240x16xf32, #tpu.memory_space<vmem_shared>> -> memref<10240x16xf32, #tpu.memory_space<vmem_shared>>
            tpu.wait_indirect_dma semaphore(%arg38 : memref<!tpu.dma_semaphore, #tpu.memory_space<semaphore_mem>>) src(%arg19 : memref<128x16xf32, #tpu.memory_space<vmem>>) dst(%dma_wait3A_551 : memref<10240x16xf32, #tpu.memory_space<vmem_shared>>)
          } else {
          }
          %add3A_340 = arith.constant 4 : i32
          %add3A_341 = arith.addi %add3A_316, %add3A_340 : i32
          %lt3A_342 = arith.constant 40 : i32
          %lt3A_343 = arith.cmpi slt, %add3A_341, %lt3A_342 : i32
          %convert_element_type3A_344 = arith.extui %lt3A_343 : i1 to i32
          %cond3A_345 = arith.constant 0 : i32
          %cond3A_346 = arith.cmpi ne, %convert_element_type3A_344, %cond3A_345 : i32
          scf.if %cond3A_346 {
            %add3A_539 = arith.constant 4 : i32
            %add3A_540 = arith.addi %add3A_316, %add3A_539 : i32
            %dma_start3A_541 = arith.constant 0 : i32
            %dma_start3A_542 = tpu.memref_slice %arg9[%add3A_540, %dma_start3A_541] : memref<40x128xi32, #tpu.memory_space<vmem>> -> memref<1x128xi32, #tpu.memory_space<vmem>>
            %dma_start3A_543 = tpu.memref_squeeze %dma_start3A_542 : memref<1x128xi32, #tpu.memory_space<vmem>> -> memref<128xi32, #tpu.memory_space<vmem>>
            %dma_start3A_544 = arith.constant 0 : i32
            %dma_start3A_545 = arith.constant 0 : i32
            %dma_start3A_546 = tpu.memref_slice %arg2[%dma_start3A_544, %dma_start3A_545] : memref<10000x64xf32, #tpu.memory_space<hbm>> -> memref<10000x64xf32, #tpu.memory_space<hbm>>
            tpu.enqueue_indirect_dma source(%dma_start3A_546 : memref<10000x64xf32, #tpu.memory_space<hbm>>) target(%arg16 : memref<128x64xf32, #tpu.memory_space<vmem>>) offsets(%dma_start3A_543 : memref<128xi32, #tpu.memory_space<vmem>>) semaphore(%arg27 : memref<!tpu.dma_semaphore, #tpu.memory_space<semaphore_mem>>)
          } else {
          }
          %add3A_347 = arith.constant 2 : i32
          %add3A_348 = arith.addi %add3A_284, %add3A_347 : i32
          %dma_wait3A_349 = arith.constant 0 : i32
          %dma_wait3A_350 = tpu.memref_slice %arg9[%add3A_348, %dma_wait3A_349] : memref<40x128xi32, #tpu.memory_space<vmem>> -> memref<1x128xi32, #tpu.memory_space<vmem>>
          %dma_wait3A_351 = tpu.memref_squeeze %dma_wait3A_350 : memref<1x128xi32, #tpu.memory_space<vmem>> -> memref<128xi32, #tpu.memory_space<vmem>>
          %dma_wait3A_352 = arith.constant 0 : i32
          %dma_wait3A_353 = arith.constant 0 : i32
          %dma_wait3A_354 = tpu.memref_slice %arg2[%dma_wait3A_352, %dma_wait3A_353] : memref<10000x64xf32, #tpu.memory_space<hbm>> -> memref<10000x64xf32, #tpu.memory_space<hbm>>
          tpu.wait_indirect_dma semaphore(%arg24 : memref<!tpu.dma_semaphore, #tpu.memory_space<semaphore_mem>>) src(%dma_wait3A_354 : memref<10000x64xf32, #tpu.memory_space<hbm>>) dst(%arg13 : memref<128x64xf32, #tpu.memory_space<vmem>>)
          %dma_start3A_355 = arith.constant 0 : i32
          %dma_start3A_356 = tpu.memref_slice %arg10[%add3A_348, %dma_start3A_355] : memref<40x128xi32, #tpu.memory_space<vmem>> -> memref<1x128xi32, #tpu.memory_space<vmem>>
          %dma_start3A_357 = tpu.memref_squeeze %dma_start3A_356 : memref<1x128xi32, #tpu.memory_space<vmem>> -> memref<128xi32, #tpu.memory_space<vmem>>
          %dma_start3A_358 = arith.constant 0 : i32
          %dma_start3A_359 = arith.constant 0 : i32
          %dma_start3A_360 = tpu.memref_slice %arg20[%dma_start3A_358, %dma_start3A_359] : memref<10240x64xf32, #tpu.memory_space<vmem_shared>> -> memref<10240x64xf32, #tpu.memory_space<vmem_shared>>
          tpu.enqueue_indirect_dma source(%arg13 : memref<128x64xf32, #tpu.memory_space<vmem>>) target(%dma_start3A_360 : memref<10240x64xf32, #tpu.memory_space<vmem_shared>>) offsets(%dma_start3A_357 : memref<128xi32, #tpu.memory_space<vmem>>) semaphore(%arg32 : memref<!tpu.dma_semaphore, #tpu.memory_space<semaphore_mem>>) {add = true}
          %dma_start3A_361 = arith.constant 0 : i32
          %dma_start3A_362 = tpu.memref_slice %arg10[%add3A_348, %dma_start3A_361] : memref<40x128xi32, #tpu.memory_space<vmem>> -> memref<1x128xi32, #tpu.memory_space<vmem>>
          %dma_start3A_363 = tpu.memref_squeeze %dma_start3A_362 : memref<1x128xi32, #tpu.memory_space<vmem>> -> memref<128xi32, #tpu.memory_space<vmem>>
          %dma_start3A_364 = arith.constant 0 : i32
          %dma_start3A_365 = arith.constant 0 : i32
          %dma_start3A_366 = tpu.memref_slice %arg21[%dma_start3A_364, %dma_start3A_365] : memref<10240x16xf32, #tpu.memory_space<vmem_shared>> -> memref<10240x16xf32, #tpu.memory_space<vmem_shared>>
          tpu.enqueue_indirect_dma source(%arg19 : memref<128x16xf32, #tpu.memory_space<vmem>>) target(%dma_start3A_366 : memref<10240x16xf32, #tpu.memory_space<vmem_shared>>) offsets(%dma_start3A_363 : memref<128xi32, #tpu.memory_space<vmem>>) semaphore(%arg38 : memref<!tpu.dma_semaphore, #tpu.memory_space<semaphore_mem>>) {add = true}
          %ge3A_367 = arith.constant 4 : i32
          %ge3A_368 = arith.cmpi sge, %add3A_348, %ge3A_367 : i32
          %convert_element_type3A_369 = arith.extui %ge3A_368 : i1 to i32
          %cond3A_370 = arith.constant 0 : i32
          %cond3A_371 = arith.cmpi ne, %convert_element_type3A_369, %cond3A_370 : i32
          scf.if %cond3A_371 {
            %sub3A = arith.constant 4 : i32
            %sub3A_539 = arith.subi %add3A_348, %sub3A : i32
            %dma_wait3A_540 = arith.constant 0 : i32
            %dma_wait3A_541 = tpu.memref_slice %arg10[%sub3A_539, %dma_wait3A_540] : memref<40x128xi32, #tpu.memory_space<vmem>> -> memref<1x128xi32, #tpu.memory_space<vmem>>
            %dma_wait3A_542 = tpu.memref_squeeze %dma_wait3A_541 : memref<1x128xi32, #tpu.memory_space<vmem>> -> memref<128xi32, #tpu.memory_space<vmem>>
            %dma_wait3A_543 = arith.constant 0 : i32
            %dma_wait3A_544 = arith.constant 0 : i32
            %dma_wait3A_545 = tpu.memref_slice %arg20[%dma_wait3A_543, %dma_wait3A_544] : memref<10240x64xf32, #tpu.memory_space<vmem_shared>> -> memref<10240x64xf32, #tpu.memory_space<vmem_shared>>
            tpu.wait_indirect_dma semaphore(%arg36 : memref<!tpu.dma_semaphore, #tpu.memory_space<semaphore_mem>>) src(%arg17 : memref<128x64xf32, #tpu.memory_space<vmem>>) dst(%dma_wait3A_545 : memref<10240x64xf32, #tpu.memory_space<vmem_shared>>)
            %dma_wait3A_546 = arith.constant 0 : i32
            %dma_wait3A_547 = tpu.memref_slice %arg10[%sub3A_539, %dma_wait3A_546] : memref<40x128xi32, #tpu.memory_space<vmem>> -> memref<1x128xi32, #tpu.memory_space<vmem>>
            %dma_wait3A_548 = tpu.memref_squeeze %dma_wait3A_547 : memref<1x128xi32, #tpu.memory_space<vmem>> -> memref<128xi32, #tpu.memory_space<vmem>>
            %dma_wait3A_549 = arith.constant 0 : i32
            %dma_wait3A_550 = arith.constant 0 : i32
            %dma_wait3A_551 = tpu.memref_slice %arg21[%dma_wait3A_549, %dma_wait3A_550] : memref<10240x16xf32, #tpu.memory_space<vmem_shared>> -> memref<10240x16xf32, #tpu.memory_space<vmem_shared>>
            tpu.wait_indirect_dma semaphore(%arg38 : memref<!tpu.dma_semaphore, #tpu.memory_space<semaphore_mem>>) src(%arg19 : memref<128x16xf32, #tpu.memory_space<vmem>>) dst(%dma_wait3A_551 : memref<10240x16xf32, #tpu.memory_space<vmem_shared>>)
          } else {
          }
          %add3A_372 = arith.constant 4 : i32
          %add3A_373 = arith.addi %add3A_348, %add3A_372 : i32
          %lt3A_374 = arith.constant 40 : i32
          %lt3A_375 = arith.cmpi slt, %add3A_373, %lt3A_374 : i32
          %convert_element_type3A_376 = arith.extui %lt3A_375 : i1 to i32
          %cond3A_377 = arith.constant 0 : i32
          %cond3A_378 = arith.cmpi ne, %convert_element_type3A_376, %cond3A_377 : i32
          scf.if %cond3A_378 {
            %add3A_539 = arith.constant 4 : i32
            %add3A_540 = arith.addi %add3A_348, %add3A_539 : i32
            %dma_start3A_541 = arith.constant 0 : i32
            %dma_start3A_542 = tpu.memref_slice %arg9[%add3A_540, %dma_start3A_541] : memref<40x128xi32, #tpu.memory_space<vmem>> -> memref<1x128xi32, #tpu.memory_space<vmem>>
            %dma_start3A_543 = tpu.memref_squeeze %dma_start3A_542 : memref<1x128xi32, #tpu.memory_space<vmem>> -> memref<128xi32, #tpu.memory_space<vmem>>
            %dma_start3A_544 = arith.constant 0 : i32
            %dma_start3A_545 = arith.constant 0 : i32
            %dma_start3A_546 = tpu.memref_slice %arg2[%dma_start3A_544, %dma_start3A_545] : memref<10000x64xf32, #tpu.memory_space<hbm>> -> memref<10000x64xf32, #tpu.memory_space<hbm>>
            tpu.enqueue_indirect_dma source(%dma_start3A_546 : memref<10000x64xf32, #tpu.memory_space<hbm>>) target(%arg17 : memref<128x64xf32, #tpu.memory_space<vmem>>) offsets(%dma_start3A_543 : memref<128xi32, #tpu.memory_space<vmem>>) semaphore(%arg28 : memref<!tpu.dma_semaphore, #tpu.memory_space<semaphore_mem>>)
          } else {
          }
          %add3A_379 = arith.constant 3 : i32
          %add3A_380 = arith.addi %add3A_284, %add3A_379 : i32
          %dma_wait3A_381 = arith.constant 0 : i32
          %dma_wait3A_382 = tpu.memref_slice %arg9[%add3A_380, %dma_wait3A_381] : memref<40x128xi32, #tpu.memory_space<vmem>> -> memref<1x128xi32, #tpu.memory_space<vmem>>
          %dma_wait3A_383 = tpu.memref_squeeze %dma_wait3A_382 : memref<1x128xi32, #tpu.memory_space<vmem>> -> memref<128xi32, #tpu.memory_space<vmem>>
          %dma_wait3A_384 = arith.constant 0 : i32
          %dma_wait3A_385 = arith.constant 0 : i32
          %dma_wait3A_386 = tpu.memref_slice %arg2[%dma_wait3A_384, %dma_wait3A_385] : memref<10000x64xf32, #tpu.memory_space<hbm>> -> memref<10000x64xf32, #tpu.memory_space<hbm>>
          tpu.wait_indirect_dma semaphore(%arg25 : memref<!tpu.dma_semaphore, #tpu.memory_space<semaphore_mem>>) src(%dma_wait3A_386 : memref<10000x64xf32, #tpu.memory_space<hbm>>) dst(%arg14 : memref<128x64xf32, #tpu.memory_space<vmem>>)
          %dma_start3A_387 = arith.constant 0 : i32
          %dma_start3A_388 = tpu.memref_slice %arg10[%add3A_380, %dma_start3A_387] : memref<40x128xi32, #tpu.memory_space<vmem>> -> memref<1x128xi32, #tpu.memory_space<vmem>>
          %dma_start3A_389 = tpu.memref_squeeze %dma_start3A_388 : memref<1x128xi32, #tpu.memory_space<vmem>> -> memref<128xi32, #tpu.memory_space<vmem>>
          %dma_start3A_390 = arith.constant 0 : i32
          %dma_start3A_391 = arith.constant 0 : i32
          %dma_start3A_392 = tpu.memref_slice %arg20[%dma_start3A_390, %dma_start3A_391] : memref<10240x64xf32, #tpu.memory_space<vmem_shared>> -> memref<10240x64xf32, #tpu.memory_space<vmem_shared>>
          tpu.enqueue_indirect_dma source(%arg14 : memref<128x64xf32, #tpu.memory_space<vmem>>) target(%dma_start3A_392 : memref<10240x64xf32, #tpu.memory_space<vmem_shared>>) offsets(%dma_start3A_389 : memref<128xi32, #tpu.memory_space<vmem>>) semaphore(%arg33 : memref<!tpu.dma_semaphore, #tpu.memory_space<semaphore_mem>>) {add = true}
          %dma_start3A_393 = arith.constant 0 : i32
          %dma_start3A_394 = tpu.memref_slice %arg10[%add3A_380, %dma_start3A_393] : memref<40x128xi32, #tpu.memory_space<vmem>> -> memref<1x128xi32, #tpu.memory_space<vmem>>
          %dma_start3A_395 = tpu.memref_squeeze %dma_start3A_394 : memref<1x128xi32, #tpu.memory_space<vmem>> -> memref<128xi32, #tpu.memory_space<vmem>>
          %dma_start3A_396 = arith.constant 0 : i32
          %dma_start3A_397 = arith.constant 0 : i32
          %dma_start3A_398 = tpu.memref_slice %arg21[%dma_start3A_396, %dma_start3A_397] : memref<10240x16xf32, #tpu.memory_space<vmem_shared>> -> memref<10240x16xf32, #tpu.memory_space<vmem_shared>>
          tpu.enqueue_indirect_dma source(%arg19 : memref<128x16xf32, #tpu.memory_space<vmem>>) target(%dma_start3A_398 : memref<10240x16xf32, #tpu.memory_space<vmem_shared>>) offsets(%dma_start3A_395 : memref<128xi32, #tpu.memory_space<vmem>>) semaphore(%arg38 : memref<!tpu.dma_semaphore, #tpu.memory_space<semaphore_mem>>) {add = true}
          %ge3A_399 = arith.constant 4 : i32
          %ge3A_400 = arith.cmpi sge, %add3A_380, %ge3A_399 : i32
          %convert_element_type3A_401 = arith.extui %ge3A_400 : i1 to i32
          %cond3A_402 = arith.constant 0 : i32
          %cond3A_403 = arith.cmpi ne, %convert_element_type3A_401, %cond3A_402 : i32
          scf.if %cond3A_403 {
            %sub3A = arith.constant 4 : i32
            %sub3A_539 = arith.subi %add3A_380, %sub3A : i32
            %dma_wait3A_540 = arith.constant 0 : i32
            %dma_wait3A_541 = tpu.memref_slice %arg10[%sub3A_539, %dma_wait3A_540] : memref<40x128xi32, #tpu.memory_space<vmem>> -> memref<1x128xi32, #tpu.memory_space<vmem>>
            %dma_wait3A_542 = tpu.memref_squeeze %dma_wait3A_541 : memref<1x128xi32, #tpu.memory_space<vmem>> -> memref<128xi32, #tpu.memory_space<vmem>>
            %dma_wait3A_543 = arith.constant 0 : i32
            %dma_wait3A_544 = arith.constant 0 : i32
            %dma_wait3A_545 = tpu.memref_slice %arg20[%dma_wait3A_543, %dma_wait3A_544] : memref<10240x64xf32, #tpu.memory_space<vmem_shared>> -> memref<10240x64xf32, #tpu.memory_space<vmem_shared>>
            tpu.wait_indirect_dma semaphore(%arg37 : memref<!tpu.dma_semaphore, #tpu.memory_space<semaphore_mem>>) src(%arg18 : memref<128x64xf32, #tpu.memory_space<vmem>>) dst(%dma_wait3A_545 : memref<10240x64xf32, #tpu.memory_space<vmem_shared>>)
            %dma_wait3A_546 = arith.constant 0 : i32
            %dma_wait3A_547 = tpu.memref_slice %arg10[%sub3A_539, %dma_wait3A_546] : memref<40x128xi32, #tpu.memory_space<vmem>> -> memref<1x128xi32, #tpu.memory_space<vmem>>
            %dma_wait3A_548 = tpu.memref_squeeze %dma_wait3A_547 : memref<1x128xi32, #tpu.memory_space<vmem>> -> memref<128xi32, #tpu.memory_space<vmem>>
            %dma_wait3A_549 = arith.constant 0 : i32
            %dma_wait3A_550 = arith.constant 0 : i32
            %dma_wait3A_551 = tpu.memref_slice %arg21[%dma_wait3A_549, %dma_wait3A_550] : memref<10240x16xf32, #tpu.memory_space<vmem_shared>> -> memref<10240x16xf32, #tpu.memory_space<vmem_shared>>
            tpu.wait_indirect_dma semaphore(%arg38 : memref<!tpu.dma_semaphore, #tpu.memory_space<semaphore_mem>>) src(%arg19 : memref<128x16xf32, #tpu.memory_space<vmem>>) dst(%dma_wait3A_551 : memref<10240x16xf32, #tpu.memory_space<vmem_shared>>)
          } else {
          }
          %add3A_404 = arith.constant 4 : i32
          %add3A_405 = arith.addi %add3A_380, %add3A_404 : i32
          %lt3A_406 = arith.constant 40 : i32
          %lt3A_407 = arith.cmpi slt, %add3A_405, %lt3A_406 : i32
          %convert_element_type3A_408 = arith.extui %lt3A_407 : i1 to i32
          %cond3A_409 = arith.constant 0 : i32
          %cond3A_410 = arith.cmpi ne, %convert_element_type3A_408, %cond3A_409 : i32
          scf.if %cond3A_410 {
            %add3A_539 = arith.constant 4 : i32
            %add3A_540 = arith.addi %add3A_380, %add3A_539 : i32
            %dma_start3A_541 = arith.constant 0 : i32
            %dma_start3A_542 = tpu.memref_slice %arg9[%add3A_540, %dma_start3A_541] : memref<40x128xi32, #tpu.memory_space<vmem>> -> memref<1x128xi32, #tpu.memory_space<vmem>>
            %dma_start3A_543 = tpu.memref_squeeze %dma_start3A_542 : memref<1x128xi32, #tpu.memory_space<vmem>> -> memref<128xi32, #tpu.memory_space<vmem>>
            %dma_start3A_544 = arith.constant 0 : i32
            %dma_start3A_545 = arith.constant 0 : i32
            %dma_start3A_546 = tpu.memref_slice %arg2[%dma_start3A_544, %dma_start3A_545] : memref<10000x64xf32, #tpu.memory_space<hbm>> -> memref<10000x64xf32, #tpu.memory_space<hbm>>
            tpu.enqueue_indirect_dma source(%dma_start3A_546 : memref<10000x64xf32, #tpu.memory_space<hbm>>) target(%arg18 : memref<128x64xf32, #tpu.memory_space<vmem>>) offsets(%dma_start3A_543 : memref<128xi32, #tpu.memory_space<vmem>>) semaphore(%arg29 : memref<!tpu.dma_semaphore, #tpu.memory_space<semaphore_mem>>)
          } else {
          }
          %add3A_411 = arith.constant 4 : i32
          %add3A_412 = arith.addi %add3A_284, %add3A_411 : i32
          %dma_wait3A_413 = arith.constant 0 : i32
          %dma_wait3A_414 = tpu.memref_slice %arg9[%add3A_412, %dma_wait3A_413] : memref<40x128xi32, #tpu.memory_space<vmem>> -> memref<1x128xi32, #tpu.memory_space<vmem>>
          %dma_wait3A_415 = tpu.memref_squeeze %dma_wait3A_414 : memref<1x128xi32, #tpu.memory_space<vmem>> -> memref<128xi32, #tpu.memory_space<vmem>>
          %dma_wait3A_416 = arith.constant 0 : i32
          %dma_wait3A_417 = arith.constant 0 : i32
          %dma_wait3A_418 = tpu.memref_slice %arg2[%dma_wait3A_416, %dma_wait3A_417] : memref<10000x64xf32, #tpu.memory_space<hbm>> -> memref<10000x64xf32, #tpu.memory_space<hbm>>
          tpu.wait_indirect_dma semaphore(%arg26 : memref<!tpu.dma_semaphore, #tpu.memory_space<semaphore_mem>>) src(%dma_wait3A_418 : memref<10000x64xf32, #tpu.memory_space<hbm>>) dst(%arg15 : memref<128x64xf32, #tpu.memory_space<vmem>>)
          %dma_start3A_419 = arith.constant 0 : i32
          %dma_start3A_420 = tpu.memref_slice %arg10[%add3A_412, %dma_start3A_419] : memref<40x128xi32, #tpu.memory_space<vmem>> -> memref<1x128xi32, #tpu.memory_space<vmem>>
          %dma_start3A_421 = tpu.memref_squeeze %dma_start3A_420 : memref<1x128xi32, #tpu.memory_space<vmem>> -> memref<128xi32, #tpu.memory_space<vmem>>
          %dma_start3A_422 = arith.constant 0 : i32
          %dma_start3A_423 = arith.constant 0 : i32
          %dma_start3A_424 = tpu.memref_slice %arg20[%dma_start3A_422, %dma_start3A_423] : memref<10240x64xf32, #tpu.memory_space<vmem_shared>> -> memref<10240x64xf32, #tpu.memory_space<vmem_shared>>
          tpu.enqueue_indirect_dma source(%arg15 : memref<128x64xf32, #tpu.memory_space<vmem>>) target(%dma_start3A_424 : memref<10240x64xf32, #tpu.memory_space<vmem_shared>>) offsets(%dma_start3A_421 : memref<128xi32, #tpu.memory_space<vmem>>) semaphore(%arg34 : memref<!tpu.dma_semaphore, #tpu.memory_space<semaphore_mem>>) {add = true}
          %dma_start3A_425 = arith.constant 0 : i32
          %dma_start3A_426 = tpu.memref_slice %arg10[%add3A_412, %dma_start3A_425] : memref<40x128xi32, #tpu.memory_space<vmem>> -> memref<1x128xi32, #tpu.memory_space<vmem>>
          %dma_start3A_427 = tpu.memref_squeeze %dma_start3A_426 : memref<1x128xi32, #tpu.memory_space<vmem>> -> memref<128xi32, #tpu.memory_space<vmem>>
          %dma_start3A_428 = arith.constant 0 : i32
          %dma_start3A_429 = arith.constant 0 : i32
          %dma_start3A_430 = tpu.memref_slice %arg21[%dma_start3A_428, %dma_start3A_429] : memref<10240x16xf32, #tpu.memory_space<vmem_shared>> -> memref<10240x16xf32, #tpu.memory_space<vmem_shared>>
          tpu.enqueue_indirect_dma source(%arg19 : memref<128x16xf32, #tpu.memory_space<vmem>>) target(%dma_start3A_430 : memref<10240x16xf32, #tpu.memory_space<vmem_shared>>) offsets(%dma_start3A_427 : memref<128xi32, #tpu.memory_space<vmem>>) semaphore(%arg38 : memref<!tpu.dma_semaphore, #tpu.memory_space<semaphore_mem>>) {add = true}
          %ge3A_431 = arith.constant 4 : i32
          %ge3A_432 = arith.cmpi sge, %add3A_412, %ge3A_431 : i32
          %convert_element_type3A_433 = arith.extui %ge3A_432 : i1 to i32
          %cond3A_434 = arith.constant 0 : i32
          %cond3A_435 = arith.cmpi ne, %convert_element_type3A_433, %cond3A_434 : i32
          scf.if %cond3A_435 {
            %sub3A = arith.constant 4 : i32
            %sub3A_539 = arith.subi %add3A_412, %sub3A : i32
            %dma_wait3A_540 = arith.constant 0 : i32
            %dma_wait3A_541 = tpu.memref_slice %arg10[%sub3A_539, %dma_wait3A_540] : memref<40x128xi32, #tpu.memory_space<vmem>> -> memref<1x128xi32, #tpu.memory_space<vmem>>
            %dma_wait3A_542 = tpu.memref_squeeze %dma_wait3A_541 : memref<1x128xi32, #tpu.memory_space<vmem>> -> memref<128xi32, #tpu.memory_space<vmem>>
            %dma_wait3A_543 = arith.constant 0 : i32
            %dma_wait3A_544 = arith.constant 0 : i32
            %dma_wait3A_545 = tpu.memref_slice %arg20[%dma_wait3A_543, %dma_wait3A_544] : memref<10240x64xf32, #tpu.memory_space<vmem_shared>> -> memref<10240x64xf32, #tpu.memory_space<vmem_shared>>
            tpu.wait_indirect_dma semaphore(%arg30 : memref<!tpu.dma_semaphore, #tpu.memory_space<semaphore_mem>>) src(%arg11 : memref<128x64xf32, #tpu.memory_space<vmem>>) dst(%dma_wait3A_545 : memref<10240x64xf32, #tpu.memory_space<vmem_shared>>)
            %dma_wait3A_546 = arith.constant 0 : i32
            %dma_wait3A_547 = tpu.memref_slice %arg10[%sub3A_539, %dma_wait3A_546] : memref<40x128xi32, #tpu.memory_space<vmem>> -> memref<1x128xi32, #tpu.memory_space<vmem>>
            %dma_wait3A_548 = tpu.memref_squeeze %dma_wait3A_547 : memref<1x128xi32, #tpu.memory_space<vmem>> -> memref<128xi32, #tpu.memory_space<vmem>>
            %dma_wait3A_549 = arith.constant 0 : i32
            %dma_wait3A_550 = arith.constant 0 : i32
            %dma_wait3A_551 = tpu.memref_slice %arg21[%dma_wait3A_549, %dma_wait3A_550] : memref<10240x16xf32, #tpu.memory_space<vmem_shared>> -> memref<10240x16xf32, #tpu.memory_space<vmem_shared>>
            tpu.wait_indirect_dma semaphore(%arg38 : memref<!tpu.dma_semaphore, #tpu.memory_space<semaphore_mem>>) src(%arg19 : memref<128x16xf32, #tpu.memory_space<vmem>>) dst(%dma_wait3A_551 : memref<10240x16xf32, #tpu.memory_space<vmem_shared>>)
          } else {
          }
          %add3A_436 = arith.constant 4 : i32
          %add3A_437 = arith.addi %add3A_412, %add3A_436 : i32
          %lt3A_438 = arith.constant 40 : i32
          %lt3A_439 = arith.cmpi slt, %add3A_437, %lt3A_438 : i32
          %convert_element_type3A_440 = arith.extui %lt3A_439 : i1 to i32
          %cond3A_441 = arith.constant 0 : i32
          %cond3A_442 = arith.cmpi ne, %convert_element_type3A_440, %cond3A_441 : i32
          scf.if %cond3A_442 {
            %add3A_539 = arith.constant 4 : i32
            %add3A_540 = arith.addi %add3A_412, %add3A_539 : i32
            %dma_start3A_541 = arith.constant 0 : i32
            %dma_start3A_542 = tpu.memref_slice %arg9[%add3A_540, %dma_start3A_541] : memref<40x128xi32, #tpu.memory_space<vmem>> -> memref<1x128xi32, #tpu.memory_space<vmem>>
            %dma_start3A_543 = tpu.memref_squeeze %dma_start3A_542 : memref<1x128xi32, #tpu.memory_space<vmem>> -> memref<128xi32, #tpu.memory_space<vmem>>
            %dma_start3A_544 = arith.constant 0 : i32
            %dma_start3A_545 = arith.constant 0 : i32
            %dma_start3A_546 = tpu.memref_slice %arg2[%dma_start3A_544, %dma_start3A_545] : memref<10000x64xf32, #tpu.memory_space<hbm>> -> memref<10000x64xf32, #tpu.memory_space<hbm>>
            tpu.enqueue_indirect_dma source(%dma_start3A_546 : memref<10000x64xf32, #tpu.memory_space<hbm>>) target(%arg11 : memref<128x64xf32, #tpu.memory_space<vmem>>) offsets(%dma_start3A_543 : memref<128xi32, #tpu.memory_space<vmem>>) semaphore(%arg22 : memref<!tpu.dma_semaphore, #tpu.memory_space<semaphore_mem>>)
          } else {
          }
          %add3A_443 = arith.constant 5 : i32
          %add3A_444 = arith.addi %add3A_284, %add3A_443 : i32
          %dma_wait3A_445 = arith.constant 0 : i32
          %dma_wait3A_446 = tpu.memref_slice %arg9[%add3A_444, %dma_wait3A_445] : memref<40x128xi32, #tpu.memory_space<vmem>> -> memref<1x128xi32, #tpu.memory_space<vmem>>
          %dma_wait3A_447 = tpu.memref_squeeze %dma_wait3A_446 : memref<1x128xi32, #tpu.memory_space<vmem>> -> memref<128xi32, #tpu.memory_space<vmem>>
          %dma_wait3A_448 = arith.constant 0 : i32
          %dma_wait3A_449 = arith.constant 0 : i32
          %dma_wait3A_450 = tpu.memref_slice %arg2[%dma_wait3A_448, %dma_wait3A_449] : memref<10000x64xf32, #tpu.memory_space<hbm>> -> memref<10000x64xf32, #tpu.memory_space<hbm>>
          tpu.wait_indirect_dma semaphore(%arg27 : memref<!tpu.dma_semaphore, #tpu.memory_space<semaphore_mem>>) src(%dma_wait3A_450 : memref<10000x64xf32, #tpu.memory_space<hbm>>) dst(%arg16 : memref<128x64xf32, #tpu.memory_space<vmem>>)
          %dma_start3A_451 = arith.constant 0 : i32
          %dma_start3A_452 = tpu.memref_slice %arg10[%add3A_444, %dma_start3A_451] : memref<40x128xi32, #tpu.memory_space<vmem>> -> memref<1x128xi32, #tpu.memory_space<vmem>>
          %dma_start3A_453 = tpu.memref_squeeze %dma_start3A_452 : memref<1x128xi32, #tpu.memory_space<vmem>> -> memref<128xi32, #tpu.memory_space<vmem>>
          %dma_start3A_454 = arith.constant 0 : i32
          %dma_start3A_455 = arith.constant 0 : i32
          %dma_start3A_456 = tpu.memref_slice %arg20[%dma_start3A_454, %dma_start3A_455] : memref<10240x64xf32, #tpu.memory_space<vmem_shared>> -> memref<10240x64xf32, #tpu.memory_space<vmem_shared>>
          tpu.enqueue_indirect_dma source(%arg16 : memref<128x64xf32, #tpu.memory_space<vmem>>) target(%dma_start3A_456 : memref<10240x64xf32, #tpu.memory_space<vmem_shared>>) offsets(%dma_start3A_453 : memref<128xi32, #tpu.memory_space<vmem>>) semaphore(%arg35 : memref<!tpu.dma_semaphore, #tpu.memory_space<semaphore_mem>>) {add = true}
          %dma_start3A_457 = arith.constant 0 : i32
          %dma_start3A_458 = tpu.memref_slice %arg10[%add3A_444, %dma_start3A_457] : memref<40x128xi32, #tpu.memory_space<vmem>> -> memref<1x128xi32, #tpu.memory_space<vmem>>
          %dma_start3A_459 = tpu.memref_squeeze %dma_start3A_458 : memref<1x128xi32, #tpu.memory_space<vmem>> -> memref<128xi32, #tpu.memory_space<vmem>>
          %dma_start3A_460 = arith.constant 0 : i32
          %dma_start3A_461 = arith.constant 0 : i32
          %dma_start3A_462 = tpu.memref_slice %arg21[%dma_start3A_460, %dma_start3A_461] : memref<10240x16xf32, #tpu.memory_space<vmem_shared>> -> memref<10240x16xf32, #tpu.memory_space<vmem_shared>>
          tpu.enqueue_indirect_dma source(%arg19 : memref<128x16xf32, #tpu.memory_space<vmem>>) target(%dma_start3A_462 : memref<10240x16xf32, #tpu.memory_space<vmem_shared>>) offsets(%dma_start3A_459 : memref<128xi32, #tpu.memory_space<vmem>>) semaphore(%arg38 : memref<!tpu.dma_semaphore, #tpu.memory_space<semaphore_mem>>) {add = true}
          %ge3A_463 = arith.constant 4 : i32
          %ge3A_464 = arith.cmpi sge, %add3A_444, %ge3A_463 : i32
          %convert_element_type3A_465 = arith.extui %ge3A_464 : i1 to i32
          %cond3A_466 = arith.constant 0 : i32
          %cond3A_467 = arith.cmpi ne, %convert_element_type3A_465, %cond3A_466 : i32
          scf.if %cond3A_467 {
            %sub3A = arith.constant 4 : i32
            %sub3A_539 = arith.subi %add3A_444, %sub3A : i32
            %dma_wait3A_540 = arith.constant 0 : i32
            %dma_wait3A_541 = tpu.memref_slice %arg10[%sub3A_539, %dma_wait3A_540] : memref<40x128xi32, #tpu.memory_space<vmem>> -> memref<1x128xi32, #tpu.memory_space<vmem>>
            %dma_wait3A_542 = tpu.memref_squeeze %dma_wait3A_541 : memref<1x128xi32, #tpu.memory_space<vmem>> -> memref<128xi32, #tpu.memory_space<vmem>>
            %dma_wait3A_543 = arith.constant 0 : i32
            %dma_wait3A_544 = arith.constant 0 : i32
            %dma_wait3A_545 = tpu.memref_slice %arg20[%dma_wait3A_543, %dma_wait3A_544] : memref<10240x64xf32, #tpu.memory_space<vmem_shared>> -> memref<10240x64xf32, #tpu.memory_space<vmem_shared>>
            tpu.wait_indirect_dma semaphore(%arg31 : memref<!tpu.dma_semaphore, #tpu.memory_space<semaphore_mem>>) src(%arg12 : memref<128x64xf32, #tpu.memory_space<vmem>>) dst(%dma_wait3A_545 : memref<10240x64xf32, #tpu.memory_space<vmem_shared>>)
            %dma_wait3A_546 = arith.constant 0 : i32
            %dma_wait3A_547 = tpu.memref_slice %arg10[%sub3A_539, %dma_wait3A_546] : memref<40x128xi32, #tpu.memory_space<vmem>> -> memref<1x128xi32, #tpu.memory_space<vmem>>
            %dma_wait3A_548 = tpu.memref_squeeze %dma_wait3A_547 : memref<1x128xi32, #tpu.memory_space<vmem>> -> memref<128xi32, #tpu.memory_space<vmem>>
            %dma_wait3A_549 = arith.constant 0 : i32
            %dma_wait3A_550 = arith.constant 0 : i32
            %dma_wait3A_551 = tpu.memref_slice %arg21[%dma_wait3A_549, %dma_wait3A_550] : memref<10240x16xf32, #tpu.memory_space<vmem_shared>> -> memref<10240x16xf32, #tpu.memory_space<vmem_shared>>
            tpu.wait_indirect_dma semaphore(%arg38 : memref<!tpu.dma_semaphore, #tpu.memory_space<semaphore_mem>>) src(%arg19 : memref<128x16xf32, #tpu.memory_space<vmem>>) dst(%dma_wait3A_551 : memref<10240x16xf32, #tpu.memory_space<vmem_shared>>)
          } else {
          }
          %add3A_468 = arith.constant 4 : i32
          %add3A_469 = arith.addi %add3A_444, %add3A_468 : i32
          %lt3A_470 = arith.constant 40 : i32
          %lt3A_471 = arith.cmpi slt, %add3A_469, %lt3A_470 : i32
          %convert_element_type3A_472 = arith.extui %lt3A_471 : i1 to i32
          %cond3A_473 = arith.constant 0 : i32
          %cond3A_474 = arith.cmpi ne, %convert_element_type3A_472, %cond3A_473 : i32
          scf.if %cond3A_474 {
            %add3A_539 = arith.constant 4 : i32
            %add3A_540 = arith.addi %add3A_444, %add3A_539 : i32
            %dma_start3A_541 = arith.constant 0 : i32
            %dma_start3A_542 = tpu.memref_slice %arg9[%add3A_540, %dma_start3A_541] : memref<40x128xi32, #tpu.memory_space<vmem>> -> memref<1x128xi32, #tpu.memory_space<vmem>>
            %dma_start3A_543 = tpu.memref_squeeze %dma_start3A_542 : memref<1x128xi32, #tpu.memory_space<vmem>> -> memref<128xi32, #tpu.memory_space<vmem>>
            %dma_start3A_544 = arith.constant 0 : i32
            %dma_start3A_545 = arith.constant 0 : i32
            %dma_start3A_546 = tpu.memref_slice %arg2[%dma_start3A_544, %dma_start3A_545] : memref<10000x64xf32, #tpu.memory_space<hbm>> -> memref<10000x64xf32, #tpu.memory_space<hbm>>
            tpu.enqueue_indirect_dma source(%dma_start3A_546 : memref<10000x64xf32, #tpu.memory_space<hbm>>) target(%arg12 : memref<128x64xf32, #tpu.memory_space<vmem>>) offsets(%dma_start3A_543 : memref<128xi32, #tpu.memory_space<vmem>>) semaphore(%arg23 : memref<!tpu.dma_semaphore, #tpu.memory_space<semaphore_mem>>)
          } else {
          }
          %add3A_475 = arith.constant 6 : i32
          %add3A_476 = arith.addi %add3A_284, %add3A_475 : i32
          %dma_wait3A_477 = arith.constant 0 : i32
          %dma_wait3A_478 = tpu.memref_slice %arg9[%add3A_476, %dma_wait3A_477] : memref<40x128xi32, #tpu.memory_space<vmem>> -> memref<1x128xi32, #tpu.memory_space<vmem>>
          %dma_wait3A_479 = tpu.memref_squeeze %dma_wait3A_478 : memref<1x128xi32, #tpu.memory_space<vmem>> -> memref<128xi32, #tpu.memory_space<vmem>>
          %dma_wait3A_480 = arith.constant 0 : i32
          %dma_wait3A_481 = arith.constant 0 : i32
          %dma_wait3A_482 = tpu.memref_slice %arg2[%dma_wait3A_480, %dma_wait3A_481] : memref<10000x64xf32, #tpu.memory_space<hbm>> -> memref<10000x64xf32, #tpu.memory_space<hbm>>
          tpu.wait_indirect_dma semaphore(%arg28 : memref<!tpu.dma_semaphore, #tpu.memory_space<semaphore_mem>>) src(%dma_wait3A_482 : memref<10000x64xf32, #tpu.memory_space<hbm>>) dst(%arg17 : memref<128x64xf32, #tpu.memory_space<vmem>>)
          %dma_start3A_483 = arith.constant 0 : i32
          %dma_start3A_484 = tpu.memref_slice %arg10[%add3A_476, %dma_start3A_483] : memref<40x128xi32, #tpu.memory_space<vmem>> -> memref<1x128xi32, #tpu.memory_space<vmem>>
          %dma_start3A_485 = tpu.memref_squeeze %dma_start3A_484 : memref<1x128xi32, #tpu.memory_space<vmem>> -> memref<128xi32, #tpu.memory_space<vmem>>
          %dma_start3A_486 = arith.constant 0 : i32
          %dma_start3A_487 = arith.constant 0 : i32
          %dma_start3A_488 = tpu.memref_slice %arg20[%dma_start3A_486, %dma_start3A_487] : memref<10240x64xf32, #tpu.memory_space<vmem_shared>> -> memref<10240x64xf32, #tpu.memory_space<vmem_shared>>
          tpu.enqueue_indirect_dma source(%arg17 : memref<128x64xf32, #tpu.memory_space<vmem>>) target(%dma_start3A_488 : memref<10240x64xf32, #tpu.memory_space<vmem_shared>>) offsets(%dma_start3A_485 : memref<128xi32, #tpu.memory_space<vmem>>) semaphore(%arg36 : memref<!tpu.dma_semaphore, #tpu.memory_space<semaphore_mem>>) {add = true}
          %dma_start3A_489 = arith.constant 0 : i32
          %dma_start3A_490 = tpu.memref_slice %arg10[%add3A_476, %dma_start3A_489] : memref<40x128xi32, #tpu.memory_space<vmem>> -> memref<1x128xi32, #tpu.memory_space<vmem>>
          %dma_start3A_491 = tpu.memref_squeeze %dma_start3A_490 : memref<1x128xi32, #tpu.memory_space<vmem>> -> memref<128xi32, #tpu.memory_space<vmem>>
          %dma_start3A_492 = arith.constant 0 : i32
          %dma_start3A_493 = arith.constant 0 : i32
          %dma_start3A_494 = tpu.memref_slice %arg21[%dma_start3A_492, %dma_start3A_493] : memref<10240x16xf32, #tpu.memory_space<vmem_shared>> -> memref<10240x16xf32, #tpu.memory_space<vmem_shared>>
          tpu.enqueue_indirect_dma source(%arg19 : memref<128x16xf32, #tpu.memory_space<vmem>>) target(%dma_start3A_494 : memref<10240x16xf32, #tpu.memory_space<vmem_shared>>) offsets(%dma_start3A_491 : memref<128xi32, #tpu.memory_space<vmem>>) semaphore(%arg38 : memref<!tpu.dma_semaphore, #tpu.memory_space<semaphore_mem>>) {add = true}
          %ge3A_495 = arith.constant 4 : i32
          %ge3A_496 = arith.cmpi sge, %add3A_476, %ge3A_495 : i32
          %convert_element_type3A_497 = arith.extui %ge3A_496 : i1 to i32
          %cond3A_498 = arith.constant 0 : i32
          %cond3A_499 = arith.cmpi ne, %convert_element_type3A_497, %cond3A_498 : i32
          scf.if %cond3A_499 {
            %sub3A = arith.constant 4 : i32
            %sub3A_539 = arith.subi %add3A_476, %sub3A : i32
            %dma_wait3A_540 = arith.constant 0 : i32
            %dma_wait3A_541 = tpu.memref_slice %arg10[%sub3A_539, %dma_wait3A_540] : memref<40x128xi32, #tpu.memory_space<vmem>> -> memref<1x128xi32, #tpu.memory_space<vmem>>
            %dma_wait3A_542 = tpu.memref_squeeze %dma_wait3A_541 : memref<1x128xi32, #tpu.memory_space<vmem>> -> memref<128xi32, #tpu.memory_space<vmem>>
            %dma_wait3A_543 = arith.constant 0 : i32
            %dma_wait3A_544 = arith.constant 0 : i32
            %dma_wait3A_545 = tpu.memref_slice %arg20[%dma_wait3A_543, %dma_wait3A_544] : memref<10240x64xf32, #tpu.memory_space<vmem_shared>> -> memref<10240x64xf32, #tpu.memory_space<vmem_shared>>
            tpu.wait_indirect_dma semaphore(%arg32 : memref<!tpu.dma_semaphore, #tpu.memory_space<semaphore_mem>>) src(%arg13 : memref<128x64xf32, #tpu.memory_space<vmem>>) dst(%dma_wait3A_545 : memref<10240x64xf32, #tpu.memory_space<vmem_shared>>)
            %dma_wait3A_546 = arith.constant 0 : i32
            %dma_wait3A_547 = tpu.memref_slice %arg10[%sub3A_539, %dma_wait3A_546] : memref<40x128xi32, #tpu.memory_space<vmem>> -> memref<1x128xi32, #tpu.memory_space<vmem>>
            %dma_wait3A_548 = tpu.memref_squeeze %dma_wait3A_547 : memref<1x128xi32, #tpu.memory_space<vmem>> -> memref<128xi32, #tpu.memory_space<vmem>>
            %dma_wait3A_549 = arith.constant 0 : i32
            %dma_wait3A_550 = arith.constant 0 : i32
            %dma_wait3A_551 = tpu.memref_slice %arg21[%dma_wait3A_549, %dma_wait3A_550] : memref<10240x16xf32, #tpu.memory_space<vmem_shared>> -> memref<10240x16xf32, #tpu.memory_space<vmem_shared>>
            tpu.wait_indirect_dma semaphore(%arg38 : memref<!tpu.dma_semaphore, #tpu.memory_space<semaphore_mem>>) src(%arg19 : memref<128x16xf32, #tpu.memory_space<vmem>>) dst(%dma_wait3A_551 : memref<10240x16xf32, #tpu.memory_space<vmem_shared>>)
          } else {
          }
          %add3A_500 = arith.constant 4 : i32
          %add3A_501 = arith.addi %add3A_476, %add3A_500 : i32
          %lt3A_502 = arith.constant 40 : i32
          %lt3A_503 = arith.cmpi slt, %add3A_501, %lt3A_502 : i32
          %convert_element_type3A_504 = arith.extui %lt3A_503 : i1 to i32
          %cond3A_505 = arith.constant 0 : i32
          %cond3A_506 = arith.cmpi ne, %convert_element_type3A_504, %cond3A_505 : i32
          scf.if %cond3A_506 {
            %add3A_539 = arith.constant 4 : i32
            %add3A_540 = arith.addi %add3A_476, %add3A_539 : i32
            %dma_start3A_541 = arith.constant 0 : i32
            %dma_start3A_542 = tpu.memref_slice %arg9[%add3A_540, %dma_start3A_541] : memref<40x128xi32, #tpu.memory_space<vmem>> -> memref<1x128xi32, #tpu.memory_space<vmem>>
            %dma_start3A_543 = tpu.memref_squeeze %dma_start3A_542 : memref<1x128xi32, #tpu.memory_space<vmem>> -> memref<128xi32, #tpu.memory_space<vmem>>
            %dma_start3A_544 = arith.constant 0 : i32
            %dma_start3A_545 = arith.constant 0 : i32
            %dma_start3A_546 = tpu.memref_slice %arg2[%dma_start3A_544, %dma_start3A_545] : memref<10000x64xf32, #tpu.memory_space<hbm>> -> memref<10000x64xf32, #tpu.memory_space<hbm>>
            tpu.enqueue_indirect_dma source(%dma_start3A_546 : memref<10000x64xf32, #tpu.memory_space<hbm>>) target(%arg13 : memref<128x64xf32, #tpu.memory_space<vmem>>) offsets(%dma_start3A_543 : memref<128xi32, #tpu.memory_space<vmem>>) semaphore(%arg24 : memref<!tpu.dma_semaphore, #tpu.memory_space<semaphore_mem>>)
          } else {
          }
          %add3A_507 = arith.constant 7 : i32
          %add3A_508 = arith.addi %add3A_284, %add3A_507 : i32
          %dma_wait3A_509 = arith.constant 0 : i32
          %dma_wait3A_510 = tpu.memref_slice %arg9[%add3A_508, %dma_wait3A_509] : memref<40x128xi32, #tpu.memory_space<vmem>> -> memref<1x128xi32, #tpu.memory_space<vmem>>
          %dma_wait3A_511 = tpu.memref_squeeze %dma_wait3A_510 : memref<1x128xi32, #tpu.memory_space<vmem>> -> memref<128xi32, #tpu.memory_space<vmem>>
          %dma_wait3A_512 = arith.constant 0 : i32
          %dma_wait3A_513 = arith.constant 0 : i32
          %dma_wait3A_514 = tpu.memref_slice %arg2[%dma_wait3A_512, %dma_wait3A_513] : memref<10000x64xf32, #tpu.memory_space<hbm>> -> memref<10000x64xf32, #tpu.memory_space<hbm>>
          tpu.wait_indirect_dma semaphore(%arg29 : memref<!tpu.dma_semaphore, #tpu.memory_space<semaphore_mem>>) src(%dma_wait3A_514 : memref<10000x64xf32, #tpu.memory_space<hbm>>) dst(%arg18 : memref<128x64xf32, #tpu.memory_space<vmem>>)
          %dma_start3A_515 = arith.constant 0 : i32
          %dma_start3A_516 = tpu.memref_slice %arg10[%add3A_508, %dma_start3A_515] : memref<40x128xi32, #tpu.memory_space<vmem>> -> memref<1x128xi32, #tpu.memory_space<vmem>>
          %dma_start3A_517 = tpu.memref_squeeze %dma_start3A_516 : memref<1x128xi32, #tpu.memory_space<vmem>> -> memref<128xi32, #tpu.memory_space<vmem>>
          %dma_start3A_518 = arith.constant 0 : i32
          %dma_start3A_519 = arith.constant 0 : i32
          %dma_start3A_520 = tpu.memref_slice %arg20[%dma_start3A_518, %dma_start3A_519] : memref<10240x64xf32, #tpu.memory_space<vmem_shared>> -> memref<10240x64xf32, #tpu.memory_space<vmem_shared>>
          tpu.enqueue_indirect_dma source(%arg18 : memref<128x64xf32, #tpu.memory_space<vmem>>) target(%dma_start3A_520 : memref<10240x64xf32, #tpu.memory_space<vmem_shared>>) offsets(%dma_start3A_517 : memref<128xi32, #tpu.memory_space<vmem>>) semaphore(%arg37 : memref<!tpu.dma_semaphore, #tpu.memory_space<semaphore_mem>>) {add = true}
          %dma_start3A_521 = arith.constant 0 : i32
          %dma_start3A_522 = tpu.memref_slice %arg10[%add3A_508, %dma_start3A_521] : memref<40x128xi32, #tpu.memory_space<vmem>> -> memref<1x128xi32, #tpu.memory_space<vmem>>
          %dma_start3A_523 = tpu.memref_squeeze %dma_start3A_522 : memref<1x128xi32, #tpu.memory_space<vmem>> -> memref<128xi32, #tpu.memory_space<vmem>>
          %dma_start3A_524 = arith.constant 0 : i32
          %dma_start3A_525 = arith.constant 0 : i32
          %dma_start3A_526 = tpu.memref_slice %arg21[%dma_start3A_524, %dma_start3A_525] : memref<10240x16xf32, #tpu.memory_space<vmem_shared>> -> memref<10240x16xf32, #tpu.memory_space<vmem_shared>>
          tpu.enqueue_indirect_dma source(%arg19 : memref<128x16xf32, #tpu.memory_space<vmem>>) target(%dma_start3A_526 : memref<10240x16xf32, #tpu.memory_space<vmem_shared>>) offsets(%dma_start3A_523 : memref<128xi32, #tpu.memory_space<vmem>>) semaphore(%arg38 : memref<!tpu.dma_semaphore, #tpu.memory_space<semaphore_mem>>) {add = true}
          %ge3A_527 = arith.constant 4 : i32
          %ge3A_528 = arith.cmpi sge, %add3A_508, %ge3A_527 : i32
          %convert_element_type3A_529 = arith.extui %ge3A_528 : i1 to i32
          %cond3A_530 = arith.constant 0 : i32
          %cond3A_531 = arith.cmpi ne, %convert_element_type3A_529, %cond3A_530 : i32
          scf.if %cond3A_531 {
            %sub3A = arith.constant 4 : i32
            %sub3A_539 = arith.subi %add3A_508, %sub3A : i32
            %dma_wait3A_540 = arith.constant 0 : i32
            %dma_wait3A_541 = tpu.memref_slice %arg10[%sub3A_539, %dma_wait3A_540] : memref<40x128xi32, #tpu.memory_space<vmem>> -> memref<1x128xi32, #tpu.memory_space<vmem>>
            %dma_wait3A_542 = tpu.memref_squeeze %dma_wait3A_541 : memref<1x128xi32, #tpu.memory_space<vmem>> -> memref<128xi32, #tpu.memory_space<vmem>>
            %dma_wait3A_543 = arith.constant 0 : i32
            %dma_wait3A_544 = arith.constant 0 : i32
            %dma_wait3A_545 = tpu.memref_slice %arg20[%dma_wait3A_543, %dma_wait3A_544] : memref<10240x64xf32, #tpu.memory_space<vmem_shared>> -> memref<10240x64xf32, #tpu.memory_space<vmem_shared>>
            tpu.wait_indirect_dma semaphore(%arg33 : memref<!tpu.dma_semaphore, #tpu.memory_space<semaphore_mem>>) src(%arg14 : memref<128x64xf32, #tpu.memory_space<vmem>>) dst(%dma_wait3A_545 : memref<10240x64xf32, #tpu.memory_space<vmem_shared>>)
            %dma_wait3A_546 = arith.constant 0 : i32
            %dma_wait3A_547 = tpu.memref_slice %arg10[%sub3A_539, %dma_wait3A_546] : memref<40x128xi32, #tpu.memory_space<vmem>> -> memref<1x128xi32, #tpu.memory_space<vmem>>
            %dma_wait3A_548 = tpu.memref_squeeze %dma_wait3A_547 : memref<1x128xi32, #tpu.memory_space<vmem>> -> memref<128xi32, #tpu.memory_space<vmem>>
            %dma_wait3A_549 = arith.constant 0 : i32
            %dma_wait3A_550 = arith.constant 0 : i32
            %dma_wait3A_551 = tpu.memref_slice %arg21[%dma_wait3A_549, %dma_wait3A_550] : memref<10240x16xf32, #tpu.memory_space<vmem_shared>> -> memref<10240x16xf32, #tpu.memory_space<vmem_shared>>
            tpu.wait_indirect_dma semaphore(%arg38 : memref<!tpu.dma_semaphore, #tpu.memory_space<semaphore_mem>>) src(%arg19 : memref<128x16xf32, #tpu.memory_space<vmem>>) dst(%dma_wait3A_551 : memref<10240x16xf32, #tpu.memory_space<vmem_shared>>)
          } else {
          }
          %add3A_532 = arith.constant 4 : i32
          %add3A_533 = arith.addi %add3A_508, %add3A_532 : i32
          %lt3A_534 = arith.constant 40 : i32
          %lt3A_535 = arith.cmpi slt, %add3A_533, %lt3A_534 : i32
          %convert_element_type3A_536 = arith.extui %lt3A_535 : i1 to i32
          %cond3A_537 = arith.constant 0 : i32
          %cond3A_538 = arith.cmpi ne, %convert_element_type3A_536, %cond3A_537 : i32
          scf.if %cond3A_538 {
            %add3A_539 = arith.constant 4 : i32
            %add3A_540 = arith.addi %add3A_508, %add3A_539 : i32
            %dma_start3A_541 = arith.constant 0 : i32
            %dma_start3A_542 = tpu.memref_slice %arg9[%add3A_540, %dma_start3A_541] : memref<40x128xi32, #tpu.memory_space<vmem>> -> memref<1x128xi32, #tpu.memory_space<vmem>>
            %dma_start3A_543 = tpu.memref_squeeze %dma_start3A_542 : memref<1x128xi32, #tpu.memory_space<vmem>> -> memref<128xi32, #tpu.memory_space<vmem>>
            %dma_start3A_544 = arith.constant 0 : i32
            %dma_start3A_545 = arith.constant 0 : i32
            %dma_start3A_546 = tpu.memref_slice %arg2[%dma_start3A_544, %dma_start3A_545] : memref<10000x64xf32, #tpu.memory_space<hbm>> -> memref<10000x64xf32, #tpu.memory_space<hbm>>
            tpu.enqueue_indirect_dma source(%dma_start3A_546 : memref<10000x64xf32, #tpu.memory_space<hbm>>) target(%arg14 : memref<128x64xf32, #tpu.memory_space<vmem>>) offsets(%dma_start3A_543 : memref<128xi32, #tpu.memory_space<vmem>>) semaphore(%arg25 : memref<!tpu.dma_semaphore, #tpu.memory_space<semaphore_mem>>)
          } else {
          }
        }
        %scan3A_224 = arith.constant 5 : i32
        %dma_wait3A = arith.constant 36 : i32
        %dma_wait3A_225 = arith.constant 0 : i32
        %dma_wait3A_226 = tpu.memref_slice %arg10[%dma_wait3A, %dma_wait3A_225] : memref<40x128xi32, #tpu.memory_space<vmem>> -> memref<1x128xi32, #tpu.memory_space<vmem>>
        %dma_wait3A_227 = tpu.memref_squeeze %dma_wait3A_226 : memref<1x128xi32, #tpu.memory_space<vmem>> -> memref<128xi32, #tpu.memory_space<vmem>>
        %dma_wait3A_228 = arith.constant 0 : i32
        %dma_wait3A_229 = arith.constant 0 : i32
        %dma_wait3A_230 = tpu.memref_slice %arg20[%dma_wait3A_228, %dma_wait3A_229] : memref<10240x64xf32, #tpu.memory_space<vmem_shared>> -> memref<10240x64xf32, #tpu.memory_space<vmem_shared>>
        tpu.wait_indirect_dma semaphore(%arg34 : memref<!tpu.dma_semaphore, #tpu.memory_space<semaphore_mem>>) src(%arg15 : memref<128x64xf32, #tpu.memory_space<vmem>>) dst(%dma_wait3A_230 : memref<10240x64xf32, #tpu.memory_space<vmem_shared>>)
        %dma_wait3A_231 = arith.constant 36 : i32
        %dma_wait3A_232 = arith.constant 0 : i32
        %dma_wait3A_233 = tpu.memref_slice %arg10[%dma_wait3A_231, %dma_wait3A_232] : memref<40x128xi32, #tpu.memory_space<vmem>> -> memref<1x128xi32, #tpu.memory_space<vmem>>
        %dma_wait3A_234 = tpu.memref_squeeze %dma_wait3A_233 : memref<1x128xi32, #tpu.memory_space<vmem>> -> memref<128xi32, #tpu.memory_space<vmem>>
        %dma_wait3A_235 = arith.constant 0 : i32
        %dma_wait3A_236 = arith.constant 0 : i32
        %dma_wait3A_237 = tpu.memref_slice %arg21[%dma_wait3A_235, %dma_wait3A_236] : memref<10240x16xf32, #tpu.memory_space<vmem_shared>> -> memref<10240x16xf32, #tpu.memory_space<vmem_shared>>
        tpu.wait_indirect_dma semaphore(%arg38 : memref<!tpu.dma_semaphore, #tpu.memory_space<semaphore_mem>>) src(%arg19 : memref<128x16xf32, #tpu.memory_space<vmem>>) dst(%dma_wait3A_237 : memref<10240x16xf32, #tpu.memory_space<vmem_shared>>)
        %dma_wait3A_238 = arith.constant 37 : i32
        %dma_wait3A_239 = arith.constant 0 : i32
        %dma_wait3A_240 = tpu.memref_slice %arg10[%dma_wait3A_238, %dma_wait3A_239] : memref<40x128xi32, #tpu.memory_space<vmem>> -> memref<1x128xi32, #tpu.memory_space<vmem>>
        %dma_wait3A_241 = tpu.memref_squeeze %dma_wait3A_240 : memref<1x128xi32, #tpu.memory_space<vmem>> -> memref<128xi32, #tpu.memory_space<vmem>>
        %dma_wait3A_242 = arith.constant 0 : i32
        %dma_wait3A_243 = arith.constant 0 : i32
        %dma_wait3A_244 = tpu.memref_slice %arg20[%dma_wait3A_242, %dma_wait3A_243] : memref<10240x64xf32, #tpu.memory_space<vmem_shared>> -> memref<10240x64xf32, #tpu.memory_space<vmem_shared>>
        tpu.wait_indirect_dma semaphore(%arg35 : memref<!tpu.dma_semaphore, #tpu.memory_space<semaphore_mem>>) src(%arg16 : memref<128x64xf32, #tpu.memory_space<vmem>>) dst(%dma_wait3A_244 : memref<10240x64xf32, #tpu.memory_space<vmem_shared>>)
        %dma_wait3A_245 = arith.constant 37 : i32
        %dma_wait3A_246 = arith.constant 0 : i32
        %dma_wait3A_247 = tpu.memref_slice %arg10[%dma_wait3A_245, %dma_wait3A_246] : memref<40x128xi32, #tpu.memory_space<vmem>> -> memref<1x128xi32, #tpu.memory_space<vmem>>
        %dma_wait3A_248 = tpu.memref_squeeze %dma_wait3A_247 : memref<1x128xi32, #tpu.memory_space<vmem>> -> memref<128xi32, #tpu.memory_space<vmem>>
        %dma_wait3A_249 = arith.constant 0 : i32
        %dma_wait3A_250 = arith.constant 0 : i32
        %dma_wait3A_251 = tpu.memref_slice %arg21[%dma_wait3A_249, %dma_wait3A_250] : memref<10240x16xf32, #tpu.memory_space<vmem_shared>> -> memref<10240x16xf32, #tpu.memory_space<vmem_shared>>
        tpu.wait_indirect_dma semaphore(%arg38 : memref<!tpu.dma_semaphore, #tpu.memory_space<semaphore_mem>>) src(%arg19 : memref<128x16xf32, #tpu.memory_space<vmem>>) dst(%dma_wait3A_251 : memref<10240x16xf32, #tpu.memory_space<vmem_shared>>)
        %dma_wait3A_252 = arith.constant 38 : i32
        %dma_wait3A_253 = arith.constant 0 : i32
        %dma_wait3A_254 = tpu.memref_slice %arg10[%dma_wait3A_252, %dma_wait3A_253] : memref<40x128xi32, #tpu.memory_space<vmem>> -> memref<1x128xi32, #tpu.memory_space<vmem>>
        %dma_wait3A_255 = tpu.memref_squeeze %dma_wait3A_254 : memref<1x128xi32, #tpu.memory_space<vmem>> -> memref<128xi32, #tpu.memory_space<vmem>>
        %dma_wait3A_256 = arith.constant 0 : i32
        %dma_wait3A_257 = arith.constant 0 : i32
        %dma_wait3A_258 = tpu.memref_slice %arg20[%dma_wait3A_256, %dma_wait3A_257] : memref<10240x64xf32, #tpu.memory_space<vmem_shared>> -> memref<10240x64xf32, #tpu.memory_space<vmem_shared>>
        tpu.wait_indirect_dma semaphore(%arg36 : memref<!tpu.dma_semaphore, #tpu.memory_space<semaphore_mem>>) src(%arg17 : memref<128x64xf32, #tpu.memory_space<vmem>>) dst(%dma_wait3A_258 : memref<10240x64xf32, #tpu.memory_space<vmem_shared>>)
        %dma_wait3A_259 = arith.constant 38 : i32
        %dma_wait3A_260 = arith.constant 0 : i32
        %dma_wait3A_261 = tpu.memref_slice %arg10[%dma_wait3A_259, %dma_wait3A_260] : memref<40x128xi32, #tpu.memory_space<vmem>> -> memref<1x128xi32, #tpu.memory_space<vmem>>
        %dma_wait3A_262 = tpu.memref_squeeze %dma_wait3A_261 : memref<1x128xi32, #tpu.memory_space<vmem>> -> memref<128xi32, #tpu.memory_space<vmem>>
        %dma_wait3A_263 = arith.constant 0 : i32
        %dma_wait3A_264 = arith.constant 0 : i32
        %dma_wait3A_265 = tpu.memref_slice %arg21[%dma_wait3A_263, %dma_wait3A_264] : memref<10240x16xf32, #tpu.memory_space<vmem_shared>> -> memref<10240x16xf32, #tpu.memory_space<vmem_shared>>
        tpu.wait_indirect_dma semaphore(%arg38 : memref<!tpu.dma_semaphore, #tpu.memory_space<semaphore_mem>>) src(%arg19 : memref<128x16xf32, #tpu.memory_space<vmem>>) dst(%dma_wait3A_265 : memref<10240x16xf32, #tpu.memory_space<vmem_shared>>)
        %dma_wait3A_266 = arith.constant 39 : i32
        %dma_wait3A_267 = arith.constant 0 : i32
        %dma_wait3A_268 = tpu.memref_slice %arg10[%dma_wait3A_266, %dma_wait3A_267] : memref<40x128xi32, #tpu.memory_space<vmem>> -> memref<1x128xi32, #tpu.memory_space<vmem>>
        %dma_wait3A_269 = tpu.memref_squeeze %dma_wait3A_268 : memref<1x128xi32, #tpu.memory_space<vmem>> -> memref<128xi32, #tpu.memory_space<vmem>>
        %dma_wait3A_270 = arith.constant 0 : i32
        %dma_wait3A_271 = arith.constant 0 : i32
        %dma_wait3A_272 = tpu.memref_slice %arg20[%dma_wait3A_270, %dma_wait3A_271] : memref<10240x64xf32, #tpu.memory_space<vmem_shared>> -> memref<10240x64xf32, #tpu.memory_space<vmem_shared>>
        tpu.wait_indirect_dma semaphore(%arg37 : memref<!tpu.dma_semaphore, #tpu.memory_space<semaphore_mem>>) src(%arg18 : memref<128x64xf32, #tpu.memory_space<vmem>>) dst(%dma_wait3A_272 : memref<10240x64xf32, #tpu.memory_space<vmem_shared>>)
        %dma_wait3A_273 = arith.constant 39 : i32
        %dma_wait3A_274 = arith.constant 0 : i32
        %dma_wait3A_275 = tpu.memref_slice %arg10[%dma_wait3A_273, %dma_wait3A_274] : memref<40x128xi32, #tpu.memory_space<vmem>> -> memref<1x128xi32, #tpu.memory_space<vmem>>
        %dma_wait3A_276 = tpu.memref_squeeze %dma_wait3A_275 : memref<1x128xi32, #tpu.memory_space<vmem>> -> memref<128xi32, #tpu.memory_space<vmem>>
        %dma_wait3A_277 = arith.constant 0 : i32
        %dma_wait3A_278 = arith.constant 0 : i32
        %dma_wait3A_279 = tpu.memref_slice %arg21[%dma_wait3A_277, %dma_wait3A_278] : memref<10240x16xf32, #tpu.memory_space<vmem_shared>> -> memref<10240x16xf32, #tpu.memory_space<vmem_shared>>
        tpu.wait_indirect_dma semaphore(%arg38 : memref<!tpu.dma_semaphore, #tpu.memory_space<semaphore_mem>>) src(%arg19 : memref<128x16xf32, #tpu.memory_space<vmem>>) dst(%dma_wait3A_279 : memref<10240x16xf32, #tpu.memory_space<vmem_shared>>)
      }
      %scan3A_177 = arith.constant 4 : i32
    } else {
    }
    %eq3A_24 = arith.constant 1 : i32
    %eq3A_25 = arith.cmpi eq, %arg0, %eq3A_24 : i32
    %convert_element_type3A_26 = arith.extui %eq3A_25 : i1 to i32
    %cond3A_27 = arith.constant 0 : i32
    %cond3A_28 = arith.cmpi ne, %convert_element_type3A_26, %cond3A_27 : i32
    scf.if %cond3A_28 {
      %scan3A_173 = arith.constant 0 : i32
      %scan3A_174 = arith.constant 4 : i32
      %scan3A_175 = arith.addi %scan3A_173, %scan3A_174 : i32
      %scan3A_176 = arith.constant 1 : i32
      scf.for %scan3A_178 = %scan3A_173 to %scan3A_175 step %scan3A_176  : i32 {
        %mul3A_179 = arith.constant 1 : i32
        %mul3A_180 = arith.muli %scan3A_178, %mul3A_179 : i32
        %add3A_181 = arith.constant 0 : i32
        %add3A_182 = arith.addi %add3A_181, %mul3A_180 : i32
        %mul3A_183 = arith.constant 160 : i32
        %mul3A_184 = arith.muli %arg1, %mul3A_183 : i32
        %mul3A_185 = arith.constant 40 : i32
        %mul3A_186 = arith.muli %add3A_182, %mul3A_185 : i32
        %add3A_187 = arith.addi %mul3A_184, %mul3A_186 : i32
        "tpu.region"() ({
          %run_scoped3A = tpu.sem_alloc : memref<!tpu.dma_semaphore, #tpu.memory_space<semaphore_mem>>
          %dma_start3A_252 = arith.constant 0 : i32
          %dma_start3A_253 = tpu.memref_slice %arg4[%add3A_187, %dma_start3A_252] : memref<2560x128xi32, #tpu.memory_space<hbm>> -> memref<40x128xi32, #tpu.memory_space<hbm>>
          %dma_start3A_254 = arith.constant 0 : i32
          %dma_start3A_255 = tpu.memref_slice %arg4[%add3A_187, %dma_start3A_254] : memref<2560x128xi32, #tpu.memory_space<hbm>> -> memref<40x128xi32, #tpu.memory_space<hbm>>
          tpu.enqueue_dma source(%dma_start3A_255 : memref<40x128xi32, #tpu.memory_space<hbm>>) target(%arg9 : memref<40x128xi32, #tpu.memory_space<vmem>>) target_semaphore(%run_scoped3A : memref<!tpu.dma_semaphore, #tpu.memory_space<semaphore_mem>>)
          %dma_wait3A_256 = arith.constant 0 : i32
          %dma_wait3A_257 = tpu.memref_slice %arg4[%add3A_187, %dma_wait3A_256] : memref<2560x128xi32, #tpu.memory_space<hbm>> -> memref<40x128xi32, #tpu.memory_space<hbm>>
          %dma_wait3A_258 = arith.constant 0 : i32
          %dma_wait3A_259 = tpu.memref_slice %arg4[%add3A_187, %dma_wait3A_258] : memref<2560x128xi32, #tpu.memory_space<hbm>> -> memref<40x128xi32, #tpu.memory_space<hbm>>
          tpu.wait_dma2 semaphore(%run_scoped3A : memref<!tpu.dma_semaphore, #tpu.memory_space<semaphore_mem>>) src(%dma_wait3A_259 : memref<40x128xi32, #tpu.memory_space<hbm>>) dst(%arg9 : memref<40x128xi32, #tpu.memory_space<vmem>>)
          tpu.yield
        }) : () -> ()
        %mul3A_188 = arith.constant 160 : i32
        %mul3A_189 = arith.muli %arg1, %mul3A_188 : i32
        %mul3A_190 = arith.constant 40 : i32
        %mul3A_191 = arith.muli %add3A_182, %mul3A_190 : i32
        %add3A_192 = arith.addi %mul3A_189, %mul3A_191 : i32
        "tpu.region"() ({
          %run_scoped3A = tpu.sem_alloc : memref<!tpu.dma_semaphore, #tpu.memory_space<semaphore_mem>>
          %dma_start3A_252 = arith.constant 0 : i32
          %dma_start3A_253 = tpu.memref_slice %arg5[%add3A_192, %dma_start3A_252] : memref<2560x128xi32, #tpu.memory_space<hbm>> -> memref<40x128xi32, #tpu.memory_space<hbm>>
          %dma_start3A_254 = arith.constant 0 : i32
          %dma_start3A_255 = tpu.memref_slice %arg5[%add3A_192, %dma_start3A_254] : memref<2560x128xi32, #tpu.memory_space<hbm>> -> memref<40x128xi32, #tpu.memory_space<hbm>>
          tpu.enqueue_dma source(%dma_start3A_255 : memref<40x128xi32, #tpu.memory_space<hbm>>) target(%arg10 : memref<40x128xi32, #tpu.memory_space<vmem>>) target_semaphore(%run_scoped3A : memref<!tpu.dma_semaphore, #tpu.memory_space<semaphore_mem>>)
          %dma_wait3A_256 = arith.constant 0 : i32
          %dma_wait3A_257 = tpu.memref_slice %arg5[%add3A_192, %dma_wait3A_256] : memref<2560x128xi32, #tpu.memory_space<hbm>> -> memref<40x128xi32, #tpu.memory_space<hbm>>
          %dma_wait3A_258 = arith.constant 0 : i32
          %dma_wait3A_259 = tpu.memref_slice %arg5[%add3A_192, %dma_wait3A_258] : memref<2560x128xi32, #tpu.memory_space<hbm>> -> memref<40x128xi32, #tpu.memory_space<hbm>>
          tpu.wait_dma2 semaphore(%run_scoped3A : memref<!tpu.dma_semaphore, #tpu.memory_space<semaphore_mem>>) src(%dma_wait3A_259 : memref<40x128xi32, #tpu.memory_space<hbm>>) dst(%arg10 : memref<40x128xi32, #tpu.memory_space<vmem>>)
          tpu.yield
        }) : () -> ()
        %dma_start3A = arith.constant 0 : i32
        %dma_start3A_193 = arith.constant 0 : i32
        %dma_start3A_194 = tpu.memref_slice %arg9[%dma_start3A, %dma_start3A_193] : memref<40x128xi32, #tpu.memory_space<vmem>> -> memref<1x128xi32, #tpu.memory_space<vmem>>
        %dma_start3A_195 = tpu.memref_squeeze %dma_start3A_194 : memref<1x128xi32, #tpu.memory_space<vmem>> -> memref<128xi32, #tpu.memory_space<vmem>>
        %dma_start3A_196 = arith.constant 0 : i32
        %dma_start3A_197 = arith.constant 0 : i32
        %dma_start3A_198 = tpu.memref_slice %arg3[%dma_start3A_196, %dma_start3A_197] : memref<10000x64xf32, #tpu.memory_space<hbm>> -> memref<10000x64xf32, #tpu.memory_space<hbm>>
        tpu.enqueue_indirect_dma source(%dma_start3A_198 : memref<10000x64xf32, #tpu.memory_space<hbm>>) target(%arg11 : memref<128x64xf32, #tpu.memory_space<vmem>>) offsets(%dma_start3A_195 : memref<128xi32, #tpu.memory_space<vmem>>) semaphore(%arg22 : memref<!tpu.dma_semaphore, #tpu.memory_space<semaphore_mem>>)
        %dma_start3A_199 = arith.constant 1 : i32
        %dma_start3A_200 = arith.constant 0 : i32
        %dma_start3A_201 = tpu.memref_slice %arg9[%dma_start3A_199, %dma_start3A_200] : memref<40x128xi32, #tpu.memory_space<vmem>> -> memref<1x128xi32, #tpu.memory_space<vmem>>
        %dma_start3A_202 = tpu.memref_squeeze %dma_start3A_201 : memref<1x128xi32, #tpu.memory_space<vmem>> -> memref<128xi32, #tpu.memory_space<vmem>>
        %dma_start3A_203 = arith.constant 0 : i32
        %dma_start3A_204 = arith.constant 0 : i32
        %dma_start3A_205 = tpu.memref_slice %arg3[%dma_start3A_203, %dma_start3A_204] : memref<10000x64xf32, #tpu.memory_space<hbm>> -> memref<10000x64xf32, #tpu.memory_space<hbm>>
        tpu.enqueue_indirect_dma source(%dma_start3A_205 : memref<10000x64xf32, #tpu.memory_space<hbm>>) target(%arg12 : memref<128x64xf32, #tpu.memory_space<vmem>>) offsets(%dma_start3A_202 : memref<128xi32, #tpu.memory_space<vmem>>) semaphore(%arg23 : memref<!tpu.dma_semaphore, #tpu.memory_space<semaphore_mem>>)
        %dma_start3A_206 = arith.constant 2 : i32
        %dma_start3A_207 = arith.constant 0 : i32
        %dma_start3A_208 = tpu.memref_slice %arg9[%dma_start3A_206, %dma_start3A_207] : memref<40x128xi32, #tpu.memory_space<vmem>> -> memref<1x128xi32, #tpu.memory_space<vmem>>
        %dma_start3A_209 = tpu.memref_squeeze %dma_start3A_208 : memref<1x128xi32, #tpu.memory_space<vmem>> -> memref<128xi32, #tpu.memory_space<vmem>>
        %dma_start3A_210 = arith.constant 0 : i32
        %dma_start3A_211 = arith.constant 0 : i32
        %dma_start3A_212 = tpu.memref_slice %arg3[%dma_start3A_210, %dma_start3A_211] : memref<10000x64xf32, #tpu.memory_space<hbm>> -> memref<10000x64xf32, #tpu.memory_space<hbm>>
        tpu.enqueue_indirect_dma source(%dma_start3A_212 : memref<10000x64xf32, #tpu.memory_space<hbm>>) target(%arg13 : memref<128x64xf32, #tpu.memory_space<vmem>>) offsets(%dma_start3A_209 : memref<128xi32, #tpu.memory_space<vmem>>) semaphore(%arg24 : memref<!tpu.dma_semaphore, #tpu.memory_space<semaphore_mem>>)
        %dma_start3A_213 = arith.constant 3 : i32
        %dma_start3A_214 = arith.constant 0 : i32
        %dma_start3A_215 = tpu.memref_slice %arg9[%dma_start3A_213, %dma_start3A_214] : memref<40x128xi32, #tpu.memory_space<vmem>> -> memref<1x128xi32, #tpu.memory_space<vmem>>
        %dma_start3A_216 = tpu.memref_squeeze %dma_start3A_215 : memref<1x128xi32, #tpu.memory_space<vmem>> -> memref<128xi32, #tpu.memory_space<vmem>>
        %dma_start3A_217 = arith.constant 0 : i32
        %dma_start3A_218 = arith.constant 0 : i32
        %dma_start3A_219 = tpu.memref_slice %arg3[%dma_start3A_217, %dma_start3A_218] : memref<10000x64xf32, #tpu.memory_space<hbm>> -> memref<10000x64xf32, #tpu.memory_space<hbm>>
        tpu.enqueue_indirect_dma source(%dma_start3A_219 : memref<10000x64xf32, #tpu.memory_space<hbm>>) target(%arg14 : memref<128x64xf32, #tpu.memory_space<vmem>>) offsets(%dma_start3A_216 : memref<128xi32, #tpu.memory_space<vmem>>) semaphore(%arg25 : memref<!tpu.dma_semaphore, #tpu.memory_space<semaphore_mem>>)
        %scan3A_220 = arith.constant 0 : i32
        %scan3A_221 = arith.constant 5 : i32
        %scan3A_222 = arith.addi %scan3A_220, %scan3A_221 : i32
        %scan3A_223 = arith.constant 1 : i32
        scf.for %scan3A_252 = %scan3A_220 to %scan3A_222 step %scan3A_223  : i32 {
          %mul3A_253 = arith.constant 8 : i32
          %mul3A_254 = arith.muli %scan3A_252, %mul3A_253 : i32
          %add3A_255 = arith.constant 0 : i32
          %add3A_256 = arith.addi %add3A_255, %mul3A_254 : i32
          %add3A_257 = arith.constant 0 : i32
          %add3A_258 = arith.addi %add3A_256, %add3A_257 : i32
          %dma_wait3A_259 = arith.constant 0 : i32
          %dma_wait3A_260 = tpu.memref_slice %arg9[%add3A_258, %dma_wait3A_259] : memref<40x128xi32, #tpu.memory_space<vmem>> -> memref<1x128xi32, #tpu.memory_space<vmem>>
          %dma_wait3A_261 = tpu.memref_squeeze %dma_wait3A_260 : memref<1x128xi32, #tpu.memory_space<vmem>> -> memref<128xi32, #tpu.memory_space<vmem>>
          %dma_wait3A_262 = arith.constant 0 : i32
          %dma_wait3A_263 = arith.constant 0 : i32
          %dma_wait3A_264 = tpu.memref_slice %arg3[%dma_wait3A_262, %dma_wait3A_263] : memref<10000x64xf32, #tpu.memory_space<hbm>> -> memref<10000x64xf32, #tpu.memory_space<hbm>>
          tpu.wait_indirect_dma semaphore(%arg22 : memref<!tpu.dma_semaphore, #tpu.memory_space<semaphore_mem>>) src(%dma_wait3A_264 : memref<10000x64xf32, #tpu.memory_space<hbm>>) dst(%arg11 : memref<128x64xf32, #tpu.memory_space<vmem>>)
          %dma_start3A_265 = arith.constant 0 : i32
          %dma_start3A_266 = tpu.memref_slice %arg10[%add3A_258, %dma_start3A_265] : memref<40x128xi32, #tpu.memory_space<vmem>> -> memref<1x128xi32, #tpu.memory_space<vmem>>
          %dma_start3A_267 = tpu.memref_squeeze %dma_start3A_266 : memref<1x128xi32, #tpu.memory_space<vmem>> -> memref<128xi32, #tpu.memory_space<vmem>>
          %dma_start3A_268 = arith.constant 0 : i32
          %dma_start3A_269 = arith.constant 0 : i32
          %dma_start3A_270 = tpu.memref_slice %arg20[%dma_start3A_268, %dma_start3A_269] : memref<10240x64xf32, #tpu.memory_space<vmem_shared>> -> memref<10240x64xf32, #tpu.memory_space<vmem_shared>>
          tpu.enqueue_indirect_dma source(%arg11 : memref<128x64xf32, #tpu.memory_space<vmem>>) target(%dma_start3A_270 : memref<10240x64xf32, #tpu.memory_space<vmem_shared>>) offsets(%dma_start3A_267 : memref<128xi32, #tpu.memory_space<vmem>>) semaphore(%arg30 : memref<!tpu.dma_semaphore, #tpu.memory_space<semaphore_mem>>) {add = true}
          %ge3A = arith.constant 4 : i32
          %ge3A_271 = arith.cmpi sge, %add3A_258, %ge3A : i32
          %convert_element_type3A_272 = arith.extui %ge3A_271 : i1 to i32
          %cond3A_273 = arith.constant 0 : i32
          %cond3A_274 = arith.cmpi ne, %convert_element_type3A_272, %cond3A_273 : i32
          scf.if %cond3A_274 {
            %sub3A = arith.constant 4 : i32
            %sub3A_463 = arith.subi %add3A_258, %sub3A : i32
            %dma_wait3A_464 = arith.constant 0 : i32
            %dma_wait3A_465 = tpu.memref_slice %arg10[%sub3A_463, %dma_wait3A_464] : memref<40x128xi32, #tpu.memory_space<vmem>> -> memref<1x128xi32, #tpu.memory_space<vmem>>
            %dma_wait3A_466 = tpu.memref_squeeze %dma_wait3A_465 : memref<1x128xi32, #tpu.memory_space<vmem>> -> memref<128xi32, #tpu.memory_space<vmem>>
            %dma_wait3A_467 = arith.constant 0 : i32
            %dma_wait3A_468 = arith.constant 0 : i32
            %dma_wait3A_469 = tpu.memref_slice %arg20[%dma_wait3A_467, %dma_wait3A_468] : memref<10240x64xf32, #tpu.memory_space<vmem_shared>> -> memref<10240x64xf32, #tpu.memory_space<vmem_shared>>
            tpu.wait_indirect_dma semaphore(%arg34 : memref<!tpu.dma_semaphore, #tpu.memory_space<semaphore_mem>>) src(%arg15 : memref<128x64xf32, #tpu.memory_space<vmem>>) dst(%dma_wait3A_469 : memref<10240x64xf32, #tpu.memory_space<vmem_shared>>)
          } else {
          }
          %add3A_275 = arith.constant 4 : i32
          %add3A_276 = arith.addi %add3A_258, %add3A_275 : i32
          %lt3A = arith.constant 40 : i32
          %lt3A_277 = arith.cmpi slt, %add3A_276, %lt3A : i32
          %convert_element_type3A_278 = arith.extui %lt3A_277 : i1 to i32
          %cond3A_279 = arith.constant 0 : i32
          %cond3A_280 = arith.cmpi ne, %convert_element_type3A_278, %cond3A_279 : i32
          scf.if %cond3A_280 {
            %add3A_463 = arith.constant 4 : i32
            %add3A_464 = arith.addi %add3A_258, %add3A_463 : i32
            %dma_start3A_465 = arith.constant 0 : i32
            %dma_start3A_466 = tpu.memref_slice %arg9[%add3A_464, %dma_start3A_465] : memref<40x128xi32, #tpu.memory_space<vmem>> -> memref<1x128xi32, #tpu.memory_space<vmem>>
            %dma_start3A_467 = tpu.memref_squeeze %dma_start3A_466 : memref<1x128xi32, #tpu.memory_space<vmem>> -> memref<128xi32, #tpu.memory_space<vmem>>
            %dma_start3A_468 = arith.constant 0 : i32
            %dma_start3A_469 = arith.constant 0 : i32
            %dma_start3A_470 = tpu.memref_slice %arg3[%dma_start3A_468, %dma_start3A_469] : memref<10000x64xf32, #tpu.memory_space<hbm>> -> memref<10000x64xf32, #tpu.memory_space<hbm>>
            tpu.enqueue_indirect_dma source(%dma_start3A_470 : memref<10000x64xf32, #tpu.memory_space<hbm>>) target(%arg15 : memref<128x64xf32, #tpu.memory_space<vmem>>) offsets(%dma_start3A_467 : memref<128xi32, #tpu.memory_space<vmem>>) semaphore(%arg26 : memref<!tpu.dma_semaphore, #tpu.memory_space<semaphore_mem>>)
          } else {
          }
          %add3A_281 = arith.constant 1 : i32
          %add3A_282 = arith.addi %add3A_256, %add3A_281 : i32
          %dma_wait3A_283 = arith.constant 0 : i32
          %dma_wait3A_284 = tpu.memref_slice %arg9[%add3A_282, %dma_wait3A_283] : memref<40x128xi32, #tpu.memory_space<vmem>> -> memref<1x128xi32, #tpu.memory_space<vmem>>
          %dma_wait3A_285 = tpu.memref_squeeze %dma_wait3A_284 : memref<1x128xi32, #tpu.memory_space<vmem>> -> memref<128xi32, #tpu.memory_space<vmem>>
          %dma_wait3A_286 = arith.constant 0 : i32
          %dma_wait3A_287 = arith.constant 0 : i32
          %dma_wait3A_288 = tpu.memref_slice %arg3[%dma_wait3A_286, %dma_wait3A_287] : memref<10000x64xf32, #tpu.memory_space<hbm>> -> memref<10000x64xf32, #tpu.memory_space<hbm>>
          tpu.wait_indirect_dma semaphore(%arg23 : memref<!tpu.dma_semaphore, #tpu.memory_space<semaphore_mem>>) src(%dma_wait3A_288 : memref<10000x64xf32, #tpu.memory_space<hbm>>) dst(%arg12 : memref<128x64xf32, #tpu.memory_space<vmem>>)
          %dma_start3A_289 = arith.constant 0 : i32
          %dma_start3A_290 = tpu.memref_slice %arg10[%add3A_282, %dma_start3A_289] : memref<40x128xi32, #tpu.memory_space<vmem>> -> memref<1x128xi32, #tpu.memory_space<vmem>>
          %dma_start3A_291 = tpu.memref_squeeze %dma_start3A_290 : memref<1x128xi32, #tpu.memory_space<vmem>> -> memref<128xi32, #tpu.memory_space<vmem>>
          %dma_start3A_292 = arith.constant 0 : i32
          %dma_start3A_293 = arith.constant 0 : i32
          %dma_start3A_294 = tpu.memref_slice %arg20[%dma_start3A_292, %dma_start3A_293] : memref<10240x64xf32, #tpu.memory_space<vmem_shared>> -> memref<10240x64xf32, #tpu.memory_space<vmem_shared>>
          tpu.enqueue_indirect_dma source(%arg12 : memref<128x64xf32, #tpu.memory_space<vmem>>) target(%dma_start3A_294 : memref<10240x64xf32, #tpu.memory_space<vmem_shared>>) offsets(%dma_start3A_291 : memref<128xi32, #tpu.memory_space<vmem>>) semaphore(%arg31 : memref<!tpu.dma_semaphore, #tpu.memory_space<semaphore_mem>>) {add = true}
          %ge3A_295 = arith.constant 4 : i32
          %ge3A_296 = arith.cmpi sge, %add3A_282, %ge3A_295 : i32
          %convert_element_type3A_297 = arith.extui %ge3A_296 : i1 to i32
          %cond3A_298 = arith.constant 0 : i32
          %cond3A_299 = arith.cmpi ne, %convert_element_type3A_297, %cond3A_298 : i32
          scf.if %cond3A_299 {
            %sub3A = arith.constant 4 : i32
            %sub3A_463 = arith.subi %add3A_282, %sub3A : i32
            %dma_wait3A_464 = arith.constant 0 : i32
            %dma_wait3A_465 = tpu.memref_slice %arg10[%sub3A_463, %dma_wait3A_464] : memref<40x128xi32, #tpu.memory_space<vmem>> -> memref<1x128xi32, #tpu.memory_space<vmem>>
            %dma_wait3A_466 = tpu.memref_squeeze %dma_wait3A_465 : memref<1x128xi32, #tpu.memory_space<vmem>> -> memref<128xi32, #tpu.memory_space<vmem>>
            %dma_wait3A_467 = arith.constant 0 : i32
            %dma_wait3A_468 = arith.constant 0 : i32
            %dma_wait3A_469 = tpu.memref_slice %arg20[%dma_wait3A_467, %dma_wait3A_468] : memref<10240x64xf32, #tpu.memory_space<vmem_shared>> -> memref<10240x64xf32, #tpu.memory_space<vmem_shared>>
            tpu.wait_indirect_dma semaphore(%arg35 : memref<!tpu.dma_semaphore, #tpu.memory_space<semaphore_mem>>) src(%arg16 : memref<128x64xf32, #tpu.memory_space<vmem>>) dst(%dma_wait3A_469 : memref<10240x64xf32, #tpu.memory_space<vmem_shared>>)
          } else {
          }
          %add3A_300 = arith.constant 4 : i32
          %add3A_301 = arith.addi %add3A_282, %add3A_300 : i32
          %lt3A_302 = arith.constant 40 : i32
          %lt3A_303 = arith.cmpi slt, %add3A_301, %lt3A_302 : i32
          %convert_element_type3A_304 = arith.extui %lt3A_303 : i1 to i32
          %cond3A_305 = arith.constant 0 : i32
          %cond3A_306 = arith.cmpi ne, %convert_element_type3A_304, %cond3A_305 : i32
          scf.if %cond3A_306 {
            %add3A_463 = arith.constant 4 : i32
            %add3A_464 = arith.addi %add3A_282, %add3A_463 : i32
            %dma_start3A_465 = arith.constant 0 : i32
            %dma_start3A_466 = tpu.memref_slice %arg9[%add3A_464, %dma_start3A_465] : memref<40x128xi32, #tpu.memory_space<vmem>> -> memref<1x128xi32, #tpu.memory_space<vmem>>
            %dma_start3A_467 = tpu.memref_squeeze %dma_start3A_466 : memref<1x128xi32, #tpu.memory_space<vmem>> -> memref<128xi32, #tpu.memory_space<vmem>>
            %dma_start3A_468 = arith.constant 0 : i32
            %dma_start3A_469 = arith.constant 0 : i32
            %dma_start3A_470 = tpu.memref_slice %arg3[%dma_start3A_468, %dma_start3A_469] : memref<10000x64xf32, #tpu.memory_space<hbm>> -> memref<10000x64xf32, #tpu.memory_space<hbm>>
            tpu.enqueue_indirect_dma source(%dma_start3A_470 : memref<10000x64xf32, #tpu.memory_space<hbm>>) target(%arg16 : memref<128x64xf32, #tpu.memory_space<vmem>>) offsets(%dma_start3A_467 : memref<128xi32, #tpu.memory_space<vmem>>) semaphore(%arg27 : memref<!tpu.dma_semaphore, #tpu.memory_space<semaphore_mem>>)
          } else {
          }
          %add3A_307 = arith.constant 2 : i32
          %add3A_308 = arith.addi %add3A_256, %add3A_307 : i32
          %dma_wait3A_309 = arith.constant 0 : i32
          %dma_wait3A_310 = tpu.memref_slice %arg9[%add3A_308, %dma_wait3A_309] : memref<40x128xi32, #tpu.memory_space<vmem>> -> memref<1x128xi32, #tpu.memory_space<vmem>>
          %dma_wait3A_311 = tpu.memref_squeeze %dma_wait3A_310 : memref<1x128xi32, #tpu.memory_space<vmem>> -> memref<128xi32, #tpu.memory_space<vmem>>
          %dma_wait3A_312 = arith.constant 0 : i32
          %dma_wait3A_313 = arith.constant 0 : i32
          %dma_wait3A_314 = tpu.memref_slice %arg3[%dma_wait3A_312, %dma_wait3A_313] : memref<10000x64xf32, #tpu.memory_space<hbm>> -> memref<10000x64xf32, #tpu.memory_space<hbm>>
          tpu.wait_indirect_dma semaphore(%arg24 : memref<!tpu.dma_semaphore, #tpu.memory_space<semaphore_mem>>) src(%dma_wait3A_314 : memref<10000x64xf32, #tpu.memory_space<hbm>>) dst(%arg13 : memref<128x64xf32, #tpu.memory_space<vmem>>)
          %dma_start3A_315 = arith.constant 0 : i32
          %dma_start3A_316 = tpu.memref_slice %arg10[%add3A_308, %dma_start3A_315] : memref<40x128xi32, #tpu.memory_space<vmem>> -> memref<1x128xi32, #tpu.memory_space<vmem>>
          %dma_start3A_317 = tpu.memref_squeeze %dma_start3A_316 : memref<1x128xi32, #tpu.memory_space<vmem>> -> memref<128xi32, #tpu.memory_space<vmem>>
          %dma_start3A_318 = arith.constant 0 : i32
          %dma_start3A_319 = arith.constant 0 : i32
          %dma_start3A_320 = tpu.memref_slice %arg20[%dma_start3A_318, %dma_start3A_319] : memref<10240x64xf32, #tpu.memory_space<vmem_shared>> -> memref<10240x64xf32, #tpu.memory_space<vmem_shared>>
          tpu.enqueue_indirect_dma source(%arg13 : memref<128x64xf32, #tpu.memory_space<vmem>>) target(%dma_start3A_320 : memref<10240x64xf32, #tpu.memory_space<vmem_shared>>) offsets(%dma_start3A_317 : memref<128xi32, #tpu.memory_space<vmem>>) semaphore(%arg32 : memref<!tpu.dma_semaphore, #tpu.memory_space<semaphore_mem>>) {add = true}
          %ge3A_321 = arith.constant 4 : i32
          %ge3A_322 = arith.cmpi sge, %add3A_308, %ge3A_321 : i32
          %convert_element_type3A_323 = arith.extui %ge3A_322 : i1 to i32
          %cond3A_324 = arith.constant 0 : i32
          %cond3A_325 = arith.cmpi ne, %convert_element_type3A_323, %cond3A_324 : i32
          scf.if %cond3A_325 {
            %sub3A = arith.constant 4 : i32
            %sub3A_463 = arith.subi %add3A_308, %sub3A : i32
            %dma_wait3A_464 = arith.constant 0 : i32
            %dma_wait3A_465 = tpu.memref_slice %arg10[%sub3A_463, %dma_wait3A_464] : memref<40x128xi32, #tpu.memory_space<vmem>> -> memref<1x128xi32, #tpu.memory_space<vmem>>
            %dma_wait3A_466 = tpu.memref_squeeze %dma_wait3A_465 : memref<1x128xi32, #tpu.memory_space<vmem>> -> memref<128xi32, #tpu.memory_space<vmem>>
            %dma_wait3A_467 = arith.constant 0 : i32
            %dma_wait3A_468 = arith.constant 0 : i32
            %dma_wait3A_469 = tpu.memref_slice %arg20[%dma_wait3A_467, %dma_wait3A_468] : memref<10240x64xf32, #tpu.memory_space<vmem_shared>> -> memref<10240x64xf32, #tpu.memory_space<vmem_shared>>
            tpu.wait_indirect_dma semaphore(%arg36 : memref<!tpu.dma_semaphore, #tpu.memory_space<semaphore_mem>>) src(%arg17 : memref<128x64xf32, #tpu.memory_space<vmem>>) dst(%dma_wait3A_469 : memref<10240x64xf32, #tpu.memory_space<vmem_shared>>)
          } else {
          }
          %add3A_326 = arith.constant 4 : i32
          %add3A_327 = arith.addi %add3A_308, %add3A_326 : i32
          %lt3A_328 = arith.constant 40 : i32
          %lt3A_329 = arith.cmpi slt, %add3A_327, %lt3A_328 : i32
          %convert_element_type3A_330 = arith.extui %lt3A_329 : i1 to i32
          %cond3A_331 = arith.constant 0 : i32
          %cond3A_332 = arith.cmpi ne, %convert_element_type3A_330, %cond3A_331 : i32
          scf.if %cond3A_332 {
            %add3A_463 = arith.constant 4 : i32
            %add3A_464 = arith.addi %add3A_308, %add3A_463 : i32
            %dma_start3A_465 = arith.constant 0 : i32
            %dma_start3A_466 = tpu.memref_slice %arg9[%add3A_464, %dma_start3A_465] : memref<40x128xi32, #tpu.memory_space<vmem>> -> memref<1x128xi32, #tpu.memory_space<vmem>>
            %dma_start3A_467 = tpu.memref_squeeze %dma_start3A_466 : memref<1x128xi32, #tpu.memory_space<vmem>> -> memref<128xi32, #tpu.memory_space<vmem>>
            %dma_start3A_468 = arith.constant 0 : i32
            %dma_start3A_469 = arith.constant 0 : i32
            %dma_start3A_470 = tpu.memref_slice %arg3[%dma_start3A_468, %dma_start3A_469] : memref<10000x64xf32, #tpu.memory_space<hbm>> -> memref<10000x64xf32, #tpu.memory_space<hbm>>
            tpu.enqueue_indirect_dma source(%dma_start3A_470 : memref<10000x64xf32, #tpu.memory_space<hbm>>) target(%arg17 : memref<128x64xf32, #tpu.memory_space<vmem>>) offsets(%dma_start3A_467 : memref<128xi32, #tpu.memory_space<vmem>>) semaphore(%arg28 : memref<!tpu.dma_semaphore, #tpu.memory_space<semaphore_mem>>)
          } else {
          }
          %add3A_333 = arith.constant 3 : i32
          %add3A_334 = arith.addi %add3A_256, %add3A_333 : i32
          %dma_wait3A_335 = arith.constant 0 : i32
          %dma_wait3A_336 = tpu.memref_slice %arg9[%add3A_334, %dma_wait3A_335] : memref<40x128xi32, #tpu.memory_space<vmem>> -> memref<1x128xi32, #tpu.memory_space<vmem>>
          %dma_wait3A_337 = tpu.memref_squeeze %dma_wait3A_336 : memref<1x128xi32, #tpu.memory_space<vmem>> -> memref<128xi32, #tpu.memory_space<vmem>>
          %dma_wait3A_338 = arith.constant 0 : i32
          %dma_wait3A_339 = arith.constant 0 : i32
          %dma_wait3A_340 = tpu.memref_slice %arg3[%dma_wait3A_338, %dma_wait3A_339] : memref<10000x64xf32, #tpu.memory_space<hbm>> -> memref<10000x64xf32, #tpu.memory_space<hbm>>
          tpu.wait_indirect_dma semaphore(%arg25 : memref<!tpu.dma_semaphore, #tpu.memory_space<semaphore_mem>>) src(%dma_wait3A_340 : memref<10000x64xf32, #tpu.memory_space<hbm>>) dst(%arg14 : memref<128x64xf32, #tpu.memory_space<vmem>>)
          %dma_start3A_341 = arith.constant 0 : i32
          %dma_start3A_342 = tpu.memref_slice %arg10[%add3A_334, %dma_start3A_341] : memref<40x128xi32, #tpu.memory_space<vmem>> -> memref<1x128xi32, #tpu.memory_space<vmem>>
          %dma_start3A_343 = tpu.memref_squeeze %dma_start3A_342 : memref<1x128xi32, #tpu.memory_space<vmem>> -> memref<128xi32, #tpu.memory_space<vmem>>
          %dma_start3A_344 = arith.constant 0 : i32
          %dma_start3A_345 = arith.constant 0 : i32
          %dma_start3A_346 = tpu.memref_slice %arg20[%dma_start3A_344, %dma_start3A_345] : memref<10240x64xf32, #tpu.memory_space<vmem_shared>> -> memref<10240x64xf32, #tpu.memory_space<vmem_shared>>
          tpu.enqueue_indirect_dma source(%arg14 : memref<128x64xf32, #tpu.memory_space<vmem>>) target(%dma_start3A_346 : memref<10240x64xf32, #tpu.memory_space<vmem_shared>>) offsets(%dma_start3A_343 : memref<128xi32, #tpu.memory_space<vmem>>) semaphore(%arg33 : memref<!tpu.dma_semaphore, #tpu.memory_space<semaphore_mem>>) {add = true}
          %ge3A_347 = arith.constant 4 : i32
          %ge3A_348 = arith.cmpi sge, %add3A_334, %ge3A_347 : i32
          %convert_element_type3A_349 = arith.extui %ge3A_348 : i1 to i32
          %cond3A_350 = arith.constant 0 : i32
          %cond3A_351 = arith.cmpi ne, %convert_element_type3A_349, %cond3A_350 : i32
          scf.if %cond3A_351 {
            %sub3A = arith.constant 4 : i32
            %sub3A_463 = arith.subi %add3A_334, %sub3A : i32
            %dma_wait3A_464 = arith.constant 0 : i32
            %dma_wait3A_465 = tpu.memref_slice %arg10[%sub3A_463, %dma_wait3A_464] : memref<40x128xi32, #tpu.memory_space<vmem>> -> memref<1x128xi32, #tpu.memory_space<vmem>>
            %dma_wait3A_466 = tpu.memref_squeeze %dma_wait3A_465 : memref<1x128xi32, #tpu.memory_space<vmem>> -> memref<128xi32, #tpu.memory_space<vmem>>
            %dma_wait3A_467 = arith.constant 0 : i32
            %dma_wait3A_468 = arith.constant 0 : i32
            %dma_wait3A_469 = tpu.memref_slice %arg20[%dma_wait3A_467, %dma_wait3A_468] : memref<10240x64xf32, #tpu.memory_space<vmem_shared>> -> memref<10240x64xf32, #tpu.memory_space<vmem_shared>>
            tpu.wait_indirect_dma semaphore(%arg37 : memref<!tpu.dma_semaphore, #tpu.memory_space<semaphore_mem>>) src(%arg18 : memref<128x64xf32, #tpu.memory_space<vmem>>) dst(%dma_wait3A_469 : memref<10240x64xf32, #tpu.memory_space<vmem_shared>>)
          } else {
          }
          %add3A_352 = arith.constant 4 : i32
          %add3A_353 = arith.addi %add3A_334, %add3A_352 : i32
          %lt3A_354 = arith.constant 40 : i32
          %lt3A_355 = arith.cmpi slt, %add3A_353, %lt3A_354 : i32
          %convert_element_type3A_356 = arith.extui %lt3A_355 : i1 to i32
          %cond3A_357 = arith.constant 0 : i32
          %cond3A_358 = arith.cmpi ne, %convert_element_type3A_356, %cond3A_357 : i32
          scf.if %cond3A_358 {
            %add3A_463 = arith.constant 4 : i32
            %add3A_464 = arith.addi %add3A_334, %add3A_463 : i32
            %dma_start3A_465 = arith.constant 0 : i32
            %dma_start3A_466 = tpu.memref_slice %arg9[%add3A_464, %dma_start3A_465] : memref<40x128xi32, #tpu.memory_space<vmem>> -> memref<1x128xi32, #tpu.memory_space<vmem>>
            %dma_start3A_467 = tpu.memref_squeeze %dma_start3A_466 : memref<1x128xi32, #tpu.memory_space<vmem>> -> memref<128xi32, #tpu.memory_space<vmem>>
            %dma_start3A_468 = arith.constant 0 : i32
            %dma_start3A_469 = arith.constant 0 : i32
            %dma_start3A_470 = tpu.memref_slice %arg3[%dma_start3A_468, %dma_start3A_469] : memref<10000x64xf32, #tpu.memory_space<hbm>> -> memref<10000x64xf32, #tpu.memory_space<hbm>>
            tpu.enqueue_indirect_dma source(%dma_start3A_470 : memref<10000x64xf32, #tpu.memory_space<hbm>>) target(%arg18 : memref<128x64xf32, #tpu.memory_space<vmem>>) offsets(%dma_start3A_467 : memref<128xi32, #tpu.memory_space<vmem>>) semaphore(%arg29 : memref<!tpu.dma_semaphore, #tpu.memory_space<semaphore_mem>>)
          } else {
          }
          %add3A_359 = arith.constant 4 : i32
          %add3A_360 = arith.addi %add3A_256, %add3A_359 : i32
          %dma_wait3A_361 = arith.constant 0 : i32
          %dma_wait3A_362 = tpu.memref_slice %arg9[%add3A_360, %dma_wait3A_361] : memref<40x128xi32, #tpu.memory_space<vmem>> -> memref<1x128xi32, #tpu.memory_space<vmem>>
          %dma_wait3A_363 = tpu.memref_squeeze %dma_wait3A_362 : memref<1x128xi32, #tpu.memory_space<vmem>> -> memref<128xi32, #tpu.memory_space<vmem>>
          %dma_wait3A_364 = arith.constant 0 : i32
          %dma_wait3A_365 = arith.constant 0 : i32
          %dma_wait3A_366 = tpu.memref_slice %arg3[%dma_wait3A_364, %dma_wait3A_365] : memref<10000x64xf32, #tpu.memory_space<hbm>> -> memref<10000x64xf32, #tpu.memory_space<hbm>>
          tpu.wait_indirect_dma semaphore(%arg26 : memref<!tpu.dma_semaphore, #tpu.memory_space<semaphore_mem>>) src(%dma_wait3A_366 : memref<10000x64xf32, #tpu.memory_space<hbm>>) dst(%arg15 : memref<128x64xf32, #tpu.memory_space<vmem>>)
          %dma_start3A_367 = arith.constant 0 : i32
          %dma_start3A_368 = tpu.memref_slice %arg10[%add3A_360, %dma_start3A_367] : memref<40x128xi32, #tpu.memory_space<vmem>> -> memref<1x128xi32, #tpu.memory_space<vmem>>
          %dma_start3A_369 = tpu.memref_squeeze %dma_start3A_368 : memref<1x128xi32, #tpu.memory_space<vmem>> -> memref<128xi32, #tpu.memory_space<vmem>>
          %dma_start3A_370 = arith.constant 0 : i32
          %dma_start3A_371 = arith.constant 0 : i32
          %dma_start3A_372 = tpu.memref_slice %arg20[%dma_start3A_370, %dma_start3A_371] : memref<10240x64xf32, #tpu.memory_space<vmem_shared>> -> memref<10240x64xf32, #tpu.memory_space<vmem_shared>>
          tpu.enqueue_indirect_dma source(%arg15 : memref<128x64xf32, #tpu.memory_space<vmem>>) target(%dma_start3A_372 : memref<10240x64xf32, #tpu.memory_space<vmem_shared>>) offsets(%dma_start3A_369 : memref<128xi32, #tpu.memory_space<vmem>>) semaphore(%arg34 : memref<!tpu.dma_semaphore, #tpu.memory_space<semaphore_mem>>) {add = true}
          %ge3A_373 = arith.constant 4 : i32
          %ge3A_374 = arith.cmpi sge, %add3A_360, %ge3A_373 : i32
          %convert_element_type3A_375 = arith.extui %ge3A_374 : i1 to i32
          %cond3A_376 = arith.constant 0 : i32
          %cond3A_377 = arith.cmpi ne, %convert_element_type3A_375, %cond3A_376 : i32
          scf.if %cond3A_377 {
            %sub3A = arith.constant 4 : i32
            %sub3A_463 = arith.subi %add3A_360, %sub3A : i32
            %dma_wait3A_464 = arith.constant 0 : i32
            %dma_wait3A_465 = tpu.memref_slice %arg10[%sub3A_463, %dma_wait3A_464] : memref<40x128xi32, #tpu.memory_space<vmem>> -> memref<1x128xi32, #tpu.memory_space<vmem>>
            %dma_wait3A_466 = tpu.memref_squeeze %dma_wait3A_465 : memref<1x128xi32, #tpu.memory_space<vmem>> -> memref<128xi32, #tpu.memory_space<vmem>>
            %dma_wait3A_467 = arith.constant 0 : i32
            %dma_wait3A_468 = arith.constant 0 : i32
            %dma_wait3A_469 = tpu.memref_slice %arg20[%dma_wait3A_467, %dma_wait3A_468] : memref<10240x64xf32, #tpu.memory_space<vmem_shared>> -> memref<10240x64xf32, #tpu.memory_space<vmem_shared>>
            tpu.wait_indirect_dma semaphore(%arg30 : memref<!tpu.dma_semaphore, #tpu.memory_space<semaphore_mem>>) src(%arg11 : memref<128x64xf32, #tpu.memory_space<vmem>>) dst(%dma_wait3A_469 : memref<10240x64xf32, #tpu.memory_space<vmem_shared>>)
          } else {
          }
          %add3A_378 = arith.constant 4 : i32
          %add3A_379 = arith.addi %add3A_360, %add3A_378 : i32
          %lt3A_380 = arith.constant 40 : i32
          %lt3A_381 = arith.cmpi slt, %add3A_379, %lt3A_380 : i32
          %convert_element_type3A_382 = arith.extui %lt3A_381 : i1 to i32
          %cond3A_383 = arith.constant 0 : i32
          %cond3A_384 = arith.cmpi ne, %convert_element_type3A_382, %cond3A_383 : i32
          scf.if %cond3A_384 {
            %add3A_463 = arith.constant 4 : i32
            %add3A_464 = arith.addi %add3A_360, %add3A_463 : i32
            %dma_start3A_465 = arith.constant 0 : i32
            %dma_start3A_466 = tpu.memref_slice %arg9[%add3A_464, %dma_start3A_465] : memref<40x128xi32, #tpu.memory_space<vmem>> -> memref<1x128xi32, #tpu.memory_space<vmem>>
            %dma_start3A_467 = tpu.memref_squeeze %dma_start3A_466 : memref<1x128xi32, #tpu.memory_space<vmem>> -> memref<128xi32, #tpu.memory_space<vmem>>
            %dma_start3A_468 = arith.constant 0 : i32
            %dma_start3A_469 = arith.constant 0 : i32
            %dma_start3A_470 = tpu.memref_slice %arg3[%dma_start3A_468, %dma_start3A_469] : memref<10000x64xf32, #tpu.memory_space<hbm>> -> memref<10000x64xf32, #tpu.memory_space<hbm>>
            tpu.enqueue_indirect_dma source(%dma_start3A_470 : memref<10000x64xf32, #tpu.memory_space<hbm>>) target(%arg11 : memref<128x64xf32, #tpu.memory_space<vmem>>) offsets(%dma_start3A_467 : memref<128xi32, #tpu.memory_space<vmem>>) semaphore(%arg22 : memref<!tpu.dma_semaphore, #tpu.memory_space<semaphore_mem>>)
          } else {
          }
          %add3A_385 = arith.constant 5 : i32
          %add3A_386 = arith.addi %add3A_256, %add3A_385 : i32
          %dma_wait3A_387 = arith.constant 0 : i32
          %dma_wait3A_388 = tpu.memref_slice %arg9[%add3A_386, %dma_wait3A_387] : memref<40x128xi32, #tpu.memory_space<vmem>> -> memref<1x128xi32, #tpu.memory_space<vmem>>
          %dma_wait3A_389 = tpu.memref_squeeze %dma_wait3A_388 : memref<1x128xi32, #tpu.memory_space<vmem>> -> memref<128xi32, #tpu.memory_space<vmem>>
          %dma_wait3A_390 = arith.constant 0 : i32
          %dma_wait3A_391 = arith.constant 0 : i32
          %dma_wait3A_392 = tpu.memref_slice %arg3[%dma_wait3A_390, %dma_wait3A_391] : memref<10000x64xf32, #tpu.memory_space<hbm>> -> memref<10000x64xf32, #tpu.memory_space<hbm>>
          tpu.wait_indirect_dma semaphore(%arg27 : memref<!tpu.dma_semaphore, #tpu.memory_space<semaphore_mem>>) src(%dma_wait3A_392 : memref<10000x64xf32, #tpu.memory_space<hbm>>) dst(%arg16 : memref<128x64xf32, #tpu.memory_space<vmem>>)
          %dma_start3A_393 = arith.constant 0 : i32
          %dma_start3A_394 = tpu.memref_slice %arg10[%add3A_386, %dma_start3A_393] : memref<40x128xi32, #tpu.memory_space<vmem>> -> memref<1x128xi32, #tpu.memory_space<vmem>>
          %dma_start3A_395 = tpu.memref_squeeze %dma_start3A_394 : memref<1x128xi32, #tpu.memory_space<vmem>> -> memref<128xi32, #tpu.memory_space<vmem>>
          %dma_start3A_396 = arith.constant 0 : i32
          %dma_start3A_397 = arith.constant 0 : i32
          %dma_start3A_398 = tpu.memref_slice %arg20[%dma_start3A_396, %dma_start3A_397] : memref<10240x64xf32, #tpu.memory_space<vmem_shared>> -> memref<10240x64xf32, #tpu.memory_space<vmem_shared>>
          tpu.enqueue_indirect_dma source(%arg16 : memref<128x64xf32, #tpu.memory_space<vmem>>) target(%dma_start3A_398 : memref<10240x64xf32, #tpu.memory_space<vmem_shared>>) offsets(%dma_start3A_395 : memref<128xi32, #tpu.memory_space<vmem>>) semaphore(%arg35 : memref<!tpu.dma_semaphore, #tpu.memory_space<semaphore_mem>>) {add = true}
          %ge3A_399 = arith.constant 4 : i32
          %ge3A_400 = arith.cmpi sge, %add3A_386, %ge3A_399 : i32
          %convert_element_type3A_401 = arith.extui %ge3A_400 : i1 to i32
          %cond3A_402 = arith.constant 0 : i32
          %cond3A_403 = arith.cmpi ne, %convert_element_type3A_401, %cond3A_402 : i32
          scf.if %cond3A_403 {
            %sub3A = arith.constant 4 : i32
            %sub3A_463 = arith.subi %add3A_386, %sub3A : i32
            %dma_wait3A_464 = arith.constant 0 : i32
            %dma_wait3A_465 = tpu.memref_slice %arg10[%sub3A_463, %dma_wait3A_464] : memref<40x128xi32, #tpu.memory_space<vmem>> -> memref<1x128xi32, #tpu.memory_space<vmem>>
            %dma_wait3A_466 = tpu.memref_squeeze %dma_wait3A_465 : memref<1x128xi32, #tpu.memory_space<vmem>> -> memref<128xi32, #tpu.memory_space<vmem>>
            %dma_wait3A_467 = arith.constant 0 : i32
            %dma_wait3A_468 = arith.constant 0 : i32
            %dma_wait3A_469 = tpu.memref_slice %arg20[%dma_wait3A_467, %dma_wait3A_468] : memref<10240x64xf32, #tpu.memory_space<vmem_shared>> -> memref<10240x64xf32, #tpu.memory_space<vmem_shared>>
            tpu.wait_indirect_dma semaphore(%arg31 : memref<!tpu.dma_semaphore, #tpu.memory_space<semaphore_mem>>) src(%arg12 : memref<128x64xf32, #tpu.memory_space<vmem>>) dst(%dma_wait3A_469 : memref<10240x64xf32, #tpu.memory_space<vmem_shared>>)
          } else {
          }
          %add3A_404 = arith.constant 4 : i32
          %add3A_405 = arith.addi %add3A_386, %add3A_404 : i32
          %lt3A_406 = arith.constant 40 : i32
          %lt3A_407 = arith.cmpi slt, %add3A_405, %lt3A_406 : i32
          %convert_element_type3A_408 = arith.extui %lt3A_407 : i1 to i32
          %cond3A_409 = arith.constant 0 : i32
          %cond3A_410 = arith.cmpi ne, %convert_element_type3A_408, %cond3A_409 : i32
          scf.if %cond3A_410 {
            %add3A_463 = arith.constant 4 : i32
            %add3A_464 = arith.addi %add3A_386, %add3A_463 : i32
            %dma_start3A_465 = arith.constant 0 : i32
            %dma_start3A_466 = tpu.memref_slice %arg9[%add3A_464, %dma_start3A_465] : memref<40x128xi32, #tpu.memory_space<vmem>> -> memref<1x128xi32, #tpu.memory_space<vmem>>
            %dma_start3A_467 = tpu.memref_squeeze %dma_start3A_466 : memref<1x128xi32, #tpu.memory_space<vmem>> -> memref<128xi32, #tpu.memory_space<vmem>>
            %dma_start3A_468 = arith.constant 0 : i32
            %dma_start3A_469 = arith.constant 0 : i32
            %dma_start3A_470 = tpu.memref_slice %arg3[%dma_start3A_468, %dma_start3A_469] : memref<10000x64xf32, #tpu.memory_space<hbm>> -> memref<10000x64xf32, #tpu.memory_space<hbm>>
            tpu.enqueue_indirect_dma source(%dma_start3A_470 : memref<10000x64xf32, #tpu.memory_space<hbm>>) target(%arg12 : memref<128x64xf32, #tpu.memory_space<vmem>>) offsets(%dma_start3A_467 : memref<128xi32, #tpu.memory_space<vmem>>) semaphore(%arg23 : memref<!tpu.dma_semaphore, #tpu.memory_space<semaphore_mem>>)
          } else {
          }
          %add3A_411 = arith.constant 6 : i32
          %add3A_412 = arith.addi %add3A_256, %add3A_411 : i32
          %dma_wait3A_413 = arith.constant 0 : i32
          %dma_wait3A_414 = tpu.memref_slice %arg9[%add3A_412, %dma_wait3A_413] : memref<40x128xi32, #tpu.memory_space<vmem>> -> memref<1x128xi32, #tpu.memory_space<vmem>>
          %dma_wait3A_415 = tpu.memref_squeeze %dma_wait3A_414 : memref<1x128xi32, #tpu.memory_space<vmem>> -> memref<128xi32, #tpu.memory_space<vmem>>
          %dma_wait3A_416 = arith.constant 0 : i32
          %dma_wait3A_417 = arith.constant 0 : i32
          %dma_wait3A_418 = tpu.memref_slice %arg3[%dma_wait3A_416, %dma_wait3A_417] : memref<10000x64xf32, #tpu.memory_space<hbm>> -> memref<10000x64xf32, #tpu.memory_space<hbm>>
          tpu.wait_indirect_dma semaphore(%arg28 : memref<!tpu.dma_semaphore, #tpu.memory_space<semaphore_mem>>) src(%dma_wait3A_418 : memref<10000x64xf32, #tpu.memory_space<hbm>>) dst(%arg17 : memref<128x64xf32, #tpu.memory_space<vmem>>)
          %dma_start3A_419 = arith.constant 0 : i32
          %dma_start3A_420 = tpu.memref_slice %arg10[%add3A_412, %dma_start3A_419] : memref<40x128xi32, #tpu.memory_space<vmem>> -> memref<1x128xi32, #tpu.memory_space<vmem>>
          %dma_start3A_421 = tpu.memref_squeeze %dma_start3A_420 : memref<1x128xi32, #tpu.memory_space<vmem>> -> memref<128xi32, #tpu.memory_space<vmem>>
          %dma_start3A_422 = arith.constant 0 : i32
          %dma_start3A_423 = arith.constant 0 : i32
          %dma_start3A_424 = tpu.memref_slice %arg20[%dma_start3A_422, %dma_start3A_423] : memref<10240x64xf32, #tpu.memory_space<vmem_shared>> -> memref<10240x64xf32, #tpu.memory_space<vmem_shared>>
          tpu.enqueue_indirect_dma source(%arg17 : memref<128x64xf32, #tpu.memory_space<vmem>>) target(%dma_start3A_424 : memref<10240x64xf32, #tpu.memory_space<vmem_shared>>) offsets(%dma_start3A_421 : memref<128xi32, #tpu.memory_space<vmem>>) semaphore(%arg36 : memref<!tpu.dma_semaphore, #tpu.memory_space<semaphore_mem>>) {add = true}
          %ge3A_425 = arith.constant 4 : i32
          %ge3A_426 = arith.cmpi sge, %add3A_412, %ge3A_425 : i32
          %convert_element_type3A_427 = arith.extui %ge3A_426 : i1 to i32
          %cond3A_428 = arith.constant 0 : i32
          %cond3A_429 = arith.cmpi ne, %convert_element_type3A_427, %cond3A_428 : i32
          scf.if %cond3A_429 {
            %sub3A = arith.constant 4 : i32
            %sub3A_463 = arith.subi %add3A_412, %sub3A : i32
            %dma_wait3A_464 = arith.constant 0 : i32
            %dma_wait3A_465 = tpu.memref_slice %arg10[%sub3A_463, %dma_wait3A_464] : memref<40x128xi32, #tpu.memory_space<vmem>> -> memref<1x128xi32, #tpu.memory_space<vmem>>
            %dma_wait3A_466 = tpu.memref_squeeze %dma_wait3A_465 : memref<1x128xi32, #tpu.memory_space<vmem>> -> memref<128xi32, #tpu.memory_space<vmem>>
            %dma_wait3A_467 = arith.constant 0 : i32
            %dma_wait3A_468 = arith.constant 0 : i32
            %dma_wait3A_469 = tpu.memref_slice %arg20[%dma_wait3A_467, %dma_wait3A_468] : memref<10240x64xf32, #tpu.memory_space<vmem_shared>> -> memref<10240x64xf32, #tpu.memory_space<vmem_shared>>
            tpu.wait_indirect_dma semaphore(%arg32 : memref<!tpu.dma_semaphore, #tpu.memory_space<semaphore_mem>>) src(%arg13 : memref<128x64xf32, #tpu.memory_space<vmem>>) dst(%dma_wait3A_469 : memref<10240x64xf32, #tpu.memory_space<vmem_shared>>)
          } else {
          }
          %add3A_430 = arith.constant 4 : i32
          %add3A_431 = arith.addi %add3A_412, %add3A_430 : i32
          %lt3A_432 = arith.constant 40 : i32
          %lt3A_433 = arith.cmpi slt, %add3A_431, %lt3A_432 : i32
          %convert_element_type3A_434 = arith.extui %lt3A_433 : i1 to i32
          %cond3A_435 = arith.constant 0 : i32
          %cond3A_436 = arith.cmpi ne, %convert_element_type3A_434, %cond3A_435 : i32
          scf.if %cond3A_436 {
            %add3A_463 = arith.constant 4 : i32
            %add3A_464 = arith.addi %add3A_412, %add3A_463 : i32
            %dma_start3A_465 = arith.constant 0 : i32
            %dma_start3A_466 = tpu.memref_slice %arg9[%add3A_464, %dma_start3A_465] : memref<40x128xi32, #tpu.memory_space<vmem>> -> memref<1x128xi32, #tpu.memory_space<vmem>>
            %dma_start3A_467 = tpu.memref_squeeze %dma_start3A_466 : memref<1x128xi32, #tpu.memory_space<vmem>> -> memref<128xi32, #tpu.memory_space<vmem>>
            %dma_start3A_468 = arith.constant 0 : i32
            %dma_start3A_469 = arith.constant 0 : i32
            %dma_start3A_470 = tpu.memref_slice %arg3[%dma_start3A_468, %dma_start3A_469] : memref<10000x64xf32, #tpu.memory_space<hbm>> -> memref<10000x64xf32, #tpu.memory_space<hbm>>
            tpu.enqueue_indirect_dma source(%dma_start3A_470 : memref<10000x64xf32, #tpu.memory_space<hbm>>) target(%arg13 : memref<128x64xf32, #tpu.memory_space<vmem>>) offsets(%dma_start3A_467 : memref<128xi32, #tpu.memory_space<vmem>>) semaphore(%arg24 : memref<!tpu.dma_semaphore, #tpu.memory_space<semaphore_mem>>)
          } else {
          }
          %add3A_437 = arith.constant 7 : i32
          %add3A_438 = arith.addi %add3A_256, %add3A_437 : i32
          %dma_wait3A_439 = arith.constant 0 : i32
          %dma_wait3A_440 = tpu.memref_slice %arg9[%add3A_438, %dma_wait3A_439] : memref<40x128xi32, #tpu.memory_space<vmem>> -> memref<1x128xi32, #tpu.memory_space<vmem>>
          %dma_wait3A_441 = tpu.memref_squeeze %dma_wait3A_440 : memref<1x128xi32, #tpu.memory_space<vmem>> -> memref<128xi32, #tpu.memory_space<vmem>>
          %dma_wait3A_442 = arith.constant 0 : i32
          %dma_wait3A_443 = arith.constant 0 : i32
          %dma_wait3A_444 = tpu.memref_slice %arg3[%dma_wait3A_442, %dma_wait3A_443] : memref<10000x64xf32, #tpu.memory_space<hbm>> -> memref<10000x64xf32, #tpu.memory_space<hbm>>
          tpu.wait_indirect_dma semaphore(%arg29 : memref<!tpu.dma_semaphore, #tpu.memory_space<semaphore_mem>>) src(%dma_wait3A_444 : memref<10000x64xf32, #tpu.memory_space<hbm>>) dst(%arg18 : memref<128x64xf32, #tpu.memory_space<vmem>>)
          %dma_start3A_445 = arith.constant 0 : i32
          %dma_start3A_446 = tpu.memref_slice %arg10[%add3A_438, %dma_start3A_445] : memref<40x128xi32, #tpu.memory_space<vmem>> -> memref<1x128xi32, #tpu.memory_space<vmem>>
          %dma_start3A_447 = tpu.memref_squeeze %dma_start3A_446 : memref<1x128xi32, #tpu.memory_space<vmem>> -> memref<128xi32, #tpu.memory_space<vmem>>
          %dma_start3A_448 = arith.constant 0 : i32
          %dma_start3A_449 = arith.constant 0 : i32
          %dma_start3A_450 = tpu.memref_slice %arg20[%dma_start3A_448, %dma_start3A_449] : memref<10240x64xf32, #tpu.memory_space<vmem_shared>> -> memref<10240x64xf32, #tpu.memory_space<vmem_shared>>
          tpu.enqueue_indirect_dma source(%arg18 : memref<128x64xf32, #tpu.memory_space<vmem>>) target(%dma_start3A_450 : memref<10240x64xf32, #tpu.memory_space<vmem_shared>>) offsets(%dma_start3A_447 : memref<128xi32, #tpu.memory_space<vmem>>) semaphore(%arg37 : memref<!tpu.dma_semaphore, #tpu.memory_space<semaphore_mem>>) {add = true}
          %ge3A_451 = arith.constant 4 : i32
          %ge3A_452 = arith.cmpi sge, %add3A_438, %ge3A_451 : i32
          %convert_element_type3A_453 = arith.extui %ge3A_452 : i1 to i32
          %cond3A_454 = arith.constant 0 : i32
          %cond3A_455 = arith.cmpi ne, %convert_element_type3A_453, %cond3A_454 : i32
          scf.if %cond3A_455 {
            %sub3A = arith.constant 4 : i32
            %sub3A_463 = arith.subi %add3A_438, %sub3A : i32
            %dma_wait3A_464 = arith.constant 0 : i32
            %dma_wait3A_465 = tpu.memref_slice %arg10[%sub3A_463, %dma_wait3A_464] : memref<40x128xi32, #tpu.memory_space<vmem>> -> memref<1x128xi32, #tpu.memory_space<vmem>>
            %dma_wait3A_466 = tpu.memref_squeeze %dma_wait3A_465 : memref<1x128xi32, #tpu.memory_space<vmem>> -> memref<128xi32, #tpu.memory_space<vmem>>
            %dma_wait3A_467 = arith.constant 0 : i32
            %dma_wait3A_468 = arith.constant 0 : i32
            %dma_wait3A_469 = tpu.memref_slice %arg20[%dma_wait3A_467, %dma_wait3A_468] : memref<10240x64xf32, #tpu.memory_space<vmem_shared>> -> memref<10240x64xf32, #tpu.memory_space<vmem_shared>>
            tpu.wait_indirect_dma semaphore(%arg33 : memref<!tpu.dma_semaphore, #tpu.memory_space<semaphore_mem>>) src(%arg14 : memref<128x64xf32, #tpu.memory_space<vmem>>) dst(%dma_wait3A_469 : memref<10240x64xf32, #tpu.memory_space<vmem_shared>>)
          } else {
          }
          %add3A_456 = arith.constant 4 : i32
          %add3A_457 = arith.addi %add3A_438, %add3A_456 : i32
          %lt3A_458 = arith.constant 40 : i32
          %lt3A_459 = arith.cmpi slt, %add3A_457, %lt3A_458 : i32
          %convert_element_type3A_460 = arith.extui %lt3A_459 : i1 to i32
          %cond3A_461 = arith.constant 0 : i32
          %cond3A_462 = arith.cmpi ne, %convert_element_type3A_460, %cond3A_461 : i32
          scf.if %cond3A_462 {
            %add3A_463 = arith.constant 4 : i32
            %add3A_464 = arith.addi %add3A_438, %add3A_463 : i32
            %dma_start3A_465 = arith.constant 0 : i32
            %dma_start3A_466 = tpu.memref_slice %arg9[%add3A_464, %dma_start3A_465] : memref<40x128xi32, #tpu.memory_space<vmem>> -> memref<1x128xi32, #tpu.memory_space<vmem>>
            %dma_start3A_467 = tpu.memref_squeeze %dma_start3A_466 : memref<1x128xi32, #tpu.memory_space<vmem>> -> memref<128xi32, #tpu.memory_space<vmem>>
            %dma_start3A_468 = arith.constant 0 : i32
            %dma_start3A_469 = arith.constant 0 : i32
            %dma_start3A_470 = tpu.memref_slice %arg3[%dma_start3A_468, %dma_start3A_469] : memref<10000x64xf32, #tpu.memory_space<hbm>> -> memref<10000x64xf32, #tpu.memory_space<hbm>>
            tpu.enqueue_indirect_dma source(%dma_start3A_470 : memref<10000x64xf32, #tpu.memory_space<hbm>>) target(%arg14 : memref<128x64xf32, #tpu.memory_space<vmem>>) offsets(%dma_start3A_467 : memref<128xi32, #tpu.memory_space<vmem>>) semaphore(%arg25 : memref<!tpu.dma_semaphore, #tpu.memory_space<semaphore_mem>>)
          } else {
          }
        }
        %scan3A_224 = arith.constant 5 : i32
        %dma_wait3A = arith.constant 36 : i32
        %dma_wait3A_225 = arith.constant 0 : i32
        %dma_wait3A_226 = tpu.memref_slice %arg10[%dma_wait3A, %dma_wait3A_225] : memref<40x128xi32, #tpu.memory_space<vmem>> -> memref<1x128xi32, #tpu.memory_space<vmem>>
        %dma_wait3A_227 = tpu.memref_squeeze %dma_wait3A_226 : memref<1x128xi32, #tpu.memory_space<vmem>> -> memref<128xi32, #tpu.memory_space<vmem>>
        %dma_wait3A_228 = arith.constant 0 : i32
        %dma_wait3A_229 = arith.constant 0 : i32
        %dma_wait3A_230 = tpu.memref_slice %arg20[%dma_wait3A_228, %dma_wait3A_229] : memref<10240x64xf32, #tpu.memory_space<vmem_shared>> -> memref<10240x64xf32, #tpu.memory_space<vmem_shared>>
        tpu.wait_indirect_dma semaphore(%arg34 : memref<!tpu.dma_semaphore, #tpu.memory_space<semaphore_mem>>) src(%arg15 : memref<128x64xf32, #tpu.memory_space<vmem>>) dst(%dma_wait3A_230 : memref<10240x64xf32, #tpu.memory_space<vmem_shared>>)
        %dma_wait3A_231 = arith.constant 37 : i32
        %dma_wait3A_232 = arith.constant 0 : i32
        %dma_wait3A_233 = tpu.memref_slice %arg10[%dma_wait3A_231, %dma_wait3A_232] : memref<40x128xi32, #tpu.memory_space<vmem>> -> memref<1x128xi32, #tpu.memory_space<vmem>>
        %dma_wait3A_234 = tpu.memref_squeeze %dma_wait3A_233 : memref<1x128xi32, #tpu.memory_space<vmem>> -> memref<128xi32, #tpu.memory_space<vmem>>
        %dma_wait3A_235 = arith.constant 0 : i32
        %dma_wait3A_236 = arith.constant 0 : i32
        %dma_wait3A_237 = tpu.memref_slice %arg20[%dma_wait3A_235, %dma_wait3A_236] : memref<10240x64xf32, #tpu.memory_space<vmem_shared>> -> memref<10240x64xf32, #tpu.memory_space<vmem_shared>>
        tpu.wait_indirect_dma semaphore(%arg35 : memref<!tpu.dma_semaphore, #tpu.memory_space<semaphore_mem>>) src(%arg16 : memref<128x64xf32, #tpu.memory_space<vmem>>) dst(%dma_wait3A_237 : memref<10240x64xf32, #tpu.memory_space<vmem_shared>>)
        %dma_wait3A_238 = arith.constant 38 : i32
        %dma_wait3A_239 = arith.constant 0 : i32
        %dma_wait3A_240 = tpu.memref_slice %arg10[%dma_wait3A_238, %dma_wait3A_239] : memref<40x128xi32, #tpu.memory_space<vmem>> -> memref<1x128xi32, #tpu.memory_space<vmem>>
        %dma_wait3A_241 = tpu.memref_squeeze %dma_wait3A_240 : memref<1x128xi32, #tpu.memory_space<vmem>> -> memref<128xi32, #tpu.memory_space<vmem>>
        %dma_wait3A_242 = arith.constant 0 : i32
        %dma_wait3A_243 = arith.constant 0 : i32
        %dma_wait3A_244 = tpu.memref_slice %arg20[%dma_wait3A_242, %dma_wait3A_243] : memref<10240x64xf32, #tpu.memory_space<vmem_shared>> -> memref<10240x64xf32, #tpu.memory_space<vmem_shared>>
        tpu.wait_indirect_dma semaphore(%arg36 : memref<!tpu.dma_semaphore, #tpu.memory_space<semaphore_mem>>) src(%arg17 : memref<128x64xf32, #tpu.memory_space<vmem>>) dst(%dma_wait3A_244 : memref<10240x64xf32, #tpu.memory_space<vmem_shared>>)
        %dma_wait3A_245 = arith.constant 39 : i32
        %dma_wait3A_246 = arith.constant 0 : i32
        %dma_wait3A_247 = tpu.memref_slice %arg10[%dma_wait3A_245, %dma_wait3A_246] : memref<40x128xi32, #tpu.memory_space<vmem>> -> memref<1x128xi32, #tpu.memory_space<vmem>>
        %dma_wait3A_248 = tpu.memref_squeeze %dma_wait3A_247 : memref<1x128xi32, #tpu.memory_space<vmem>> -> memref<128xi32, #tpu.memory_space<vmem>>
        %dma_wait3A_249 = arith.constant 0 : i32
        %dma_wait3A_250 = arith.constant 0 : i32
        %dma_wait3A_251 = tpu.memref_slice %arg20[%dma_wait3A_249, %dma_wait3A_250] : memref<10240x64xf32, #tpu.memory_space<vmem_shared>> -> memref<10240x64xf32, #tpu.memory_space<vmem_shared>>
        tpu.wait_indirect_dma semaphore(%arg37 : memref<!tpu.dma_semaphore, #tpu.memory_space<semaphore_mem>>) src(%arg18 : memref<128x64xf32, #tpu.memory_space<vmem>>) dst(%dma_wait3A_251 : memref<10240x64xf32, #tpu.memory_space<vmem_shared>>)
      }
      %scan3A_177 = arith.constant 4 : i32
    } else {
    }
    %barrier3A_29 = arith.constant 0 : index
    tpu.barrier barrier_id(%barrier3A_29)
    %mul3A = arith.constant 640 : i32
    %mul3A_30 = arith.muli %arg1, %mul3A : i32
    %add3A = arith.constant 0 : i32
    %add3A_31 = arith.addi %mul3A_30, %add3A : i32
    "tpu.region"() ({
      %run_scoped3A = tpu.sem_alloc : memref<!tpu.dma_semaphore, #tpu.memory_space<semaphore_mem>>
      %dma_start3A = arith.constant 0 : i32
      %dma_start3A_173 = tpu.memref_slice %arg20[%add3A_31, %dma_start3A] : memref<10240x64xf32, #tpu.memory_space<vmem_shared>> -> memref<128x64xf32, #tpu.memory_space<vmem_shared>>
      %dma_start3A_174 = arith.constant 0 : i32
      %dma_start3A_175 = tpu.memref_slice %arg20[%add3A_31, %dma_start3A_174] : memref<10240x64xf32, #tpu.memory_space<vmem_shared>> -> memref<128x64xf32, #tpu.memory_space<vmem_shared>>
      tpu.enqueue_dma source(%dma_start3A_175 : memref<128x64xf32, #tpu.memory_space<vmem_shared>>) target(%arg11 : memref<128x64xf32, #tpu.memory_space<vmem>>) target_semaphore(%run_scoped3A : memref<!tpu.dma_semaphore, #tpu.memory_space<semaphore_mem>>)
      %dma_wait3A = arith.constant 0 : i32
      %dma_wait3A_176 = tpu.memref_slice %arg20[%add3A_31, %dma_wait3A] : memref<10240x64xf32, #tpu.memory_space<vmem_shared>> -> memref<128x64xf32, #tpu.memory_space<vmem_shared>>
      %dma_wait3A_177 = arith.constant 0 : i32
      %dma_wait3A_178 = tpu.memref_slice %arg20[%add3A_31, %dma_wait3A_177] : memref<10240x64xf32, #tpu.memory_space<vmem_shared>> -> memref<128x64xf32, #tpu.memory_space<vmem_shared>>
      tpu.wait_dma2 semaphore(%run_scoped3A : memref<!tpu.dma_semaphore, #tpu.memory_space<semaphore_mem>>) src(%dma_wait3A_178 : memref<128x64xf32, #tpu.memory_space<vmem_shared>>) dst(%arg11 : memref<128x64xf32, #tpu.memory_space<vmem>>)
      tpu.yield
    }) : () -> ()
    %eq3A_32 = arith.constant 0 : i32
    %eq3A_33 = arith.cmpi eq, %arg0, %eq3A_32 : i32
    %convert_element_type3A_34 = arith.extui %eq3A_33 : i1 to i32
    %cond3A_35 = arith.constant 0 : i32
    %cond3A_36 = arith.cmpi ne, %convert_element_type3A_34, %cond3A_35 : i32
    scf.if %cond3A_36 {
      %dma_start3A = arith.constant 0 : i32
      %dma_start3A_173 = tpu.memref_slice %arg6[%add3A_31, %dma_start3A] : memref<10240x64xf32, #tpu.memory_space<hbm>> -> memref<128x64xf32, #tpu.memory_space<hbm>>
      %dma_start3A_174 = arith.constant 0 : i32
      %dma_start3A_175 = tpu.memref_slice %arg6[%add3A_31, %dma_start3A_174] : memref<10240x64xf32, #tpu.memory_space<hbm>> -> memref<128x64xf32, #tpu.memory_space<hbm>>
      tpu.enqueue_dma source(%arg11 : memref<128x64xf32, #tpu.memory_space<vmem>>) target(%dma_start3A_175 : memref<128x64xf32, #tpu.memory_space<hbm>>) target_semaphore(%arg22 : memref<!tpu.dma_semaphore, #tpu.memory_space<semaphore_mem>>)
    } else {
    }
    %eq3A_37 = arith.constant 1 : i32
    %eq3A_38 = arith.cmpi eq, %arg0, %eq3A_37 : i32
    %convert_element_type3A_39 = arith.extui %eq3A_38 : i1 to i32
    %cond3A_40 = arith.constant 0 : i32
    %cond3A_41 = arith.cmpi ne, %convert_element_type3A_39, %cond3A_40 : i32
    scf.if %cond3A_41 {
      %dma_start3A = arith.constant 0 : i32
      %dma_start3A_173 = tpu.memref_slice %arg7[%add3A_31, %dma_start3A] : memref<10240x64xf32, #tpu.memory_space<hbm>> -> memref<128x64xf32, #tpu.memory_space<hbm>>
      %dma_start3A_174 = arith.constant 0 : i32
      %dma_start3A_175 = tpu.memref_slice %arg7[%add3A_31, %dma_start3A_174] : memref<10240x64xf32, #tpu.memory_space<hbm>> -> memref<128x64xf32, #tpu.memory_space<hbm>>
      tpu.enqueue_dma source(%arg11 : memref<128x64xf32, #tpu.memory_space<vmem>>) target(%dma_start3A_175 : memref<128x64xf32, #tpu.memory_space<hbm>>) target_semaphore(%arg22 : memref<!tpu.dma_semaphore, #tpu.memory_space<semaphore_mem>>)
    } else {
    }
    %mul3A_42 = arith.constant 640 : i32
    %mul3A_43 = arith.muli %arg1, %mul3A_42 : i32
    %add3A_44 = arith.constant 128 : i32
    %add3A_45 = arith.addi %mul3A_43, %add3A_44 : i32
    "tpu.region"() ({
      %run_scoped3A = tpu.sem_alloc : memref<!tpu.dma_semaphore, #tpu.memory_space<semaphore_mem>>
      %dma_start3A = arith.constant 0 : i32
      %dma_start3A_173 = tpu.memref_slice %arg20[%add3A_45, %dma_start3A] : memref<10240x64xf32, #tpu.memory_space<vmem_shared>> -> memref<128x64xf32, #tpu.memory_space<vmem_shared>>
      %dma_start3A_174 = arith.constant 0 : i32
      %dma_start3A_175 = tpu.memref_slice %arg20[%add3A_45, %dma_start3A_174] : memref<10240x64xf32, #tpu.memory_space<vmem_shared>> -> memref<128x64xf32, #tpu.memory_space<vmem_shared>>
      tpu.enqueue_dma source(%dma_start3A_175 : memref<128x64xf32, #tpu.memory_space<vmem_shared>>) target(%arg12 : memref<128x64xf32, #tpu.memory_space<vmem>>) target_semaphore(%run_scoped3A : memref<!tpu.dma_semaphore, #tpu.memory_space<semaphore_mem>>)
      %dma_wait3A = arith.constant 0 : i32
      %dma_wait3A_176 = tpu.memref_slice %arg20[%add3A_45, %dma_wait3A] : memref<10240x64xf32, #tpu.memory_space<vmem_shared>> -> memref<128x64xf32, #tpu.memory_space<vmem_shared>>
      %dma_wait3A_177 = arith.constant 0 : i32
      %dma_wait3A_178 = tpu.memref_slice %arg20[%add3A_45, %dma_wait3A_177] : memref<10240x64xf32, #tpu.memory_space<vmem_shared>> -> memref<128x64xf32, #tpu.memory_space<vmem_shared>>
      tpu.wait_dma2 semaphore(%run_scoped3A : memref<!tpu.dma_semaphore, #tpu.memory_space<semaphore_mem>>) src(%dma_wait3A_178 : memref<128x64xf32, #tpu.memory_space<vmem_shared>>) dst(%arg12 : memref<128x64xf32, #tpu.memory_space<vmem>>)
      tpu.yield
    }) : () -> ()
    %eq3A_46 = arith.constant 0 : i32
    %eq3A_47 = arith.cmpi eq, %arg0, %eq3A_46 : i32
    %convert_element_type3A_48 = arith.extui %eq3A_47 : i1 to i32
    %cond3A_49 = arith.constant 0 : i32
    %cond3A_50 = arith.cmpi ne, %convert_element_type3A_48, %cond3A_49 : i32
    scf.if %cond3A_50 {
      %dma_start3A = arith.constant 0 : i32
      %dma_start3A_173 = tpu.memref_slice %arg6[%add3A_45, %dma_start3A] : memref<10240x64xf32, #tpu.memory_space<hbm>> -> memref<128x64xf32, #tpu.memory_space<hbm>>
      %dma_start3A_174 = arith.constant 0 : i32
      %dma_start3A_175 = tpu.memref_slice %arg6[%add3A_45, %dma_start3A_174] : memref<10240x64xf32, #tpu.memory_space<hbm>> -> memref<128x64xf32, #tpu.memory_space<hbm>>
      tpu.enqueue_dma source(%arg12 : memref<128x64xf32, #tpu.memory_space<vmem>>) target(%dma_start3A_175 : memref<128x64xf32, #tpu.memory_space<hbm>>) target_semaphore(%arg23 : memref<!tpu.dma_semaphore, #tpu.memory_space<semaphore_mem>>)
    } else {
    }
    %eq3A_51 = arith.constant 1 : i32
    %eq3A_52 = arith.cmpi eq, %arg0, %eq3A_51 : i32
    %convert_element_type3A_53 = arith.extui %eq3A_52 : i1 to i32
    %cond3A_54 = arith.constant 0 : i32
    %cond3A_55 = arith.cmpi ne, %convert_element_type3A_53, %cond3A_54 : i32
    scf.if %cond3A_55 {
      %dma_start3A = arith.constant 0 : i32
      %dma_start3A_173 = tpu.memref_slice %arg7[%add3A_45, %dma_start3A] : memref<10240x64xf32, #tpu.memory_space<hbm>> -> memref<128x64xf32, #tpu.memory_space<hbm>>
      %dma_start3A_174 = arith.constant 0 : i32
      %dma_start3A_175 = tpu.memref_slice %arg7[%add3A_45, %dma_start3A_174] : memref<10240x64xf32, #tpu.memory_space<hbm>> -> memref<128x64xf32, #tpu.memory_space<hbm>>
      tpu.enqueue_dma source(%arg12 : memref<128x64xf32, #tpu.memory_space<vmem>>) target(%dma_start3A_175 : memref<128x64xf32, #tpu.memory_space<hbm>>) target_semaphore(%arg23 : memref<!tpu.dma_semaphore, #tpu.memory_space<semaphore_mem>>)
    } else {
    }
    %mul3A_56 = arith.constant 640 : i32
    %mul3A_57 = arith.muli %arg1, %mul3A_56 : i32
    %add3A_58 = arith.constant 256 : i32
    %add3A_59 = arith.addi %mul3A_57, %add3A_58 : i32
    "tpu.region"() ({
      %run_scoped3A = tpu.sem_alloc : memref<!tpu.dma_semaphore, #tpu.memory_space<semaphore_mem>>
      %dma_start3A = arith.constant 0 : i32
      %dma_start3A_173 = tpu.memref_slice %arg20[%add3A_59, %dma_start3A] : memref<10240x64xf32, #tpu.memory_space<vmem_shared>> -> memref<128x64xf32, #tpu.memory_space<vmem_shared>>
      %dma_start3A_174 = arith.constant 0 : i32
      %dma_start3A_175 = tpu.memref_slice %arg20[%add3A_59, %dma_start3A_174] : memref<10240x64xf32, #tpu.memory_space<vmem_shared>> -> memref<128x64xf32, #tpu.memory_space<vmem_shared>>
      tpu.enqueue_dma source(%dma_start3A_175 : memref<128x64xf32, #tpu.memory_space<vmem_shared>>) target(%arg13 : memref<128x64xf32, #tpu.memory_space<vmem>>) target_semaphore(%run_scoped3A : memref<!tpu.dma_semaphore, #tpu.memory_space<semaphore_mem>>)
      %dma_wait3A = arith.constant 0 : i32
      %dma_wait3A_176 = tpu.memref_slice %arg20[%add3A_59, %dma_wait3A] : memref<10240x64xf32, #tpu.memory_space<vmem_shared>> -> memref<128x64xf32, #tpu.memory_space<vmem_shared>>
      %dma_wait3A_177 = arith.constant 0 : i32
      %dma_wait3A_178 = tpu.memref_slice %arg20[%add3A_59, %dma_wait3A_177] : memref<10240x64xf32, #tpu.memory_space<vmem_shared>> -> memref<128x64xf32, #tpu.memory_space<vmem_shared>>
      tpu.wait_dma2 semaphore(%run_scoped3A : memref<!tpu.dma_semaphore, #tpu.memory_space<semaphore_mem>>) src(%dma_wait3A_178 : memref<128x64xf32, #tpu.memory_space<vmem_shared>>) dst(%arg13 : memref<128x64xf32, #tpu.memory_space<vmem>>)
      tpu.yield
    }) : () -> ()
    %eq3A_60 = arith.constant 0 : i32
    %eq3A_61 = arith.cmpi eq, %arg0, %eq3A_60 : i32
    %convert_element_type3A_62 = arith.extui %eq3A_61 : i1 to i32
    %cond3A_63 = arith.constant 0 : i32
    %cond3A_64 = arith.cmpi ne, %convert_element_type3A_62, %cond3A_63 : i32
    scf.if %cond3A_64 {
      %dma_start3A = arith.constant 0 : i32
      %dma_start3A_173 = tpu.memref_slice %arg6[%add3A_59, %dma_start3A] : memref<10240x64xf32, #tpu.memory_space<hbm>> -> memref<128x64xf32, #tpu.memory_space<hbm>>
      %dma_start3A_174 = arith.constant 0 : i32
      %dma_start3A_175 = tpu.memref_slice %arg6[%add3A_59, %dma_start3A_174] : memref<10240x64xf32, #tpu.memory_space<hbm>> -> memref<128x64xf32, #tpu.memory_space<hbm>>
      tpu.enqueue_dma source(%arg13 : memref<128x64xf32, #tpu.memory_space<vmem>>) target(%dma_start3A_175 : memref<128x64xf32, #tpu.memory_space<hbm>>) target_semaphore(%arg24 : memref<!tpu.dma_semaphore, #tpu.memory_space<semaphore_mem>>)
    } else {
    }
    %eq3A_65 = arith.constant 1 : i32
    %eq3A_66 = arith.cmpi eq, %arg0, %eq3A_65 : i32
    %convert_element_type3A_67 = arith.extui %eq3A_66 : i1 to i32
    %cond3A_68 = arith.constant 0 : i32
    %cond3A_69 = arith.cmpi ne, %convert_element_type3A_67, %cond3A_68 : i32
    scf.if %cond3A_69 {
      %dma_start3A = arith.constant 0 : i32
      %dma_start3A_173 = tpu.memref_slice %arg7[%add3A_59, %dma_start3A] : memref<10240x64xf32, #tpu.memory_space<hbm>> -> memref<128x64xf32, #tpu.memory_space<hbm>>
      %dma_start3A_174 = arith.constant 0 : i32
      %dma_start3A_175 = tpu.memref_slice %arg7[%add3A_59, %dma_start3A_174] : memref<10240x64xf32, #tpu.memory_space<hbm>> -> memref<128x64xf32, #tpu.memory_space<hbm>>
      tpu.enqueue_dma source(%arg13 : memref<128x64xf32, #tpu.memory_space<vmem>>) target(%dma_start3A_175 : memref<128x64xf32, #tpu.memory_space<hbm>>) target_semaphore(%arg24 : memref<!tpu.dma_semaphore, #tpu.memory_space<semaphore_mem>>)
    } else {
    }
    %mul3A_70 = arith.constant 640 : i32
    %mul3A_71 = arith.muli %arg1, %mul3A_70 : i32
    %add3A_72 = arith.constant 384 : i32
    %add3A_73 = arith.addi %mul3A_71, %add3A_72 : i32
    "tpu.region"() ({
      %run_scoped3A = tpu.sem_alloc : memref<!tpu.dma_semaphore, #tpu.memory_space<semaphore_mem>>
      %dma_start3A = arith.constant 0 : i32
      %dma_start3A_173 = tpu.memref_slice %arg20[%add3A_73, %dma_start3A] : memref<10240x64xf32, #tpu.memory_space<vmem_shared>> -> memref<128x64xf32, #tpu.memory_space<vmem_shared>>
      %dma_start3A_174 = arith.constant 0 : i32
      %dma_start3A_175 = tpu.memref_slice %arg20[%add3A_73, %dma_start3A_174] : memref<10240x64xf32, #tpu.memory_space<vmem_shared>> -> memref<128x64xf32, #tpu.memory_space<vmem_shared>>
      tpu.enqueue_dma source(%dma_start3A_175 : memref<128x64xf32, #tpu.memory_space<vmem_shared>>) target(%arg14 : memref<128x64xf32, #tpu.memory_space<vmem>>) target_semaphore(%run_scoped3A : memref<!tpu.dma_semaphore, #tpu.memory_space<semaphore_mem>>)
      %dma_wait3A = arith.constant 0 : i32
      %dma_wait3A_176 = tpu.memref_slice %arg20[%add3A_73, %dma_wait3A] : memref<10240x64xf32, #tpu.memory_space<vmem_shared>> -> memref<128x64xf32, #tpu.memory_space<vmem_shared>>
      %dma_wait3A_177 = arith.constant 0 : i32
      %dma_wait3A_178 = tpu.memref_slice %arg20[%add3A_73, %dma_wait3A_177] : memref<10240x64xf32, #tpu.memory_space<vmem_shared>> -> memref<128x64xf32, #tpu.memory_space<vmem_shared>>
      tpu.wait_dma2 semaphore(%run_scoped3A : memref<!tpu.dma_semaphore, #tpu.memory_space<semaphore_mem>>) src(%dma_wait3A_178 : memref<128x64xf32, #tpu.memory_space<vmem_shared>>) dst(%arg14 : memref<128x64xf32, #tpu.memory_space<vmem>>)
      tpu.yield
    }) : () -> ()
    %eq3A_74 = arith.constant 0 : i32
    %eq3A_75 = arith.cmpi eq, %arg0, %eq3A_74 : i32
    %convert_element_type3A_76 = arith.extui %eq3A_75 : i1 to i32
    %cond3A_77 = arith.constant 0 : i32
    %cond3A_78 = arith.cmpi ne, %convert_element_type3A_76, %cond3A_77 : i32
    scf.if %cond3A_78 {
      %dma_start3A = arith.constant 0 : i32
      %dma_start3A_173 = tpu.memref_slice %arg6[%add3A_73, %dma_start3A] : memref<10240x64xf32, #tpu.memory_space<hbm>> -> memref<128x64xf32, #tpu.memory_space<hbm>>
      %dma_start3A_174 = arith.constant 0 : i32
      %dma_start3A_175 = tpu.memref_slice %arg6[%add3A_73, %dma_start3A_174] : memref<10240x64xf32, #tpu.memory_space<hbm>> -> memref<128x64xf32, #tpu.memory_space<hbm>>
      tpu.enqueue_dma source(%arg14 : memref<128x64xf32, #tpu.memory_space<vmem>>) target(%dma_start3A_175 : memref<128x64xf32, #tpu.memory_space<hbm>>) target_semaphore(%arg25 : memref<!tpu.dma_semaphore, #tpu.memory_space<semaphore_mem>>)
    } else {
    }
    %eq3A_79 = arith.constant 1 : i32
    %eq3A_80 = arith.cmpi eq, %arg0, %eq3A_79 : i32
    %convert_element_type3A_81 = arith.extui %eq3A_80 : i1 to i32
    %cond3A_82 = arith.constant 0 : i32
    %cond3A_83 = arith.cmpi ne, %convert_element_type3A_81, %cond3A_82 : i32
    scf.if %cond3A_83 {
      %dma_start3A = arith.constant 0 : i32
      %dma_start3A_173 = tpu.memref_slice %arg7[%add3A_73, %dma_start3A] : memref<10240x64xf32, #tpu.memory_space<hbm>> -> memref<128x64xf32, #tpu.memory_space<hbm>>
      %dma_start3A_174 = arith.constant 0 : i32
      %dma_start3A_175 = tpu.memref_slice %arg7[%add3A_73, %dma_start3A_174] : memref<10240x64xf32, #tpu.memory_space<hbm>> -> memref<128x64xf32, #tpu.memory_space<hbm>>
      tpu.enqueue_dma source(%arg14 : memref<128x64xf32, #tpu.memory_space<vmem>>) target(%dma_start3A_175 : memref<128x64xf32, #tpu.memory_space<hbm>>) target_semaphore(%arg25 : memref<!tpu.dma_semaphore, #tpu.memory_space<semaphore_mem>>)
    } else {
    }
    %mul3A_84 = arith.constant 640 : i32
    %mul3A_85 = arith.muli %arg1, %mul3A_84 : i32
    %add3A_86 = arith.constant 512 : i32
    %add3A_87 = arith.addi %mul3A_85, %add3A_86 : i32
    "tpu.region"() ({
      %run_scoped3A = tpu.sem_alloc : memref<!tpu.dma_semaphore, #tpu.memory_space<semaphore_mem>>
      %dma_start3A = arith.constant 0 : i32
      %dma_start3A_173 = tpu.memref_slice %arg20[%add3A_87, %dma_start3A] : memref<10240x64xf32, #tpu.memory_space<vmem_shared>> -> memref<128x64xf32, #tpu.memory_space<vmem_shared>>
      %dma_start3A_174 = arith.constant 0 : i32
      %dma_start3A_175 = tpu.memref_slice %arg20[%add3A_87, %dma_start3A_174] : memref<10240x64xf32, #tpu.memory_space<vmem_shared>> -> memref<128x64xf32, #tpu.memory_space<vmem_shared>>
      tpu.enqueue_dma source(%dma_start3A_175 : memref<128x64xf32, #tpu.memory_space<vmem_shared>>) target(%arg15 : memref<128x64xf32, #tpu.memory_space<vmem>>) target_semaphore(%run_scoped3A : memref<!tpu.dma_semaphore, #tpu.memory_space<semaphore_mem>>)
      %dma_wait3A = arith.constant 0 : i32
      %dma_wait3A_176 = tpu.memref_slice %arg20[%add3A_87, %dma_wait3A] : memref<10240x64xf32, #tpu.memory_space<vmem_shared>> -> memref<128x64xf32, #tpu.memory_space<vmem_shared>>
      %dma_wait3A_177 = arith.constant 0 : i32
      %dma_wait3A_178 = tpu.memref_slice %arg20[%add3A_87, %dma_wait3A_177] : memref<10240x64xf32, #tpu.memory_space<vmem_shared>> -> memref<128x64xf32, #tpu.memory_space<vmem_shared>>
      tpu.wait_dma2 semaphore(%run_scoped3A : memref<!tpu.dma_semaphore, #tpu.memory_space<semaphore_mem>>) src(%dma_wait3A_178 : memref<128x64xf32, #tpu.memory_space<vmem_shared>>) dst(%arg15 : memref<128x64xf32, #tpu.memory_space<vmem>>)
      tpu.yield
    }) : () -> ()
    %eq3A_88 = arith.constant 0 : i32
    %eq3A_89 = arith.cmpi eq, %arg0, %eq3A_88 : i32
    %convert_element_type3A_90 = arith.extui %eq3A_89 : i1 to i32
    %cond3A_91 = arith.constant 0 : i32
    %cond3A_92 = arith.cmpi ne, %convert_element_type3A_90, %cond3A_91 : i32
    scf.if %cond3A_92 {
      %dma_start3A = arith.constant 0 : i32
      %dma_start3A_173 = tpu.memref_slice %arg6[%add3A_87, %dma_start3A] : memref<10240x64xf32, #tpu.memory_space<hbm>> -> memref<128x64xf32, #tpu.memory_space<hbm>>
      %dma_start3A_174 = arith.constant 0 : i32
      %dma_start3A_175 = tpu.memref_slice %arg6[%add3A_87, %dma_start3A_174] : memref<10240x64xf32, #tpu.memory_space<hbm>> -> memref<128x64xf32, #tpu.memory_space<hbm>>
      tpu.enqueue_dma source(%arg15 : memref<128x64xf32, #tpu.memory_space<vmem>>) target(%dma_start3A_175 : memref<128x64xf32, #tpu.memory_space<hbm>>) target_semaphore(%arg26 : memref<!tpu.dma_semaphore, #tpu.memory_space<semaphore_mem>>)
    } else {
    }
    %eq3A_93 = arith.constant 1 : i32
    %eq3A_94 = arith.cmpi eq, %arg0, %eq3A_93 : i32
    %convert_element_type3A_95 = arith.extui %eq3A_94 : i1 to i32
    %cond3A_96 = arith.constant 0 : i32
    %cond3A_97 = arith.cmpi ne, %convert_element_type3A_95, %cond3A_96 : i32
    scf.if %cond3A_97 {
      %dma_start3A = arith.constant 0 : i32
      %dma_start3A_173 = tpu.memref_slice %arg7[%add3A_87, %dma_start3A] : memref<10240x64xf32, #tpu.memory_space<hbm>> -> memref<128x64xf32, #tpu.memory_space<hbm>>
      %dma_start3A_174 = arith.constant 0 : i32
      %dma_start3A_175 = tpu.memref_slice %arg7[%add3A_87, %dma_start3A_174] : memref<10240x64xf32, #tpu.memory_space<hbm>> -> memref<128x64xf32, #tpu.memory_space<hbm>>
      tpu.enqueue_dma source(%arg15 : memref<128x64xf32, #tpu.memory_space<vmem>>) target(%dma_start3A_175 : memref<128x64xf32, #tpu.memory_space<hbm>>) target_semaphore(%arg26 : memref<!tpu.dma_semaphore, #tpu.memory_space<semaphore_mem>>)
    } else {
    }
    %eq3A_98 = arith.constant 0 : i32
    %eq3A_99 = arith.cmpi eq, %arg0, %eq3A_98 : i32
    %convert_element_type3A_100 = arith.extui %eq3A_99 : i1 to i32
    %cond3A_101 = arith.constant 0 : i32
    %cond3A_102 = arith.cmpi ne, %convert_element_type3A_100, %cond3A_101 : i32
    scf.if %cond3A_102 {
      %scan3A_173 = arith.constant 0 : i32
      %scan3A_174 = arith.constant 5 : i32
      %scan3A_175 = arith.addi %scan3A_173, %scan3A_174 : i32
      %scan3A_176 = arith.constant 1 : i32
      scf.for %scan3A_178 = %scan3A_173 to %scan3A_175 step %scan3A_176  : i32 {
        %mul3A_179 = arith.constant 1 : i32
        %mul3A_180 = arith.muli %scan3A_178, %mul3A_179 : i32
        %add3A_181 = arith.constant 0 : i32
        %add3A_182 = arith.addi %add3A_181, %mul3A_180 : i32
        %mul3A_183 = arith.constant 640 : i32
        %mul3A_184 = arith.muli %arg1, %mul3A_183 : i32
        %mul3A_185 = arith.constant 128 : i32
        %mul3A_186 = arith.muli %add3A_182, %mul3A_185 : i32
        %add3A_187 = arith.addi %mul3A_184, %mul3A_186 : i32
        "tpu.region"() ({
          %run_scoped3A = tpu.sem_alloc : memref<!tpu.dma_semaphore, #tpu.memory_space<semaphore_mem>>
          %dma_start3A = arith.constant 0 : i32
          %dma_start3A_188 = tpu.memref_slice %arg21[%add3A_187, %dma_start3A] : memref<10240x16xf32, #tpu.memory_space<vmem_shared>> -> memref<128x16xf32, #tpu.memory_space<vmem_shared>>
          %dma_start3A_189 = arith.constant 0 : i32
          %dma_start3A_190 = tpu.memref_slice %arg21[%add3A_187, %dma_start3A_189] : memref<10240x16xf32, #tpu.memory_space<vmem_shared>> -> memref<128x16xf32, #tpu.memory_space<vmem_shared>>
          tpu.enqueue_dma source(%dma_start3A_190 : memref<128x16xf32, #tpu.memory_space<vmem_shared>>) target(%arg19 : memref<128x16xf32, #tpu.memory_space<vmem>>) target_semaphore(%run_scoped3A : memref<!tpu.dma_semaphore, #tpu.memory_space<semaphore_mem>>)
          %dma_wait3A = arith.constant 0 : i32
          %dma_wait3A_191 = tpu.memref_slice %arg21[%add3A_187, %dma_wait3A] : memref<10240x16xf32, #tpu.memory_space<vmem_shared>> -> memref<128x16xf32, #tpu.memory_space<vmem_shared>>
          %dma_wait3A_192 = arith.constant 0 : i32
          %dma_wait3A_193 = tpu.memref_slice %arg21[%add3A_187, %dma_wait3A_192] : memref<10240x16xf32, #tpu.memory_space<vmem_shared>> -> memref<128x16xf32, #tpu.memory_space<vmem_shared>>
          tpu.wait_dma2 semaphore(%run_scoped3A : memref<!tpu.dma_semaphore, #tpu.memory_space<semaphore_mem>>) src(%dma_wait3A_193 : memref<128x16xf32, #tpu.memory_space<vmem_shared>>) dst(%arg19 : memref<128x16xf32, #tpu.memory_space<vmem>>)
          tpu.yield
        }) : () -> ()
        "tpu.region"() ({
          %run_scoped3A = tpu.sem_alloc : memref<!tpu.dma_semaphore, #tpu.memory_space<semaphore_mem>>
          %dma_start3A = arith.constant 0 : i32
          %dma_start3A_188 = tpu.memref_slice %arg8[%add3A_187, %dma_start3A] : memref<10240x16xf32, #tpu.memory_space<hbm>> -> memref<128x16xf32, #tpu.memory_space<hbm>>
          %dma_start3A_189 = arith.constant 0 : i32
          %dma_start3A_190 = tpu.memref_slice %arg8[%add3A_187, %dma_start3A_189] : memref<10240x16xf32, #tpu.memory_space<hbm>> -> memref<128x16xf32, #tpu.memory_space<hbm>>
          tpu.enqueue_dma source(%arg19 : memref<128x16xf32, #tpu.memory_space<vmem>>) target(%dma_start3A_190 : memref<128x16xf32, #tpu.memory_space<hbm>>) target_semaphore(%run_scoped3A : memref<!tpu.dma_semaphore, #tpu.memory_space<semaphore_mem>>)
          %dma_wait3A = arith.constant 0 : i32
          %dma_wait3A_191 = tpu.memref_slice %arg8[%add3A_187, %dma_wait3A] : memref<10240x16xf32, #tpu.memory_space<hbm>> -> memref<128x16xf32, #tpu.memory_space<hbm>>
          %dma_wait3A_192 = arith.constant 0 : i32
          %dma_wait3A_193 = tpu.memref_slice %arg8[%add3A_187, %dma_wait3A_192] : memref<10240x16xf32, #tpu.memory_space<hbm>> -> memref<128x16xf32, #tpu.memory_space<hbm>>
          tpu.wait_dma2 semaphore(%run_scoped3A : memref<!tpu.dma_semaphore, #tpu.memory_space<semaphore_mem>>) src(%arg19 : memref<128x16xf32, #tpu.memory_space<vmem>>) dst(%dma_wait3A_193 : memref<128x16xf32, #tpu.memory_space<hbm>>)
          tpu.yield
        }) : () -> ()
      }
      %scan3A_177 = arith.constant 5 : i32
    } else {
    }
    %mul3A_103 = arith.constant 640 : i32
    %mul3A_104 = arith.muli %arg1, %mul3A_103 : i32
    %add3A_105 = arith.constant 0 : i32
    %add3A_106 = arith.addi %mul3A_104, %add3A_105 : i32
    %eq3A_107 = arith.constant 0 : i32
    %eq3A_108 = arith.cmpi eq, %arg0, %eq3A_107 : i32
    %convert_element_type3A_109 = arith.extui %eq3A_108 : i1 to i32
    %cond3A_110 = arith.constant 0 : i32
    %cond3A_111 = arith.cmpi ne, %convert_element_type3A_109, %cond3A_110 : i32
    scf.if %cond3A_111 {
      %dma_wait3A = arith.constant 0 : i32
      %dma_wait3A_173 = tpu.memref_slice %arg6[%add3A_106, %dma_wait3A] : memref<10240x64xf32, #tpu.memory_space<hbm>> -> memref<128x64xf32, #tpu.memory_space<hbm>>
      %dma_wait3A_174 = arith.constant 0 : i32
      %dma_wait3A_175 = tpu.memref_slice %arg6[%add3A_106, %dma_wait3A_174] : memref<10240x64xf32, #tpu.memory_space<hbm>> -> memref<128x64xf32, #tpu.memory_space<hbm>>
      tpu.wait_dma2 semaphore(%arg22 : memref<!tpu.dma_semaphore, #tpu.memory_space<semaphore_mem>>) src(%arg11 : memref<128x64xf32, #tpu.memory_space<vmem>>) dst(%dma_wait3A_175 : memref<128x64xf32, #tpu.memory_space<hbm>>)
    } else {
    }
    %eq3A_112 = arith.constant 1 : i32
    %eq3A_113 = arith.cmpi eq, %arg0, %eq3A_112 : i32
    %convert_element_type3A_114 = arith.extui %eq3A_113 : i1 to i32
    %cond3A_115 = arith.constant 0 : i32
    %cond3A_116 = arith.cmpi ne, %convert_element_type3A_114, %cond3A_115 : i32
    scf.if %cond3A_116 {
      %dma_wait3A = arith.constant 0 : i32
      %dma_wait3A_173 = tpu.memref_slice %arg7[%add3A_106, %dma_wait3A] : memref<10240x64xf32, #tpu.memory_space<hbm>> -> memref<128x64xf32, #tpu.memory_space<hbm>>
      %dma_wait3A_174 = arith.constant 0 : i32
      %dma_wait3A_175 = tpu.memref_slice %arg7[%add3A_106, %dma_wait3A_174] : memref<10240x64xf32, #tpu.memory_space<hbm>> -> memref<128x64xf32, #tpu.memory_space<hbm>>
      tpu.wait_dma2 semaphore(%arg22 : memref<!tpu.dma_semaphore, #tpu.memory_space<semaphore_mem>>) src(%arg11 : memref<128x64xf32, #tpu.memory_space<vmem>>) dst(%dma_wait3A_175 : memref<128x64xf32, #tpu.memory_space<hbm>>)
    } else {
    }
    %mul3A_117 = arith.constant 640 : i32
    %mul3A_118 = arith.muli %arg1, %mul3A_117 : i32
    %add3A_119 = arith.constant 128 : i32
    %add3A_120 = arith.addi %mul3A_118, %add3A_119 : i32
    %eq3A_121 = arith.constant 0 : i32
    %eq3A_122 = arith.cmpi eq, %arg0, %eq3A_121 : i32
    %convert_element_type3A_123 = arith.extui %eq3A_122 : i1 to i32
    %cond3A_124 = arith.constant 0 : i32
    %cond3A_125 = arith.cmpi ne, %convert_element_type3A_123, %cond3A_124 : i32
    scf.if %cond3A_125 {
      %dma_wait3A = arith.constant 0 : i32
      %dma_wait3A_173 = tpu.memref_slice %arg6[%add3A_120, %dma_wait3A] : memref<10240x64xf32, #tpu.memory_space<hbm>> -> memref<128x64xf32, #tpu.memory_space<hbm>>
      %dma_wait3A_174 = arith.constant 0 : i32
      %dma_wait3A_175 = tpu.memref_slice %arg6[%add3A_120, %dma_wait3A_174] : memref<10240x64xf32, #tpu.memory_space<hbm>> -> memref<128x64xf32, #tpu.memory_space<hbm>>
      tpu.wait_dma2 semaphore(%arg23 : memref<!tpu.dma_semaphore, #tpu.memory_space<semaphore_mem>>) src(%arg12 : memref<128x64xf32, #tpu.memory_space<vmem>>) dst(%dma_wait3A_175 : memref<128x64xf32, #tpu.memory_space<hbm>>)
    } else {
    }
    %eq3A_126 = arith.constant 1 : i32
    %eq3A_127 = arith.cmpi eq, %arg0, %eq3A_126 : i32
    %convert_element_type3A_128 = arith.extui %eq3A_127 : i1 to i32
    %cond3A_129 = arith.constant 0 : i32
    %cond3A_130 = arith.cmpi ne, %convert_element_type3A_128, %cond3A_129 : i32
    scf.if %cond3A_130 {
      %dma_wait3A = arith.constant 0 : i32
      %dma_wait3A_173 = tpu.memref_slice %arg7[%add3A_120, %dma_wait3A] : memref<10240x64xf32, #tpu.memory_space<hbm>> -> memref<128x64xf32, #tpu.memory_space<hbm>>
      %dma_wait3A_174 = arith.constant 0 : i32
      %dma_wait3A_175 = tpu.memref_slice %arg7[%add3A_120, %dma_wait3A_174] : memref<10240x64xf32, #tpu.memory_space<hbm>> -> memref<128x64xf32, #tpu.memory_space<hbm>>
      tpu.wait_dma2 semaphore(%arg23 : memref<!tpu.dma_semaphore, #tpu.memory_space<semaphore_mem>>) src(%arg12 : memref<128x64xf32, #tpu.memory_space<vmem>>) dst(%dma_wait3A_175 : memref<128x64xf32, #tpu.memory_space<hbm>>)
    } else {
    }
    %mul3A_131 = arith.constant 640 : i32
    %mul3A_132 = arith.muli %arg1, %mul3A_131 : i32
    %add3A_133 = arith.constant 256 : i32
    %add3A_134 = arith.addi %mul3A_132, %add3A_133 : i32
    %eq3A_135 = arith.constant 0 : i32
    %eq3A_136 = arith.cmpi eq, %arg0, %eq3A_135 : i32
    %convert_element_type3A_137 = arith.extui %eq3A_136 : i1 to i32
    %cond3A_138 = arith.constant 0 : i32
    %cond3A_139 = arith.cmpi ne, %convert_element_type3A_137, %cond3A_138 : i32
    scf.if %cond3A_139 {
      %dma_wait3A = arith.constant 0 : i32
      %dma_wait3A_173 = tpu.memref_slice %arg6[%add3A_134, %dma_wait3A] : memref<10240x64xf32, #tpu.memory_space<hbm>> -> memref<128x64xf32, #tpu.memory_space<hbm>>
      %dma_wait3A_174 = arith.constant 0 : i32
      %dma_wait3A_175 = tpu.memref_slice %arg6[%add3A_134, %dma_wait3A_174] : memref<10240x64xf32, #tpu.memory_space<hbm>> -> memref<128x64xf32, #tpu.memory_space<hbm>>
      tpu.wait_dma2 semaphore(%arg24 : memref<!tpu.dma_semaphore, #tpu.memory_space<semaphore_mem>>) src(%arg13 : memref<128x64xf32, #tpu.memory_space<vmem>>) dst(%dma_wait3A_175 : memref<128x64xf32, #tpu.memory_space<hbm>>)
    } else {
    }
    %eq3A_140 = arith.constant 1 : i32
    %eq3A_141 = arith.cmpi eq, %arg0, %eq3A_140 : i32
    %convert_element_type3A_142 = arith.extui %eq3A_141 : i1 to i32
    %cond3A_143 = arith.constant 0 : i32
    %cond3A_144 = arith.cmpi ne, %convert_element_type3A_142, %cond3A_143 : i32
    scf.if %cond3A_144 {
      %dma_wait3A = arith.constant 0 : i32
      %dma_wait3A_173 = tpu.memref_slice %arg7[%add3A_134, %dma_wait3A] : memref<10240x64xf32, #tpu.memory_space<hbm>> -> memref<128x64xf32, #tpu.memory_space<hbm>>
      %dma_wait3A_174 = arith.constant 0 : i32
      %dma_wait3A_175 = tpu.memref_slice %arg7[%add3A_134, %dma_wait3A_174] : memref<10240x64xf32, #tpu.memory_space<hbm>> -> memref<128x64xf32, #tpu.memory_space<hbm>>
      tpu.wait_dma2 semaphore(%arg24 : memref<!tpu.dma_semaphore, #tpu.memory_space<semaphore_mem>>) src(%arg13 : memref<128x64xf32, #tpu.memory_space<vmem>>) dst(%dma_wait3A_175 : memref<128x64xf32, #tpu.memory_space<hbm>>)
    } else {
    }
    %mul3A_145 = arith.constant 640 : i32
    %mul3A_146 = arith.muli %arg1, %mul3A_145 : i32
    %add3A_147 = arith.constant 384 : i32
    %add3A_148 = arith.addi %mul3A_146, %add3A_147 : i32
    %eq3A_149 = arith.constant 0 : i32
    %eq3A_150 = arith.cmpi eq, %arg0, %eq3A_149 : i32
    %convert_element_type3A_151 = arith.extui %eq3A_150 : i1 to i32
    %cond3A_152 = arith.constant 0 : i32
    %cond3A_153 = arith.cmpi ne, %convert_element_type3A_151, %cond3A_152 : i32
    scf.if %cond3A_153 {
      %dma_wait3A = arith.constant 0 : i32
      %dma_wait3A_173 = tpu.memref_slice %arg6[%add3A_148, %dma_wait3A] : memref<10240x64xf32, #tpu.memory_space<hbm>> -> memref<128x64xf32, #tpu.memory_space<hbm>>
      %dma_wait3A_174 = arith.constant 0 : i32
      %dma_wait3A_175 = tpu.memref_slice %arg6[%add3A_148, %dma_wait3A_174] : memref<10240x64xf32, #tpu.memory_space<hbm>> -> memref<128x64xf32, #tpu.memory_space<hbm>>
      tpu.wait_dma2 semaphore(%arg25 : memref<!tpu.dma_semaphore, #tpu.memory_space<semaphore_mem>>) src(%arg14 : memref<128x64xf32, #tpu.memory_space<vmem>>) dst(%dma_wait3A_175 : memref<128x64xf32, #tpu.memory_space<hbm>>)
    } else {
    }
    %eq3A_154 = arith.constant 1 : i32
    %eq3A_155 = arith.cmpi eq, %arg0, %eq3A_154 : i32
    %convert_element_type3A_156 = arith.extui %eq3A_155 : i1 to i32
    %cond3A_157 = arith.constant 0 : i32
    %cond3A_158 = arith.cmpi ne, %convert_element_type3A_156, %cond3A_157 : i32
    scf.if %cond3A_158 {
      %dma_wait3A = arith.constant 0 : i32
      %dma_wait3A_173 = tpu.memref_slice %arg7[%add3A_148, %dma_wait3A] : memref<10240x64xf32, #tpu.memory_space<hbm>> -> memref<128x64xf32, #tpu.memory_space<hbm>>
      %dma_wait3A_174 = arith.constant 0 : i32
      %dma_wait3A_175 = tpu.memref_slice %arg7[%add3A_148, %dma_wait3A_174] : memref<10240x64xf32, #tpu.memory_space<hbm>> -> memref<128x64xf32, #tpu.memory_space<hbm>>
      tpu.wait_dma2 semaphore(%arg25 : memref<!tpu.dma_semaphore, #tpu.memory_space<semaphore_mem>>) src(%arg14 : memref<128x64xf32, #tpu.memory_space<vmem>>) dst(%dma_wait3A_175 : memref<128x64xf32, #tpu.memory_space<hbm>>)
    } else {
    }
    %mul3A_159 = arith.constant 640 : i32
    %mul3A_160 = arith.muli %arg1, %mul3A_159 : i32
    %add3A_161 = arith.constant 512 : i32
    %add3A_162 = arith.addi %mul3A_160, %add3A_161 : i32
    %eq3A_163 = arith.constant 0 : i32
    %eq3A_164 = arith.cmpi eq, %arg0, %eq3A_163 : i32
    %convert_element_type3A_165 = arith.extui %eq3A_164 : i1 to i32
    %cond3A_166 = arith.constant 0 : i32
    %cond3A_167 = arith.cmpi ne, %convert_element_type3A_165, %cond3A_166 : i32
    scf.if %cond3A_167 {
      %dma_wait3A = arith.constant 0 : i32
      %dma_wait3A_173 = tpu.memref_slice %arg6[%add3A_162, %dma_wait3A] : memref<10240x64xf32, #tpu.memory_space<hbm>> -> memref<128x64xf32, #tpu.memory_space<hbm>>
      %dma_wait3A_174 = arith.constant 0 : i32
      %dma_wait3A_175 = tpu.memref_slice %arg6[%add3A_162, %dma_wait3A_174] : memref<10240x64xf32, #tpu.memory_space<hbm>> -> memref<128x64xf32, #tpu.memory_space<hbm>>
      tpu.wait_dma2 semaphore(%arg26 : memref<!tpu.dma_semaphore, #tpu.memory_space<semaphore_mem>>) src(%arg15 : memref<128x64xf32, #tpu.memory_space<vmem>>) dst(%dma_wait3A_175 : memref<128x64xf32, #tpu.memory_space<hbm>>)
    } else {
    }
    %eq3A_168 = arith.constant 1 : i32
    %eq3A_169 = arith.cmpi eq, %arg0, %eq3A_168 : i32
    %convert_element_type3A_170 = arith.extui %eq3A_169 : i1 to i32
    %cond3A_171 = arith.constant 0 : i32
    %cond3A_172 = arith.cmpi ne, %convert_element_type3A_170, %cond3A_171 : i32
    scf.if %cond3A_172 {
      %dma_wait3A = arith.constant 0 : i32
      %dma_wait3A_173 = tpu.memref_slice %arg7[%add3A_162, %dma_wait3A] : memref<10240x64xf32, #tpu.memory_space<hbm>> -> memref<128x64xf32, #tpu.memory_space<hbm>>
      %dma_wait3A_174 = arith.constant 0 : i32
      %dma_wait3A_175 = tpu.memref_slice %arg7[%add3A_162, %dma_wait3A_174] : memref<10240x64xf32, #tpu.memory_space<hbm>> -> memref<128x64xf32, #tpu.memory_space<hbm>>
      tpu.wait_dma2 semaphore(%arg26 : memref<!tpu.dma_semaphore, #tpu.memory_space<semaphore_mem>>) src(%arg15 : memref<128x64xf32, #tpu.memory_space<vmem>>) dst(%dma_wait3A_175 : memref<128x64xf32, #tpu.memory_space<hbm>>)
    } else {
    }
    return
  }
}

module attributes {stable_mosaic.version = 14 : i64} {
  func.func @_mm_body(%arg0: memref<10000x128xf32, #tpu.memory_space<vmem>>, %arg1: memref<128x128xf32, #tpu.memory_space<vmem>>, %arg2: memref<10000x64xf32, #tpu.memory_space<vmem>>, %arg3: memref<10000x64xf32, #tpu.memory_space<vmem>>) attributes {dimension_semantics = [], scalar_prefetch = 0 : i64, scratch_operands = 0 : i64, tpu.core_type = #tpu.core_type<tc>} {
    %get3A = arith.constant 0 : index
    %get3A_0 = arith.constant 0 : index
    %get3A_1 = vector.load %arg0[%get3A, %get3A_0] : memref<10000x128xf32, #tpu.memory_space<vmem>>, vector<10000x128xf32>
    %get3A_2 = arith.constant 0 : index
    %get3A_3 = arith.constant 0 : index
    %get3A_4 = vector.load %arg1[%get3A_2, %get3A_3] : memref<128x128xf32, #tpu.memory_space<vmem>>, vector<128x128xf32>
    %dot_general3A = arith.constant dense<0.000000e+00> : vector<10000x128xf32>
    %dot_general3A_5 = tpu.matmul %get3A_1, %get3A_4, %dot_general3A {dimension_numbers = #tpu.dot_dimension_numbers<[1], [0], [0], [1], [0, 0, 1, 1], [], []>, transpose_lhs_hint = false} : vector<10000x128xf32>, vector<128x128xf32>, vector<10000x128xf32> -> vector<10000x128xf32>
    %slice3A = vector.extract_strided_slice %dot_general3A_5 {offsets = [0, 0], sizes = [10000, 64], strides = [1, 1]} : vector<10000x128xf32> to vector<10000x64xf32>
    %swap3A = arith.constant 0 : index
    %swap3A_6 = arith.constant 0 : index
    %swap3A_7 = vector.load %arg2[%swap3A, %swap3A_6] : memref<10000x64xf32, #tpu.memory_space<vmem>>, vector<10000x64xf32>
    tpu.vector_store %arg2[%swap3A, %swap3A_6], %slice3A {strides = array<i32>} : memref<10000x64xf32, #tpu.memory_space<vmem>>, vector<10000x64xf32>,
    %slice3A_8 = vector.extract_strided_slice %dot_general3A_5 {offsets = [0, 64], sizes = [10000, 64], strides = [1, 1]} : vector<10000x128xf32> to vector<10000x64xf32>
    %swap3A_9 = arith.constant 0 : index
    %swap3A_10 = arith.constant 0 : index
    %swap3A_11 = vector.load %arg3[%swap3A_9, %swap3A_10] : memref<10000x64xf32, #tpu.memory_space<vmem>>, vector<10000x64xf32>
    tpu.vector_store %arg3[%swap3A_9, %swap3A_10], %slice3A_8 {strides = array<i32>} : memref<10000x64xf32, #tpu.memory_space<vmem>>, vector<10000x64xf32>,
    return
  }
}

module attributes {stable_mosaic.version = 14 : i64} {
  func.func @_combine_body(%arg0: memref<10000x128xf32, #tpu.memory_space<vmem>>, %arg1: memref<128x128xf32, #tpu.memory_space<vmem>>, %arg2: memref<1x128xf32, #tpu.memory_space<vmem>>, %arg3: memref<10240x64xf32, #tpu.memory_space<vmem>>, %arg4: memref<10240x64xf32, #tpu.memory_space<vmem>>, %arg5: memref<10240x16xf32, #tpu.memory_space<vmem>>, %arg6: memref<10000x128xf32, #tpu.memory_space<vmem>>) attributes {dimension_semantics = [], scalar_prefetch = 0 : i64, scratch_operands = 0 : i64, tpu.core_type = #tpu.core_type<tc>} {
    %get3A = arith.constant 0 : index
    %get3A_0 = arith.constant 0 : index
    %get3A_1 = vector.load %arg0[%get3A, %get3A_0] : memref<10000x128xf32, #tpu.memory_space<vmem>>, vector<10000x128xf32>
    %get3A_2 = arith.constant 0 : index
    %get3A_3 = arith.constant 0 : index
    %get3A_4 = vector.load %arg1[%get3A_2, %get3A_3] : memref<128x128xf32, #tpu.memory_space<vmem>>, vector<128x128xf32>
    %dot_general3A = arith.constant dense<0.000000e+00> : vector<10000x128xf32>
    %dot_general3A_5 = tpu.matmul %get3A_1, %get3A_4, %dot_general3A {dimension_numbers = #tpu.dot_dimension_numbers<[1], [0], [0], [1], [0, 0, 1, 1], [], []>, transpose_lhs_hint = false} : vector<10000x128xf32>, vector<128x128xf32>, vector<10000x128xf32> -> vector<10000x128xf32>
    %get3A_6 = arith.constant 0 : index
    %get3A_7 = arith.constant 0 : index
    %get3A_8 = vector.load %arg3[%get3A_6, %get3A_7] : memref<10240x64xf32, #tpu.memory_space<vmem>>, vector<10000x64xf32>
    %get3A_9 = arith.constant 0 : index
    %get3A_10 = arith.constant 0 : index
    %get3A_11 = vector.load %arg4[%get3A_9, %get3A_10] : memref<10240x64xf32, #tpu.memory_space<vmem>>, vector<10000x64xf32>
    %concatenate3A = tpu.concatenate %get3A_8, %get3A_11 in 1 : vector<10000x64xf32>, vector<10000x64xf32> -> vector<10000x128xf32>
    %get3A_12 = arith.constant 0 : index
    %get3A_13 = arith.constant 0 : index
    %get3A_14 = vector.load %arg5[%get3A_12, %get3A_13] : memref<10240x16xf32, #tpu.memory_space<vmem>>, vector<10000x1xf32>
    %max3A = arith.constant 1.000000e+00 : f32
    %max3A_15 = vector.broadcast %max3A : f32 to vector<10000x1xf32>
    %max3A_16 = arith.maximumf %get3A_14, %max3A_15 : vector<10000x1xf32>
    %div3A = vector.broadcast %max3A_16 : vector<10000x1xf32> to vector<10000x128xf32>
    %div3A_17 = arith.divf %concatenate3A, %div3A : vector<10000x128xf32>
    %add3A = arith.addf %dot_general3A_5, %div3A_17 : vector<10000x128xf32>
    %get3A_18 = arith.constant 0 : index
    %get3A_19 = arith.constant 0 : index
    %get3A_20 = vector.load %arg2[%get3A_18, %get3A_19] : memref<1x128xf32, #tpu.memory_space<vmem>>, vector<1x128xf32>
    %add3A_21 = vector.broadcast %get3A_20 : vector<1x128xf32> to vector<10000x128xf32>
    %add3A_22 = arith.addf %add3A, %add3A_21 : vector<10000x128xf32>
    %swap3A = arith.constant 0 : index
    %swap3A_23 = arith.constant 0 : index
    %swap3A_24 = vector.load %arg6[%swap3A, %swap3A_23] : memref<10000x128xf32, #tpu.memory_space<vmem>>, vector<10000x128xf32>
    tpu.vector_store %arg6[%swap3A, %swap3A_23], %add3A_22 {strides = array<i32>} : memref<10000x128xf32, #tpu.memory_space<vmem>>, vector<10000x128xf32>,
    return
  }
}

</mosaic_0001>

<sc_bundles>
// kernel: kernel.5.cloned.1.call-start
scs
__scs_entry_jumppad:
0x0: {  	(pc) =	sbr.rel $0x88, $3  }
0x1: {  	(tag) =	ssettag $0x0;
	lr =	simm.s32 $0x1  }
0x2: {  	[smem:$0x3F9C] =	sst lr;
	_ =	strace $0xD0000000  }
0x3: {  	_ = 	snop  }
0x4: {  	_ = 	snop  }
0x5: {  	_ = 	snop  }
0x6: {  	_ = 	snop  }
0x7: {  	_ = 	snop  }
__scs_overlays_trampoline_lowered:
0x8: {  	[smem:$0x3FAB] =	sst s0  }
0x9: {  	[smem:$0x3FAC] =	sst s1  }
0xa: {  	[smem:$0x3FAD] =	sst s2  }
0xb: {  	[smem:$0x3FAE] =	sst s3  }
0xc: {  	[smem:$0x3FAF] =	sst s4  }
0xd: {  	[smem:$0x3FB0] =	sst s5  }
0xe: {  	[smem:$0x3FB1] =	sst s6  }
0xf: {  	[smem:$0x3FB2] =	sst s7  }
0x10: {  	[smem:$0x3FB3] =	sst s8  }
0x11: {  	[smem:$0x3FB4] =	sst s9;
	s0 =	simm.s32 @!p0 $0x0  }
0x12: {  	s1 =	sld [smem:$0x3F9A];
	s0 =	simm.s32 @p0 $0x1  }
0x13: {  	[smem:$0x3FB5] =	sst s0;
	s0 =	simm.s32 @!p1 $0x0  }
0x14: {  	s2 =	sld [smem:$0x3F99];
	s0 =	simm.s32 @p1 $0x1  }
0x15: {  	[smem:$0x3FB6] =	sst s0;
	s0 =	simm.s32 @!p2 $0x0  }
0x16: {  	s3 =	sld [smem:$0x3FDB];
	s0 =	simm.s32 @p2 $0x1  }
0x17: {  	s4 =	simm.s32 $0x1BF5;
	[smem:$0x3FB8] =	sst s0  }
0x18: {  	s0 =	sld [smem:$0x3F9B];
	_ =	swait.ge [sflag:s4], $0x0  }
0x19: {  	s7 =	sld [smem:$0x3F9C]  }
0x1a: {  	s8 =	sadd.s32 $0xFFFFE003, lr  }
0x1b: {  	s9 =	sadd.s32 $0xFFFFFEF7, lr;
	s5 =	simm.s32 $0xFFFFFFFF;
	p2 =	slt.u32 s8, $0xFFFFF086  }
0x1c: {  	p1 =	slt.u32 s9, $0xF7A;
	s5 =	simm.s32 @!p2 $0x0  }
0x1d: {  	s5 =	simm.s32 @p1 $0x1;
	p0 =	seq.s32 s7, s2  }
0x1e: {  	s7 =	smul.u32 @!p0 $0xF7A, s2;
	p2 =	seq.s32 @!p0 s5, $0x0  }
0x1f: {  	s9 =	smul.u32 $0xF7A, s1;
	s8 =	simm.s32 @!p0 $0x1BF5;
	p2 =	por !p2, p0  }
0x20: {  	[sflag:s8] =	ssyncset.s32 @!p0 $0xFFFFF086;
	s6 =	sadd.s32 @!p0 s3, s7;
	s7 =	simm.s32 @!p0 $0x108  }
0x21: {  	s3 =	sadd.s32 s3, s9;
	s6 =	sadd.s32 @!p0 $0x88, s6;
	s7 =	simm.s32 @p2 $0x1082  }
0x22: {  	[simem:s7], [sflag:s8] =	dma.local @!p0 [hbm:s6], $0xF7A  }
0x23: {  	s9 =	sor.u32 $0xD0000000, s2;
	s6 =	simm.s32 $0x108;
	_ =	swait.ge @!p0 [sflag:s8], $0x0  }
0x24: {  	s3 =	sadd.s32 $0x88, s3;
	s6 =	simm.s32 @!p1 $0x1082;
	[sflag:s4] =	ssyncset.s32 $0xFFFFF086  }
0x25: {  	[simem:s6], [sflag:s4] =	dma.local [hbm:s3], $0xF7A  }
0x26: {  	[smem:$0x3F9C] =	sst s1;
	(tag) =	ssettag s2;
	_ =	strace s9  }
0x27: {  	s1 =	sld [smem:$0x3FAC]  }
0x28: {  	s2 =	sld [smem:$0x3FAD]  }
0x29: {  	s4 =	sld [smem:$0x3FAF]  }
0x2a: {  	p0 =	seq.s32 s5, $0x0;
	s5 =	sld [smem:$0x3FB0]  }
0x2b: {  	s6 =	sld [smem:$0x3FB1]  }
0x2c: {  	s7 =	sld [smem:$0x3FB2]  }
0x2d: {  	s3 =	simm.s32 $0x108;
	s8 =	sld [smem:$0x3FB3]  }
0x2e: {  	s3 =	simm.s32 @!p0 $0x1082;
	s9 =	sld [smem:$0x3FB4]  }
0x2f: {  	lr =	sadd.s32 s0, s3;
	s0 =	sld [smem:$0x3FAB]  }
0x30: {  	s3 =	sld [smem:$0x3FAE]  }
0x31: {  	[smem:$0x3FB7] =	sst s10  }
0x32: {  	s10 =	sld [smem:$0x3FB5];
	_ =	sdelay $0x3  }
0x33: {  	p0 =	seq.s32 s10, $0x1;
	s10 =	sld [smem:$0x3FB7];
	_ =	sdelay $0x3  }
0x34: {  	[smem:$0x3FB7] =	sst s10  }
0x35: {  	s10 =	sld [smem:$0x3FB6];
	_ =	sdelay $0x3  }
0x36: {  	p1 =	seq.s32 s10, $0x1;
	s10 =	sld [smem:$0x3FB7];
	_ =	sdelay $0x3  }
0x37: {  	[smem:$0x3FB7] =	sst s10  }
0x38: {  	s10 =	sld [smem:$0x3FB8]  }
0x39: {  	_ = 	snop;
	(pc) =	sbr.ind lr, $3  }
0x3a: {  	_ = 	snop  }
0x3b: {  	_ = 	snop  }
0x3c: {  	p2 =	seq.s32 s10, $0x1;
	s10 =	sld [smem:$0x3FB7]  }
0x3d: {  	_ =	shalt  }
0x3e: {  	_ =	shalt  }
0x3f: {  	_ =	shalt  }
0x40: {  	_ =	shalt  }
0x41: {  	_ =	shalt  }
0x42: {  	_ =	shalt  }
0x43: {  	_ =	shalt  }
0x44: {  	_ =	shalt  }
0x45: {  	_ =	shalt  }
0x46: {  	_ =	shalt  }
0x47: {  	_ =	shalt  }
0x48: {  	_ =	shalt  }
0x49: {  	_ =	shalt  }
0x4a: {  	_ =	shalt  }
0x4b: {  	_ =	shalt  }
0x4c: {  	_ =	shalt  }
0x4d: {  	_ =	shalt  }
0x4e: {  	_ =	shalt  }
0x4f: {  	_ =	shalt  }
0x50: {  	_ =	shalt  }
0x51: {  	_ =	shalt  }
0x52: {  	_ =	shalt  }
0x53: {  	_ =	shalt  }
0x54: {  	_ =	shalt  }
0x55: {  	_ =	shalt  }
0x56: {  	_ =	shalt  }
0x57: {  	_ =	shalt  }
0x58: {  	_ =	shalt  }
0x59: {  	_ =	shalt  }
0x5a: {  	_ =	shalt  }
0x5b: {  	_ =	shalt  }
0x5c: {  	_ =	shalt  }
0x5d: {  	_ =	shalt  }
0x5e: {  	_ =	shalt  }
0x5f: {  	_ =	shalt  }
0x60: {  	_ =	shalt  }
0x61: {  	_ =	shalt  }
0x62: {  	_ =	shalt  }
0x63: {  	_ =	shalt  }
0x64: {  	_ =	shalt  }
0x65: {  	_ =	shalt  }
0x66: {  	_ =	shalt  }
0x67: {  	_ =	shalt  }
0x68: {  	_ =	shalt  }
0x69: {  	_ =	shalt  }
0x6a: {  	_ =	shalt  }
0x6b: {  	_ =	shalt  }
0x6c: {  	_ =	shalt  }
0x6d: {  	_ =	shalt  }
0x6e: {  	_ =	shalt  }
0x6f: {  	_ =	shalt  }
0x70: {  	_ =	shalt  }
0x71: {  	_ =	shalt  }
0x72: {  	_ =	shalt  }
0x73: {  	_ =	shalt  }
0x74: {  	_ =	shalt  }
0x75: {  	_ =	shalt  }
0x76: {  	_ =	shalt  }
0x77: {  	_ =	shalt  }
0x78: {  	_ =	shalt  }
0x79: {  	_ =	shalt  }
0x7a: {  	_ =	shalt  }
0x7b: {  	_ =	shalt  }
0x7c: {  	_ =	shalt  }
0x7d: {  	_ =	shalt  }
0x7e: {  	_ =	shalt  }
0x7f: {  	_ =	shalt  }
0x80: {  	_ =	shalt  }
0x81: {  	_ =	shalt  }
0x82: {  	_ =	shalt  }
0x83: {  	_ =	shalt  }
0x84: {  	_ =	shalt  }
0x85: {  	_ =	shalt  }
0x86: {  	_ =	shalt  }
0x87: {  	_ =	shalt  }
.Lfunc_end0:
.L_simem_size_0:
called_computation_lowered:
.L_overlay_start_0:
0x88: {  	s2 =	sld [smem:$0x3FD9]  }
0x89: {  	s3 =	sld [smem:$0x3FFE];
	_ =	sdelay $0x1  }
0x8a: {  	s1 =	srdreg.scid  }
0x8b: {  	s0 =	sand.u32 $0x1, s1  }
0x8c: {  	s17 =	sshll.u32 s0, $0xA;
	s2 =	sadd.s32 s3, s2  }
0x8d: {  	s2 =	sadd.s32 s2, s17  }
0x8e: {  	[smem:$0x3FC3] =	sst s2  }
0x8f: {  	_ = 	snop  }
0x90: {  	s2 =	sld [smem:$0x3FD0];
	(tm) =	ssettm $0x1  }
0x91: {  	s18 =	sld [smem:$0x3FFB];
	_ =	sdelay $0x3  }
0x92: {  	_ =	strace s18  }
0x93: {  	s3 =	sld [smem:$0x3FFC];
	_ =	sdelay $0x3  }
0x94: {  	_ =	strace s3  }
0x95: {  	s3 =	sld [smem:$0x3FFD];
	_ =	sdelay $0x3  }
0x96: {  	_ =	strace s3  }
0x97: {  	_ =	strace $0x8FFFFFFF  }
0x98: {  	s19 =	sld [smem:$0x3FDB];
	_ =	sdelay $0x1  }
0x99: {  	s4 =	simm.s32 $_scs_section_size  }
0x9a: {  	s5 =	simm.s32 $_size__tile_overlayer_lowered;
	s6 =	simm.s32 $_tile_overlayer_lowered  }
0x9b: {  	s22 =	simm.s32 $0x1BFF;
	s21 =	sshll.u32 s6, $0x1;
	s3 =	sadd.s32 s4, s19  }
0x9c: {  	s7 =	simm.s32 $0x0;
	s20 =	sshll.u32 s5, $0x1;
	s5 =	sadd.s32 s21, s3  }
0x9d: {  	[timem:s7], [sflag:s22] =	dma.local [hbm:s5], s20  }
0x9e: {  	_ =	swait.ge [sflag:s22], s20  }
0x9f: {  	s4 =	ssub.s32 $0x0, s20;
	[sflag:s22] =	ssyncset.done $0x0  }
0xa0: {  	[sflag:s22] =	ssyncadd.s32 s4;
	_ =	sdelay $0x1  }
0xa1: {  	s23 =	simm.s32 $0x1B8B  }
0xa2: {  	_ =	swait.ge [sflag:s23], $0x1  }
0xa3: {  	[sflag:s23] =	ssyncset.done $0x0  }
0xa4: {  	s25 =	simm.s32 $0x1B8E;
	s24 =	sld [smem:$0x3FFE];
	[sflag:s23] =	ssyncadd.s32 $0xFFFFFFFF  }
0xa5: {  	s26 =	simm.s32 $execute0_lowered;
	[smem:$0x3FD2] =	sst s25  }
0xa6: {  	s5 =	sshll.u32 s26, $0x1;
	_ =	strace $0x80000046;
	[dreg:$0x1] =	wrdreg $0xFFFFFFFF  }
0xa7: {  	s28 =	simm.s32 $_size_execute0_lowered;
	s3 =	sadd.s32 s3, s5;
	[dreg:$0x0] =	wrdreg $0x0  }
0xa8: {  	s5 =	sshll.u32 s28, $0x1;
	[dreg:$0x2] =	wrdreg s3  }
0xa9: {  	[dreg:$0x3] =	wrdreg s5  }
0xaa: {  	[dreg:$0x4] =	wrdreg $0xC0  }
0xab: {  	_ =	task [dreg:s7], $0x5FFFF  }
0xac: {  	[dreg:$0x1] =	wrdreg $0xFFFFFFFF  }
0xad: {  	[dreg:$0x0] =	wrdreg $0x60  }
0xae: {  	[dreg:$0x2] =	wrdreg s24  }
0xaf: {  	[dreg:$0x3] =	wrdreg s2  }
0xb0: {  	[dreg:$0x4] =	wrdreg $0x130000  }
0xb1: {  	[dreg:$0x5] =	wrdreg $0x1D0000  }
0xb2: {  	[dreg:$0x6] =	wrdreg $0x9  }
0xb3: {  	_ =	task.clear_ibuf [dreg:s7], $0x7FFFF;
	_ =	strace $0x90000046  }
0xb4: {  	s29 =	simm.s32 $0x9;
	_ =	strace $0x80000048  }
0xb5: {  	_ =	swait.ge [sflag:s29], $0x1  }
0xb6: {  	[sflag:s29] =	ssyncadd.s32 $0xFFFFFFFF  }
0xb7: {  	_ =	strace $0x90000048  }
0xb8: {  	_ =	sfence  }
0xb9: {  	s30 =	sld [smem:$0x0];
	_ =	sdelay $0x2  }
0xba: {  	s31 =	sshll.u32 s1, $0xD;
	s1 =	sshrl.u32 s1, $0x2  }
0xbb: {  	s3 =	sand.u32 $0x4000, s31;
	s1 =	sadd.s32 s1, s30  }
0xbc: {  	s0 =	sor.u32 s3, s0;
	s1 =	sshll.u32 s1, $0x11  }
0xbd: {  	s0 =	sor.u32 s1, s0  }
0xbe: {  	s0 =	sadd.s32 $0x8F2B, s0  }
0xbf: {  	[sflag:s0] =	ssyncadd.remote.s32 $0x1  }
0xc0: {  	_ =	sfence.sel $0xFFFF  }
0xc1: {  	[dreg:$0x0] =	wrdreg $0xFFFFFFFF;
	(pc) =	sbr.abs _section_cstart, $3  }
0xc2: {  	[dreg:$0x1] =	wrdreg $0xFFFFFFFF  }
0xc3: {  	_ =	task.clear_ibuf [dreg:s7], $0x2FFFF;
	_ =	strace $0x9FFFFFFF  }
0xc4: {  	(tm) =	ssettm $0x7FFFFFFF  }
0xc5: {  	_ =	shalt  }
tec
execute0_lowered:
.L_overlay_start_1:
0x0: {  	(tag) =	ssettag $0x1  }
0x1: {  	s1 =	rddreg [dreg:$0x0]  }
0x2: {  	s16 =	rddreg [dreg:$0x1]  }
0x3: {  	s2 =	rddreg [dreg:$0x2]  }
0x4: {  	s3 =	rddreg [dreg:$0x3]  }
0x5: {  	s0 =	simm.s32 $0x0;
	s21 =	srdreg.scid;
	s17 =	stileid.u32  }
0x6: {  	[smem:$0x7FF] =	sst s0;
	s5 =	sadd.s32 $0x1000, s1;
	s7 =	sadd.s32 $0x14A00, s1  }
0x7: {  	s20 =	sadd.s32 $0x28400, s1;
	s4 =	sadd.s32 $0x32400, s1;
	s22 =	sand.u32 $0x1, s21  }
0x8: {  	s18 =	sadd.s32 $0x3C400, s1;
	s0 =	smul.u32 $0x2800, s17;
	s1 =	sadd.s32 $0x50400, s1  }
0x9: {  	s9 =	smul.u32 $0xA000, s17;
	_ =	strace $0x80000047;
	[dreg:$0x5] =	wrdreg s20  }
0xa: {  	[dreg:$0x6] =	wrdreg s4;
	s6 =	ssub.s32 $0x2, s22;
	p0 =	seq.s32 s22, $0x0  }
0xb: {  	p1 =	sne.s32 s22, $0x0;
	[dreg:$0x7] =	wrdreg s18;
	s8 =	sshrl.u32 s6, $0x1  }
0xc: {  	s23 =	sshrl.u32 s0, $0x3;
	s10 =	sadd.s32 $0x800, s0;
	s12 =	sadd.s32 $0x1800, s0  }
0xd: {  	s19 =	sadd.s32 $0x4000, s9;
	s6 =	ssub.s32 s6, s8;
	s8 =	sadd.s32 s1, s23  }
0xe: {  	s21 =	sadd.s32 $0x6000, s9;
	s20 =	sadd.s32 s19, s2;
	[dreg:$0x8] =	wrdreg s8  }
0xf: {  	s24 =	sshrl.u32 s10, $0x3;
	s22 =	sadd.s32 s21, s2;
	[dreg:$0xf] =	wrdreg s20  }
0x10: {  	s14 =	sshrl.u32 s12, $0x3;
	s8 =	sadd.s32 s1, s24;
	[dreg:$0x11] =	wrdreg s22  }
0x11: {  	s11 =	sadd.s32 $0x2000, s9;
	s25 =	sadd.s32 s1, s14;
	[dreg:$0x9] =	wrdreg s8  }
0x12: {  	s23 =	sadd.s32 $0x8000, s9;
	s14 =	sshrl.u32 s11, $0x3;
	[dreg:$0xb] =	wrdreg s25  }
0x13: {  	s28 =	simm.s32 $0x80;
	s24 =	sadd.s32 s23, s2;
	[dreg:$0xe] =	wrdreg s14  }
0x14: {  	s15 =	sadd.s32 $0x2000, s0;
	s6 =	smax.u32 s6, $0x1;
	[dreg:$0x13] =	wrdreg s24  }
0x15: {  	s8 =	sadd.s32 $0x1000, s0;
	[dreg:$0x16] =	wrdreg s6;
	s14 =	sshrl.u32 s9, $0x3  }
0x16: {  	s0 =	sadd.s32 s0, s3;
	s13 =	sshrl.u32 s8, $0x3;
	[dreg:$0x18] =	wrdreg s14  }
0x17: {  	s26 =	sshrl.u32 s15, $0x3;
	[smem:$0x7F4] =	sst s0;
	s13 =	sadd.s32 s1, s13  }
0x18: {  	s25 =	smul.u32 $0x28000, s17;
	s1 =	sadd.s32 s1, s26;
	[dreg:$0xa] =	wrdreg s13  }
0x19: {  	s30 =	simm.s32 $0x6800;
	[dreg:$0xc] =	wrdreg s1;
	s13 =	sadd.s32 s11, s2  }
0x1a: {  	s4 =	sshrl.u32 s25, $0x2;
	s1 =	sshrl.u32 s19, $0x3;
	[dreg:$0xd] =	wrdreg s13  }
0x1b: {  	s29 =	simm.s32 $0xC800;
	s11 =	sadd.s32 s4, s2;
	[dreg:$0x10] =	wrdreg s1  }
0x1c: {  	s31 =	simm.s32 $0x8;
	s1 =	sshrl.u32 s21, $0x3;
	[dreg:$0x19] =	wrdreg s11  }
0x1d: {  	s13 =	sadd.s32 s9, s2;
	[dreg:$0x12] =	wrdreg s1;
	s1 =	sshrl.u32 s23, $0x3  }
0x1e: {  	[dreg:$0x17] =	wrdreg s13;
	s26 =	sadd.s32 s18, s1;
	s1 =	sadd.s32 s16, s1  }
0x1f: {  	s16 =	sshrl.u32 s9, $0x2;
	[dreg:$0x15] =	wrdreg s1;
	s1 =	smul.u32 $0x280, s17  }
0x20: {  	s0 =	simm.s32 $0x4800;
	[dreg:$0x14] =	wrdreg s26;
	s19 =	sadd.s32 s16, s3  }
0x21: {  	[dreg:$0x1a] =	wrdreg s19;
	s19 =	sadd.s32 s8, s3;
	s18 =	sadd.s32 $0x80, s1  }
0x22: {  	s22 =	sadd.s32 $0x100, s1;
	s24 =	sadd.s32 $0x180, s1;
	s1 =	sadd.s32 $0x200, s1  }
0x23: {  	[smem:$0x7F6] =	sst s19;
	s20 =	sshll.u32 s18, $0x6;
	s21 =	sshll.u32 s18, $0x4  }
0x24: {  	s23 =	sshll.u32 s22, $0x6;
	s25 =	sshll.u32 s22, $0x4;
	s26 =	sshll.u32 s24, $0x6  }
0x25: {  	s13 =	sshll.u32 s24, $0x4;
	s14 =	sshll.u32 s1, $0x6;
	s18 =	sadd.s32 s10, s3  }
0x26: {  	s1 =	sshll.u32 s1, $0x4;
	s24 =	sadd.s32 $0x4000, s11;
	[smem:$0x7F5] =	sst s18  }
0x27: {  	s22 =	smul.u32 $0xA0, s17;
	s4 =	sadd.s32 s20, s2;
	[smem:$0x7FB] =	sst s24  }
0x28: {  	s10 =	simm.s32 $0x1;
	s6 =	sadd.s32 s26, s2;
	[dreg:$0x1b] =	wrdreg s4  }
0x29: {  	s17 =	simm.s32 $0x4;
	s16 =	sadd.s32 s14, s2;
	[dreg:$0x1f] =	wrdreg s6  }
0x2a: {  	s1 =	sadd.s32 s1, s3;
	s20 =	sadd.s32 s12, s3;
	[smem:$0x7F2] =	sst s16  }
0x2b: {  	s26 =	sadd.s32 $0x8000, s11;
	s14 =	simm.s32 $0x2800;
	[smem:$0x7F3] =	sst s1  }
0x2c: {  	s24 =	simm.s32 $0x180;
	s12 =	simm.s32 $0xA800;
	[smem:$0x7F7] =	sst s20  }
0x2d: {  	s18 =	simm.s32 $0x10800;
	s4 =	sadd.s32 s21, s3;
	[smem:$0x7F9] =	sst s22  }
0x2e: {  	s21 =	sadd.s32 s15, s3;
	[smem:$0x7FD] =	sst s26;
	s1 =	simm.s32 $0x8800  }
0x2f: {  	s15 =	simm.s32 $0x3;
	s16 =	simm.s32 $0xE800;
	s20 =	simm.s32 $0x5  }
0x30: {  	s22 =	simm.s32 $0x11;
	s26 =	simm.s32 $0xB;
	[dreg:$0x1c] =	wrdreg s4  }
0x31: {  	s6 =	simm.s32 $0xC;
	s4 =	sadd.s32 s23, s2;
	[smem:$0x7F8] =	sst s21  }
.Ltmp0:
0x32: {  	s23 =	sadd.s32 $0x2000, s11;
	[dreg:$0x1d] =	wrdreg s4;
	(pc) =	sbr.rel .LBB2_1-.Ltmp0, $4  }
0x33: {  	s21 =	simm.s32 $0x9;
	s4 =	sadd.s32 s25, s3;
	[smem:$0x7FA] =	sst s23  }
0x34: {  	s25 =	sadd.s32 $0x6000, s11;
	s11 =	simm.s32 $0x12800;
	[dreg:$0x1e] =	wrdreg s4  }
0x35: {  	s23 =	simm.s32 $0x0;
	s4 =	sadd.s32 s13, s3;
	[smem:$0x7FC] =	sst s25  }
0x36: {  	v0 =	vimm.f32 $0.0e+00;
	v1 =	vimm.f32 $1.000000000e+00;
	s13 =	simm.s32 $0x2;
	[smem:$0x7F1] =	sst s4;
	s4 =	simm.s32 $0x7  }
.LBB2_15:
0x37: {  	s8 =	rddreg [dreg:$0x7]  }
0x38: {  	s23 =	sld [smem:$0x7F0]  }
.LBB2_16:
0x39: {  	[bflag:$0x0] =	sbarrier.arrive $0xFFFF  }
0x3a: {  	s24 =	simm.s32 $0x2800;
	s25 =	simm.s32 $0x12;
	s9 =	rddreg [dreg:$0x17]  }
0x3b: {  	[tilespmem:s24], [sflag:$0x12] =	stream.linear.gather [spmem:s9], $0x2000, $0x38;
	[tilespmem:$0x1F800] =	vst v63  }
0x3c: {  	_ =	swait.ge [sflag:s25], $0x2000  }
0x3d: {  	[sflag:s25] =	ssyncset.done $0x0;
	s19 =	rddreg [dreg:$0x18]  }
0x3e: {  	[sflag:s25] =	ssyncadd.s32 $0xFFFFE000;
	s9 =	sadd.s32 s8, s19;
	s19 =	simm.s32 $0x0  }
0x3f: {  	[hbm4b:s9+s19] =	stream.linear.scatter [tilespmem:s24], [sflag:$0x1], $0x2000, $0x38;
	[tilespmem:$0x1F800] =	vst v63  }
0x40: {  	s0 =	rddreg [dreg:$0xd];
	s24 =	simm.s32 $0x4800  }
0x41: {  	[tilespmem:s24], [sflag:$0x12] =	stream.linear.gather [spmem:s0], $0x2000, $0x38;
	[tilespmem:$0x1F800] =	vst v63  }
0x42: {  	_ =	swait.ge [sflag:s25], $0x2000  }
0x43: {  	[sflag:s25] =	ssyncset.done $0x0;
	s0 =	rddreg [dreg:$0xe]  }
0x44: {  	[sflag:s25] =	ssyncadd.s32 $0xFFFFE000;
	s9 =	sadd.s32 s8, s0  }
0x45: {  	[hbm4b:s9+s19] =	stream.linear.scatter [tilespmem:s24], [sflag:$0x2], $0x2000, $0x38;
	[tilespmem:$0x1F800] =	vst v63  }
0x46: {  	s24 =	rddreg [dreg:$0xf]  }
0x47: {  	[tilespmem:s30], [sflag:$0x12] =	stream.linear.gather [spmem:s24], $0x2000, $0x38;
	[tilespmem:$0x1F800] =	vst v63  }
0x48: {  	_ =	swait.ge [sflag:s25], $0x2000  }
0x49: {  	[sflag:s25] =	ssyncset.done $0x0;
	s24 =	rddreg [dreg:$0x10]  }
0x4a: {  	[sflag:s25] =	ssyncadd.s32 $0xFFFFE000;
	s9 =	sadd.s32 s8, s24  }
0x4b: {  	[hbm4b:s9+s19] =	stream.linear.scatter [tilespmem:s30], [sflag:$0x3], $0x2000, $0x38;
	[tilespmem:$0x1F800] =	vst v63  }
0x4c: {  	s24 =	rddreg [dreg:$0x11]  }
0x4d: {  	[tilespmem:s1], [sflag:$0x12] =	stream.linear.gather [spmem:s24], $0x2000, $0x38;
	[tilespmem:$0x1F800] =	vst v63  }
0x4e: {  	_ =	swait.ge [sflag:s25], $0x2000  }
0x4f: {  	[sflag:s25] =	ssyncset.done $0x0;
	s24 =	rddreg [dreg:$0x12]  }
0x50: {  	[sflag:s25] =	ssyncadd.s32 $0xFFFFE000;
	s9 =	sadd.s32 s8, s24  }
0x51: {  	[hbm4b:s9+s19] =	stream.linear.scatter [tilespmem:s1], [sflag:$0x4], $0x2000, $0x38;
	[tilespmem:$0x1F800] =	vst v63  }
0x52: {  	s24 =	rddreg [dreg:$0x13]  }
0x53: {  	[tilespmem:s12], [sflag:$0x12] =	stream.linear.gather [spmem:s24], $0x2000, $0x38;
	[tilespmem:$0x1F800] =	vst v63  }
0x54: {  	_ =	swait.ge [sflag:s25], $0x2000  }
0x55: {  	s8 =	simm.s32 @p0 $0x0;
	[sflag:s25] =	ssyncset.done $0x0  }
0x56: {  	s9 =	simm.s32 @p0 $0xA800;
	s19 =	rddreg [dreg:$0x15];
	[sflag:s25] =	ssyncadd.s32 $0xFFFFE000  }
0x57: {  	[hbm4b:s19+s8] =	stream.linear.scatter @p0 [tilespmem:s9], [sflag:$0x5], $0x2000, $0x38;
	[tilespmem:$0x1F800] =	vst v63  }
0x58: {  	s19 =	sld [smem:$0x7F4];
	_ =	sdelay $0x1  }
0x59: {  	s9 =	simm.s32 @p0 $0x12800  }
0x5a: {  	[tilespmem:s9], [sflag:$0x12] =	stream.linear.gather @p0 [spmem:s19], $0x800, $0x38;
	[tilespmem:$0x1F800] =	vst v63  }
0x5b: {  	s19 =	simm.s32 @p0 $0x12  }
0x5c: {  	_ =	swait.ge @p0 [sflag:s19], $0x800  }
0x5d: {  	[sflag:s19] =	ssyncset.done @p0 $0x0  }
0x5e: {  	s24 =	rddreg [dreg:$0x8];
	[sflag:s19] =	ssyncadd.s32 @p0 $0xFFFFF800  }
0x5f: {  	[hbm4b:s24+s8] =	stream.linear.scatter @p0 [tilespmem:s9], [sflag:$0x12], $0x800, $0x38;
	[tilespmem:$0x1F800] =	vst v63  }
0x60: {  	_ =	swait.ge @p0 [sflag:s19], $0x800  }
0x61: {  	s24 =	sld [smem:$0x7F5]  }
0x62: {  	[sflag:s19] =	ssyncset.done @p0 $0x0  }
0x63: {  	[sflag:s19] =	ssyncadd.s32 @p0 $0xFFFFF800  }
0x64: {  	[tilespmem:s9], [sflag:$0x12] =	stream.linear.gather @p0 [spmem:s24], $0x800, $0x38;
	[tilespmem:$0x1F800] =	vst v63  }
0x65: {  	_ =	swait.ge @p0 [sflag:s19], $0x800  }
0x66: {  	[sflag:s19] =	ssyncset.done @p0 $0x0  }
0x67: {  	s24 =	rddreg [dreg:$0x9];
	[sflag:s19] =	ssyncadd.s32 @p0 $0xFFFFF800  }
0x68: {  	[hbm4b:s24+s8] =	stream.linear.scatter @p0 [tilespmem:s9], [sflag:$0x12], $0x800, $0x38;
	[tilespmem:$0x1F800] =	vst v63  }
0x69: {  	_ =	swait.ge @p0 [sflag:s19], $0x800  }
0x6a: {  	s24 =	sld [smem:$0x7F6]  }
0x6b: {  	[sflag:s19] =	ssyncset.done @p0 $0x0  }
0x6c: {  	[sflag:s19] =	ssyncadd.s32 @p0 $0xFFFFF800  }
0x6d: {  	[tilespmem:s9], [sflag:$0x12] =	stream.linear.gather @p0 [spmem:s24], $0x800, $0x38;
	[tilespmem:$0x1F800] =	vst v63  }
0x6e: {  	_ =	swait.ge @p0 [sflag:s19], $0x800  }
0x6f: {  	[sflag:s19] =	ssyncset.done @p0 $0x0  }
0x70: {  	s24 =	rddreg [dreg:$0xa];
	[sflag:s19] =	ssyncadd.s32 @p0 $0xFFFFF800  }
0x71: {  	[hbm4b:s24+s8] =	stream.linear.scatter @p0 [tilespmem:s9], [sflag:$0x12], $0x800, $0x38;
	[tilespmem:$0x1F800] =	vst v63  }
0x72: {  	_ =	swait.ge @p0 [sflag:s19], $0x800  }
0x73: {  	s24 =	sld [smem:$0x7F7]  }
0x74: {  	[sflag:s19] =	ssyncset.done @p0 $0x0  }
0x75: {  	[sflag:s19] =	ssyncadd.s32 @p0 $0xFFFFF800  }
0x76: {  	[tilespmem:s9], [sflag:$0x12] =	stream.linear.gather @p0 [spmem:s24], $0x800, $0x38;
	[tilespmem:$0x1F800] =	vst v63  }
0x77: {  	_ =	swait.ge @p0 [sflag:s19], $0x800  }
0x78: {  	[sflag:s19] =	ssyncset.done @p0 $0x0  }
0x79: {  	s24 =	rddreg [dreg:$0xb];
	[sflag:s19] =	ssyncadd.s32 @p0 $0xFFFFF800  }
0x7a: {  	[hbm4b:s24+s8] =	stream.linear.scatter @p0 [tilespmem:s9], [sflag:$0x12], $0x800, $0x38;
	[tilespmem:$0x1F800] =	vst v63  }
0x7b: {  	_ =	swait.ge @p0 [sflag:s19], $0x800  }
0x7c: {  	s24 =	sld [smem:$0x7F8]  }
0x7d: {  	[sflag:s19] =	ssyncset.done @p0 $0x0  }
0x7e: {  	[sflag:s19] =	ssyncadd.s32 @p0 $0xFFFFF800  }
0x7f: {  	[tilespmem:s9], [sflag:$0x12] =	stream.linear.gather @p0 [spmem:s24], $0x800, $0x38;
	[tilespmem:$0x1F800] =	vst v63  }
0x80: {  	_ =	swait.ge @p0 [sflag:s19], $0x800  }
0x81: {  	[sflag:s19] =	ssyncset.done @p0 $0x0  }
0x82: {  	s24 =	rddreg [dreg:$0xc];
	[sflag:s19] =	ssyncadd.s32 @p0 $0xFFFFF800  }
0x83: {  	[hbm4b:s24+s8] =	stream.linear.scatter @p0 [tilespmem:s9], [sflag:$0x12], $0x800, $0x38;
	[tilespmem:$0x1F800] =	vst v63  }
0x84: {  	_ =	swait.ge @p0 [sflag:s19], $0x800  }
0x85: {  	s8 =	simm.s32 @!p0 $0x0;
	[sflag:s19] =	ssyncset.done @p0 $0x0  }
0x86: {  	s9 =	simm.s32 @!p0 $0xA800;
	[sflag:s19] =	ssyncadd.s32 @p0 $0xFFFFF800;
	s19 =	rddreg [dreg:$0x14]  }
0x87: {  	[hbm4b:s19+s8] =	stream.linear.scatter @!p0 [tilespmem:s9], [sflag:$0x5], $0x2000, $0x38;
	[tilespmem:$0x1F800] =	vst v63  }
0x88: {  	_ =	swait.ge [sflag:s10], $0x2000  }
0x89: {  	[sflag:s10] =	ssyncset.done $0x0  }
0x8a: {  	[sflag:s10] =	ssyncadd.s32 $0xFFFFE000  }
0x8b: {  	_ =	swait.ge [sflag:s13], $0x2000  }
0x8c: {  	[sflag:s13] =	ssyncset.done $0x0  }
0x8d: {  	[sflag:s13] =	ssyncadd.s32 $0xFFFFE000  }
0x8e: {  	_ =	swait.ge [sflag:s15], $0x2000  }
0x8f: {  	[sflag:s15] =	ssyncset.done $0x0  }
0x90: {  	[sflag:s15] =	ssyncadd.s32 $0xFFFFE000  }
0x91: {  	_ =	swait.ge [sflag:s17], $0x2000  }
0x92: {  	[sflag:s17] =	ssyncset.done $0x0  }
0x93: {  	[sflag:s17] =	ssyncadd.s32 $0xFFFFE000  }
0x94: {  	_ =	swait.ge [sflag:s20], $0x2000  }
0x95: {  	s23 =	sadd.s32 $0x1, s23;
	s25 =	rddreg [dreg:$0x16]  }
0x96: {  	p2 =	sne.s32 s23, s25  }
.Ltmp1:
0x97: {  	_ = 	snop;
	(pc) =	sbr.rel @!p2 .LBB2_17-.Ltmp1, $3  }
0x98: {  	_ =	sdelay $0x1  }
0x99: {  	s14 =	simm.s32 $0x2800;
	[sflag:s20] =	ssyncset.done $0x0  }
0x9a: {  	s0 =	simm.s32 $0x4800;
	s24 =	simm.s32 $0x180;
	[sflag:s20] =	ssyncadd.s32 $0xFFFFE000  }
.LBB2_1:
0x9b: {  	s8 =	simm.s32 $0x2820  }
0x9c: {  	[tilespmem:s8+$0x0] =	vst v0  }
0x9d: {  	[tilespmem:s8+$0xFFFFFFE0] =	vst v0  }
0x9e: {  	[tilespmem:s8+$0x10] =	vst v0  }
0x9f: {  	[smem:$0x7F0] =	sst s23;
	s9 =	simm.s32 $0x40;
	s19 =	simm.s32 $0x0;
	[tilespmem:s8+$0xFFFFFFF0] =	vst v0  }
.LBB2_2:
0xa0: {  	p2 =	sne.s32 s9, $0x1FC0  }
0xa1: {  	[tilespmem:s19+$0x12800] =	vst v0;
	s8 =	sadd.s32 $0x40, s8;
	s19 =	smov.u32 s9;
	s9 =	sadd.s32 $0x40, s9  }
.Ltmp2:
0xa2: {  	[tilespmem:s8+$0x0] =	vst v0;
	(pc) =	sbr.rel @p2 .LBB2_2-.Ltmp2, $4  }
0xa3: {  	_ = 	snop  }
0xa4: {  	[tilespmem:s8+$0xFFFFFFE0] =	vst v0  }
0xa5: {  	[tilespmem:s8+$0x10] =	vst v0  }
0xa6: {  	s19 =	sshra.s32 s19, $0x2;
	[tilespmem:s8+$0xFFFFFFF0] =	vst v0  }
0xa7: {  	[tilespmem:s19+$0x12800] =	vst v0;
	s8 =	rddreg [dreg:$0x19]  }
0xa8: {  	[spmem:s8] =	stream.linear.scatter [tilespmem:s14], [sflag:$0x1], $0x2000, $0x38;
	[tilespmem:$0x1F800] =	vst v63  }
0xa9: {  	s9 =	rddreg [dreg:$0x1a];
	s8 =	simm.s32 @p0 $0x12800  }
0xaa: {  	[spmem:s9] =	stream.linear.scatter @p0 [tilespmem:s8], [sflag:$0x11], $0x800, $0x38;
	[tilespmem:$0x1F800] =	vst v63  }
0xab: {  	s19 =	rddreg [dreg:$0x1b];
	s9 =	simm.s32 @p0 $0x2800  }
0xac: {  	[spmem:s19] =	stream.linear.scatter @p0 [tilespmem:s9], [sflag:$0x1], $0x2000, $0x38;
	[tilespmem:$0x1F800] =	vst v63  }
0xad: {  	s19 =	rddreg [dreg:$0x1c]  }
0xae: {  	[spmem:s19] =	stream.linear.scatter @p0 [tilespmem:s8], [sflag:$0x11], $0x800, $0x38;
	[tilespmem:$0x1F800] =	vst v63  }
0xaf: {  	s19 =	rddreg [dreg:$0x1d]  }
0xb0: {  	[spmem:s19] =	stream.linear.scatter @p0 [tilespmem:s9], [sflag:$0x1], $0x2000, $0x38;
	[tilespmem:$0x1F800] =	vst v63  }
0xb1: {  	s19 =	rddreg [dreg:$0x1e]  }
0xb2: {  	[spmem:s19] =	stream.linear.scatter @p0 [tilespmem:s8], [sflag:$0x11], $0x800, $0x38;
	[tilespmem:$0x1F800] =	vst v63  }
0xb3: {  	s19 =	rddreg [dreg:$0x1f]  }
0xb4: {  	[spmem:s19] =	stream.linear.scatter @p0 [tilespmem:s9], [sflag:$0x1], $0x2000, $0x38;
	[tilespmem:$0x1F800] =	vst v63  }
0xb5: {  	s19 =	sld [smem:$0x7F1];
	_ =	sdelay $0x2  }
0xb6: {  	[spmem:s19] =	stream.linear.scatter @p0 [tilespmem:s8], [sflag:$0x11], $0x800, $0x38;
	[tilespmem:$0x1F800] =	vst v63  }
0xb7: {  	s19 =	sld [smem:$0x7F2];
	_ =	sdelay $0x2  }
0xb8: {  	[spmem:s19] =	stream.linear.scatter @p0 [tilespmem:s9], [sflag:$0x1], $0x2000, $0x38;
	[tilespmem:$0x1F800] =	vst v63  }
0xb9: {  	s9 =	sld [smem:$0x7F3];
	_ =	sdelay $0x2  }
0xba: {  	[spmem:s9] =	stream.linear.scatter @p0 [tilespmem:s8], [sflag:$0x11], $0x800, $0x38;
	[tilespmem:$0x1F800] =	vst v63  }
0xbb: {  	s8 =	simm.s32 @p0 $0x1  }
0xbc: {  	_ =	swait.ge @p0 [sflag:s8], $0x2000  }
0xbd: {  	[sflag:s8] =	ssyncset.done @p0 $0x0  }
0xbe: {  	s9 =	simm.s32 @p0 $0x11;
	[sflag:s8] =	ssyncadd.s32 @p0 $0xFFFFE000  }
0xbf: {  	_ =	swait.ge @p0 [sflag:s9], $0x800  }
0xc0: {  	[sflag:s9] =	ssyncset.done @p0 $0x0  }
0xc1: {  	[sflag:s9] =	ssyncadd.s32 @p0 $0xFFFFF800  }
0xc2: {  	_ =	swait.ge @p0 [sflag:s8], $0x2000  }
0xc3: {  	[sflag:s8] =	ssyncset.done @p0 $0x0  }
0xc4: {  	[sflag:s8] =	ssyncadd.s32 @p0 $0xFFFFE000  }
0xc5: {  	_ =	swait.ge @p0 [sflag:s9], $0x800  }
0xc6: {  	[sflag:s9] =	ssyncset.done @p0 $0x0  }
0xc7: {  	[sflag:s9] =	ssyncadd.s32 @p0 $0xFFFFF800  }
0xc8: {  	_ =	swait.ge @p0 [sflag:s8], $0x2000  }
0xc9: {  	[sflag:s8] =	ssyncset.done @p0 $0x0  }
0xca: {  	[sflag:s8] =	ssyncadd.s32 @p0 $0xFFFFE000  }
0xcb: {  	_ =	swait.ge @p0 [sflag:s9], $0x800  }
0xcc: {  	[sflag:s9] =	ssyncset.done @p0 $0x0  }
0xcd: {  	[sflag:s9] =	ssyncadd.s32 @p0 $0xFFFFF800  }
0xce: {  	_ =	swait.ge @p0 [sflag:s8], $0x2000  }
0xcf: {  	[sflag:s8] =	ssyncset.done @p0 $0x0  }
0xd0: {  	[sflag:s8] =	ssyncadd.s32 @p0 $0xFFFFE000  }
0xd1: {  	_ =	swait.ge @p0 [sflag:s9], $0x800  }
0xd2: {  	[sflag:s9] =	ssyncset.done @p0 $0x0  }
0xd3: {  	[sflag:s9] =	ssyncadd.s32 @p0 $0xFFFFF800  }
0xd4: {  	_ =	swait.ge @p0 [sflag:s8], $0x2000  }
0xd5: {  	[sflag:s8] =	ssyncset.done @p0 $0x0  }
0xd6: {  	[sflag:s8] =	ssyncadd.s32 @p0 $0xFFFFE000  }
0xd7: {  	_ =	swait.ge @p0 [sflag:s9], $0x800  }
0xd8: {  	[sflag:s9] =	ssyncset.done @p0 $0x0  }
0xd9: {  	[sflag:s9] =	ssyncadd.s32 @p0 $0xFFFFF800;
	s9 =	sld [smem:$0x7FA];
	_ =	sdelay $0x1  }
0xda: {  	s8 =	simm.s32 @!p0 $0x2800  }
0xdb: {  	[spmem:s9] =	stream.linear.scatter @!p0 [tilespmem:s8], [sflag:$0x1], $0x2000, $0x38;
	[tilespmem:$0x1F800] =	vst v63  }
0xdc: {  	s9 =	sld [smem:$0x7FB];
	_ =	sdelay $0x2  }
0xdd: {  	[spmem:s9] =	stream.linear.scatter @!p0 [tilespmem:s8], [sflag:$0x1], $0x2000, $0x38;
	[tilespmem:$0x1F800] =	vst v63  }
0xde: {  	s9 =	sld [smem:$0x7FC];
	_ =	sdelay $0x2  }
0xdf: {  	[spmem:s9] =	stream.linear.scatter @!p0 [tilespmem:s8], [sflag:$0x1], $0x2000, $0x38;
	[tilespmem:$0x1F800] =	vst v63  }
0xe0: {  	s9 =	sld [smem:$0x7FD];
	_ =	sdelay $0x2  }
0xe1: {  	[spmem:s9] =	stream.linear.scatter @!p0 [tilespmem:s8], [sflag:$0x1], $0x2000, $0x38;
	[tilespmem:$0x1F800] =	vst v63  }
0xe2: {  	s8 =	simm.s32 @!p0 $0x1  }
0xe3: {  	_ =	swait.ge @!p0 [sflag:s8], $0x2000  }
0xe4: {  	[sflag:s8] =	ssyncset.done @!p0 $0x0  }
0xe5: {  	[sflag:s8] =	ssyncadd.s32 @!p0 $0xFFFFE000  }
0xe6: {  	_ =	swait.ge @!p0 [sflag:s8], $0x2000  }
0xe7: {  	[sflag:s8] =	ssyncset.done @!p0 $0x0  }
0xe8: {  	[sflag:s8] =	ssyncadd.s32 @!p0 $0xFFFFE000  }
0xe9: {  	_ =	swait.ge @!p0 [sflag:s8], $0x2000  }
0xea: {  	[sflag:s8] =	ssyncset.done @!p0 $0x0  }
0xeb: {  	[sflag:s8] =	ssyncadd.s32 @!p0 $0xFFFFE000  }
0xec: {  	_ =	swait.ge @!p0 [sflag:s8], $0x2000  }
0xed: {  	[sflag:s8] =	ssyncset.done @!p0 $0x0  }
0xee: {  	[sflag:s8] =	ssyncadd.s32 @!p0 $0xFFFFE000  }
0xef: {  	_ =	swait.ge @!p0 [sflag:s8], $0x2000  }
0xf0: {  	[sflag:s8] =	ssyncset.done @!p0 $0x0  }
0xf1: {  	s9 =	simm.s32 $0x0;
	[sflag:s8] =	ssyncadd.s32 @!p0 $0xFFFFE000;
	s8 =	simm.s32 $0x40  }
.LBB2_4:
0xf2: {  	p2 =	sne.s32 s8, $0x1FC0;
	[tilespmem:s9+$0x12800] =	vst v1;
	s9 =	smov.u32 s8;
	s8 =	sadd.s32 $0x40, s8  }
.Ltmp3:
0xf3: {  	(pc) =	sbr.rel @p2 .LBB2_4-.Ltmp3, $2  }
0xf4: {  	_ =	sdelay $0x2  }
0xf5: {  	s9 =	sshra.s32 s9, $0x2  }
.Ltmp4:
0xf6: {  	(pc) =	sbr.rel @p1 .LBB2_11-.Ltmp4, $4  }
.Ltmp5:
0xf7: {  	(pc) =	sbr.rel @!p1 .LBB2_6-.Ltmp5, $4  }
0xf8: {  	[tilespmem:s9+$0x12800] =	vst v1  }
0xf9: {  	[bflag:$0x0] =	sbarrier.arrive $0xFFFF  }
0xfa: {  	s8 =	simm.s32 $0x0;
	s9 =	simm.s32 $0x0  }
0xfb: {  	_ = 	snop  }
.LBB2_9:
0xfc: {  	s8 =	simm.s32 $0xD  }
0xfd: {  	_ =	swait.ge [sflag:s8], $0x2000  }
0xfe: {  	[sflag:s8] =	ssyncset.done $0x0  }
0xff: {  	[sflag:s8] =	ssyncadd.s32 $0xFFFFE000  }
0x100: {  	_ =	swait.ge [sflag:s22], $0x800  }
0x101: {  	[sflag:s22] =	ssyncset.done $0x0  }
0x102: {  	s19 =	simm.s32 $0xE;
	[sflag:s22] =	ssyncadd.s32 $0xFFFFF800  }
0x103: {  	_ =	swait.ge [sflag:s19], $0x2000  }
0x104: {  	[sflag:s19] =	ssyncset.done $0x0  }
0x105: {  	[sflag:s19] =	ssyncadd.s32 $0xFFFFE000  }
0x106: {  	_ =	swait.ge [sflag:s22], $0x800  }
0x107: {  	[sflag:s22] =	ssyncset.done $0x0  }
0x108: {  	s23 =	simm.s32 $0xF;
	[sflag:s22] =	ssyncadd.s32 $0xFFFFF800  }
0x109: {  	_ =	swait.ge [sflag:s23], $0x2000  }
0x10a: {  	[sflag:s23] =	ssyncset.done $0x0  }
0x10b: {  	[sflag:s23] =	ssyncadd.s32 $0xFFFFE000  }
0x10c: {  	_ =	swait.ge [sflag:s22], $0x800  }
0x10d: {  	[sflag:s22] =	ssyncset.done $0x0  }
0x10e: {  	s24 =	simm.s32 $0x10;
	[sflag:s22] =	ssyncadd.s32 $0xFFFFF800  }
0x10f: {  	_ =	swait.ge [sflag:s24], $0x2000  }
0x110: {  	[sflag:s24] =	ssyncset.done $0x0  }
0x111: {  	[sflag:s24] =	ssyncadd.s32 $0xFFFFE000  }
0x112: {  	_ =	swait.ge [sflag:s22], $0x800  }
0x113: {  	s25 =	sld [smem:$0x7EF];
	_ =	sdelay $0x2  }
0x114: {  	s8 =	sadd.s32 $0x1, s25  }
0x115: {  	p2 =	seq.s32 s8, $0x4  }
.Ltmp6:
0x116: {  	_ = 	snop;
	(pc) =	sbr.rel @p2 .LBB2_10-.Ltmp6, $3  }
0x117: {  	_ =	sdelay $0x1  }
0x118: {  	[sflag:s22] =	ssyncset.done $0x0  }
0x119: {  	s30 =	simm.s32 $0x6800;
	s24 =	simm.s32 $0x180;
	[sflag:s22] =	ssyncadd.s32 $0xFFFFF800  }
.LBB2_6:
0x11a: {  	s9 =	sld [smem:$0x7F9]  }
0x11b: {  	s23 =	smul.u32 $0x28, s8;
	_ =	sdelay $0x1  }
0x11c: {  	[smem:$0x7EF] =	sst s8;
	s8 =	sadd.s32 s9, s23  }
0x11d: {  	s25 =	rddreg [dreg:$0x5];
	s8 =	sshll.u32 s8, $0x4  }
0x11e: {  	s19 =	simm.s32 $0x12;
	s23 =	simm.s32 $0x0;
	s9 =	sadd.s32 s25, s8  }
0x11f: {  	[tilespmem:s23], [sflag:$0x12] =	stream.linear.gather [hbm4b:s9+s23], $0x1400, $0x38;
	[tilespmem:$0x1F800] =	vst v63  }
0x120: {  	_ =	swait.ge [sflag:s19], $0x1400  }
0x121: {  	[sflag:s19] =	ssyncset.done $0x0;
	s29 =	rddreg [dreg:$0x6]  }
0x122: {  	s25 =	simm.s32 $0x1400;
	[sflag:s19] =	ssyncadd.s32 $0xFFFFEC00;
	s8 =	sadd.s32 s29, s8  }
0x123: {  	[tilespmem:s25], [sflag:$0x12] =	stream.linear.gather [hbm4b:s8+s23], $0x1400, $0x38;
	[tilespmem:$0x1F800] =	vst v63  }
0x124: {  	_ =	swait.ge [sflag:s19], $0x1400  }
0x125: {  	[sflag:s19] =	ssyncset.done $0x0  }
0x126: {  	[sflag:s19] =	ssyncadd.s32 $0xFFFFEC00  }
0x127: {  	[tilespmem:s14], [sflag:$0x1] =	stream.indirect.gather [hbm4b:s5+s28], $0x40, s23, s28, $0xb8;
	[tilespmem:$0x1F800] =	vst v63  }
0x128: {  	_ = 	snop  }
0x129: {  	[tilespmem:s0], [sflag:$0x2] =	stream.indirect.gather [hbm4b:s5+s28], $0x40, s28, s28, $0xb8;
	[tilespmem:$0x1F800] =	vst v63  }
0x12a: {  	s29 =	simm.s32 $0x100  }
0x12b: {  	[tilespmem:s30], [sflag:$0x3] =	stream.indirect.gather [hbm4b:s5+s28], $0x40, s29, s28, $0xb8;
	[tilespmem:$0x1F800] =	vst v63  }
0x12c: {  	s8 =	simm.s32 $0x0  }
0x12d: {  	[tilespmem:s1], [sflag:$0x4] =	stream.indirect.gather [hbm4b:s5+s28], $0x40, s24, s28, $0xb8;
	[tilespmem:$0x1F800] =	vst v63  }
.LBB2_7:
0x12e: {  	_ =	swait.ge [sflag:s10], $0x2000  }
0x12f: {  	s9 =	sshra.s32 s8, $0x2;
	[sflag:s10] =	ssyncset.done $0x0  }
0x130: {  	s25 =	sadd.s32 $0x1400, s9;
	[sflag:s10] =	ssyncadd.s32 $0xFFFFE000  }
0x131: {  	[spmem:s2] =	stream.indirect.scatter.add.f32 [tilespmem:s14], [sflag:$0x9], $0x40, s25, s28, $0xb8;
	[tilespmem:$0x1F800] =	vst v63  }
0x132: {  	p2 =	seq.s32 s8, $0x0  }
0x133: {  	[spmem:s3] =	stream.indirect.scatter.add.f32 [tilespmem:s11], [sflag:$0x11], $0x10, s25, s28, $0xb8;
	[tilespmem:$0x1F800] =	vst v63  }
0x134: {  	s25 =	simm.s32 @!p2 $0xD  }
0x135: {  	_ =	swait.ge @!p2 [sflag:s25], $0x2000  }
0x136: {  	[sflag:s25] =	ssyncset.done @!p2 $0x0  }
0x137: {  	[sflag:s25] =	ssyncadd.s32 @!p2 $0xFFFFE000;
	s25 =	simm.s32 @!p2 $0x11  }
0x138: {  	_ =	swait.ge @!p2 [sflag:s25], $0x800  }
0x139: {  	[sflag:s25] =	ssyncset.done @!p2 $0x0  }
0x13a: {  	s19 =	sadd.s32 $0x200, s9;
	[sflag:s25] =	ssyncadd.s32 @!p2 $0xFFFFF800  }
0x13b: {  	[tilespmem:s12], [sflag:$0x5] =	stream.indirect.gather [hbm4b:s5+s28], $0x40, s19, s28, $0xb8;
	[tilespmem:$0x1F800] =	vst v63  }
0x13c: {  	_ =	swait.ge [sflag:s13], $0x2000  }
0x13d: {  	[sflag:s13] =	ssyncset.done $0x0  }
0x13e: {  	s23 =	sadd.s32 $0x1480, s9;
	[sflag:s13] =	ssyncadd.s32 $0xFFFFE000  }
0x13f: {  	[spmem:s2] =	stream.indirect.scatter.add.f32 [tilespmem:s0], [sflag:$0xA], $0x40, s23, s28, $0xb8;
	[tilespmem:$0x1F800] =	vst v63  }
0x140: {  	s19 =	simm.s32 @!p2 $0xE  }
0x141: {  	[spmem:s3] =	stream.indirect.scatter.add.f32 [tilespmem:s11], [sflag:$0x11], $0x10, s23, s28, $0xb8;
	[tilespmem:$0x1F800] =	vst v63  }
0x142: {  	_ =	swait.ge @!p2 [sflag:s19], $0x2000  }
0x143: {  	[sflag:s19] =	ssyncset.done @!p2 $0x0  }
0x144: {  	[sflag:s19] =	ssyncadd.s32 @!p2 $0xFFFFE000  }
0x145: {  	_ =	swait.ge @!p2 [sflag:s25], $0x800  }
0x146: {  	[sflag:s25] =	ssyncset.done @!p2 $0x0  }
0x147: {  	s24 =	sadd.s32 $0x280, s9;
	s23 =	simm.s32 $0xC800;
	[sflag:s25] =	ssyncadd.s32 @!p2 $0xFFFFF800  }
0x148: {  	[tilespmem:s23], [sflag:$0x6] =	stream.indirect.gather [hbm4b:s5+s28], $0x40, s24, s28, $0xb8;
	[tilespmem:$0x1F800] =	vst v63  }
0x149: {  	_ =	swait.ge [sflag:s15], $0x2000  }
0x14a: {  	[sflag:s15] =	ssyncset.done $0x0  }
0x14b: {  	s24 =	sadd.s32 $0x1500, s9;
	[sflag:s15] =	ssyncadd.s32 $0xFFFFE000  }
0x14c: {  	[spmem:s2] =	stream.indirect.scatter.add.f32 [tilespmem:s30], [sflag:$0xB], $0x40, s24, s28, $0xb8;
	[tilespmem:$0x1F800] =	vst v63  }
0x14d: {  	s19 =	simm.s32 @!p2 $0xF  }
0x14e: {  	[spmem:s3] =	stream.indirect.scatter.add.f32 [tilespmem:s11], [sflag:$0x11], $0x10, s24, s28, $0xb8;
	[tilespmem:$0x1F800] =	vst v63  }
0x14f: {  	_ =	swait.ge @!p2 [sflag:s19], $0x2000  }
0x150: {  	[sflag:s19] =	ssyncset.done @!p2 $0x0  }
0x151: {  	[sflag:s19] =	ssyncadd.s32 @!p2 $0xFFFFE000  }
0x152: {  	_ =	swait.ge @!p2 [sflag:s25], $0x800  }
0x153: {  	[sflag:s25] =	ssyncset.done @!p2 $0x0  }
0x154: {  	s24 =	sadd.s32 $0x300, s9;
	[sflag:s25] =	ssyncadd.s32 @!p2 $0xFFFFF800  }
0x155: {  	[tilespmem:s16], [sflag:$0x7] =	stream.indirect.gather [hbm4b:s5+s28], $0x40, s24, s28, $0xb8;
	[tilespmem:$0x1F800] =	vst v63  }
0x156: {  	_ =	swait.ge [sflag:s17], $0x2000  }
0x157: {  	[sflag:s17] =	ssyncset.done $0x0  }
0x158: {  	s30 =	sadd.s32 $0x1580, s9;
	[sflag:s17] =	ssyncadd.s32 $0xFFFFE000  }
0x159: {  	[spmem:s2] =	stream.indirect.scatter.add.f32 [tilespmem:s1], [sflag:$0xC], $0x40, s30, s28, $0xb8;
	[tilespmem:$0x1F800] =	vst v63  }
0x15a: {  	s19 =	simm.s32 @!p2 $0x10  }
0x15b: {  	[spmem:s3] =	stream.indirect.scatter.add.f32 [tilespmem:s11], [sflag:$0x11], $0x10, s30, s28, $0xb8;
	[tilespmem:$0x1F800] =	vst v63  }
0x15c: {  	_ =	swait.ge @!p2 [sflag:s19], $0x2000  }
0x15d: {  	[sflag:s19] =	ssyncset.done @!p2 $0x0  }
0x15e: {  	[sflag:s19] =	ssyncadd.s32 @!p2 $0xFFFFE000  }
0x15f: {  	_ =	swait.ge @!p2 [sflag:s25], $0x800  }
0x160: {  	[sflag:s25] =	ssyncset.done @!p2 $0x0  }
0x161: {  	s24 =	sadd.s32 $0x380, s9;
	[sflag:s25] =	ssyncadd.s32 @!p2 $0xFFFFF800  }
0x162: {  	[tilespmem:s18], [sflag:$0x8] =	stream.indirect.gather [hbm4b:s5+s28], $0x40, s24, s28, $0xb8;
	[tilespmem:$0x1F800] =	vst v63  }
0x163: {  	_ =	swait.ge [sflag:s20], $0x2000  }
0x164: {  	[sflag:s20] =	ssyncset.done $0x0  }
0x165: {  	s25 =	sadd.s32 $0x1600, s9;
	[sflag:s20] =	ssyncadd.s32 $0xFFFFE000  }
0x166: {  	[spmem:s2] =	stream.indirect.scatter.add.f32 [tilespmem:s12], [sflag:$0xD], $0x40, s25, s28, $0xb8;
	[tilespmem:$0x1F800] =	vst v63  }
0x167: {  	_ = 	snop  }
0x168: {  	[spmem:s3] =	stream.indirect.scatter.add.f32 [tilespmem:s11], [sflag:$0x11], $0x10, s25, s28, $0xb8;
	[tilespmem:$0x1F800] =	vst v63  }
0x169: {  	_ =	swait.ge [sflag:s21], $0x2000  }
0x16a: {  	[sflag:s21] =	ssyncset.done $0x0  }
0x16b: {  	[sflag:s21] =	ssyncadd.s32 $0xFFFFE000  }
0x16c: {  	p2 =	seq.s32 s8, $0x4000;
	_ =	swait.ge [sflag:s22], $0x800  }
0x16d: {  	s19 =	sshra.s32 @!p2 s8, $0x2;
	s24 =	simm.s32 @!p2 $0x80;
	[sflag:s22] =	ssyncset.done $0x0  }
0x16e: {  	s30 =	simm.s32 @!p2 $0x2800;
	s25 =	sadd.s32 @!p2 $0x400, s19;
	[sflag:s22] =	ssyncadd.s32 $0xFFFFF800  }
0x16f: {  	[tilespmem:s30], [sflag:$0x1] =	stream.indirect.gather @!p2 [hbm4b:s5+s24], $0x40, s25, s24, $0xb8;
	[tilespmem:$0x1F800] =	vst v63  }
0x170: {  	s30 =	simm.s32 $0x6  }
0x171: {  	_ =	swait.ge [sflag:s30], $0x2000  }
0x172: {  	[sflag:s30] =	ssyncset.done $0x0  }
0x173: {  	[sflag:s30] =	ssyncadd.s32 $0xFFFFE000;
	s30 =	sadd.s32 $0x1680, s9  }
0x174: {  	[spmem:s2] =	stream.indirect.scatter.add.f32 [tilespmem:s23], [sflag:$0xE], $0x40, s30, s28, $0xb8;
	[tilespmem:$0x1F800] =	vst v63  }
0x175: {  	_ = 	snop  }
0x176: {  	[spmem:s3] =	stream.indirect.scatter.add.f32 [tilespmem:s11], [sflag:$0x11], $0x10, s30, s28, $0xb8;
	[tilespmem:$0x1F800] =	vst v63  }
0x177: {  	s30 =	simm.s32 $0xA  }
0x178: {  	_ =	swait.ge [sflag:s30], $0x2000  }
0x179: {  	[sflag:s30] =	ssyncset.done $0x0  }
0x17a: {  	[sflag:s30] =	ssyncadd.s32 $0xFFFFE000  }
0x17b: {  	_ =	swait.ge [sflag:s22], $0x800  }
0x17c: {  	[sflag:s22] =	ssyncset.done $0x0  }
0x17d: {  	s25 =	sadd.s32 @!p2 $0x480, s19;
	s30 =	simm.s32 @!p2 $0x4800;
	[sflag:s22] =	ssyncadd.s32 $0xFFFFF800  }
0x17e: {  	[tilespmem:s30], [sflag:$0x2] =	stream.indirect.gather @!p2 [hbm4b:s5+s24], $0x40, s25, s24, $0xb8;
	[tilespmem:$0x1F800] =	vst v63  }
0x17f: {  	_ =	swait.ge [sflag:s4], $0x2000  }
0x180: {  	[sflag:s4] =	ssyncset.done $0x0  }
0x181: {  	s23 =	sadd.s32 $0x1700, s9;
	[sflag:s4] =	ssyncadd.s32 $0xFFFFE000  }
0x182: {  	[spmem:s2] =	stream.indirect.scatter.add.f32 [tilespmem:s16], [sflag:$0xF], $0x40, s23, s28, $0xb8;
	[tilespmem:$0x1F800] =	vst v63  }
0x183: {  	_ = 	snop  }
0x184: {  	[spmem:s3] =	stream.indirect.scatter.add.f32 [tilespmem:s11], [sflag:$0x11], $0x10, s23, s28, $0xb8;
	[tilespmem:$0x1F800] =	vst v63  }
0x185: {  	_ =	swait.ge [sflag:s26], $0x2000  }
0x186: {  	[sflag:s26] =	ssyncset.done $0x0  }
0x187: {  	[sflag:s26] =	ssyncadd.s32 $0xFFFFE000  }
0x188: {  	_ =	swait.ge [sflag:s22], $0x800  }
0x189: {  	[sflag:s22] =	ssyncset.done $0x0  }
0x18a: {  	s19 =	sadd.s32 @!p2 $0x500, s19;
	s25 =	simm.s32 @!p2 $0x6800;
	[sflag:s22] =	ssyncadd.s32 $0xFFFFF800  }
0x18b: {  	[tilespmem:s25], [sflag:$0x3] =	stream.indirect.gather @!p2 [hbm4b:s5+s24], $0x40, s19, s24, $0xb8;
	[tilespmem:$0x1F800] =	vst v63  }
0x18c: {  	_ =	swait.ge [sflag:s31], $0x2000  }
0x18d: {  	[sflag:s31] =	ssyncset.done $0x0  }
0x18e: {  	s30 =	sadd.s32 $0x1780, s9;
	[sflag:s31] =	ssyncadd.s32 $0xFFFFE000  }
0x18f: {  	[spmem:s2] =	stream.indirect.scatter.add.f32 [tilespmem:s18], [sflag:$0x10], $0x40, s30, s28, $0xb8;
	[tilespmem:$0x1F800] =	vst v63  }
0x190: {  	_ = 	snop  }
0x191: {  	[spmem:s3] =	stream.indirect.scatter.add.f32 [tilespmem:s11], [sflag:$0x11], $0x10, s30, s28, $0xb8;
	[tilespmem:$0x1F800] =	vst v63  }
0x192: {  	_ =	swait.ge [sflag:s6], $0x2000  }
.Ltmp7:
0x193: {  	[sflag:s6] =	ssyncset.done $0x0;
	(pc) =	sbr.rel @p2 .LBB2_9-.Ltmp7, $4  }
0x194: {  	[sflag:s6] =	ssyncadd.s32 $0xFFFFE000  }
0x195: {  	_ =	swait.ge [sflag:s22], $0x800  }
0x196: {  	[sflag:s22] =	ssyncset.done $0x0  }
0x197: {  	s29 =	simm.s32 $0xC800;
	[sflag:s22] =	ssyncadd.s32 $0xFFFFF800  }
.Ltmp8:
0x198: {  	(pc) =	sbr.rel .LBB2_7-.Ltmp8, $3  }
0x199: {  	_ =	sdelay $0x1  }
0x19a: {  	s9 =	sadd.s32 $0x580, s9;
	s8 =	sadd.s32 $0x1000, s8;
	s30 =	simm.s32 $0x6800  }
0x19b: {  	[tilespmem:s1], [sflag:$0x4] =	stream.indirect.gather [hbm4b:s5+s28], $0x40, s9, s28, $0xb8;
	[tilespmem:$0x1F800] =	vst v63  }
.LBB2_14:
0x19c: {  	_ =	swait.ge [sflag:s31], $0x2000  }
0x19d: {  	[sflag:s31] =	ssyncset.done $0x0  }
0x19e: {  	[sflag:s31] =	ssyncadd.s32 $0xFFFFE000  }
0x19f: {  	[spmem:s2] =	stream.indirect.scatter.add.f32 [tilespmem:s18], [sflag:$0x10], $0x40, s25, s28, $0xb8;
	[tilespmem:$0x1F800] =	vst v63  }
0x1a0: {  	_ =	swait.ge [sflag:s6], $0x2000  }
0x1a1: {  	[sflag:s6] =	ssyncset.done $0x0  }
0x1a2: {  	s8 =	simm.s32 $0xD;
	[sflag:s6] =	ssyncadd.s32 $0xFFFFE000  }
0x1a3: {  	_ =	swait.ge [sflag:s8], $0x2000  }
0x1a4: {  	[sflag:s8] =	ssyncset.done $0x0  }
0x1a5: {  	s23 =	simm.s32 $0xE;
	[sflag:s8] =	ssyncadd.s32 $0xFFFFE000  }
0x1a6: {  	_ =	swait.ge [sflag:s23], $0x2000  }
0x1a7: {  	[sflag:s23] =	ssyncset.done $0x0  }
0x1a8: {  	s24 =	simm.s32 $0xF;
	[sflag:s23] =	ssyncadd.s32 $0xFFFFE000  }
0x1a9: {  	_ =	swait.ge [sflag:s24], $0x2000  }
0x1aa: {  	[sflag:s24] =	ssyncset.done $0x0  }
0x1ab: {  	s25 =	simm.s32 $0x10;
	[sflag:s24] =	ssyncadd.s32 $0xFFFFE000  }
0x1ac: {  	_ =	swait.ge [sflag:s25], $0x2000  }
0x1ad: {  	s9 =	sld [smem:$0x7EE];
	_ =	sdelay $0x2  }
0x1ae: {  	s9 =	sadd.s32 $0x1, s9  }
0x1af: {  	p2 =	sne.s32 s9, $0x4  }
.Ltmp9:
0x1b0: {  	_ = 	snop;
	(pc) =	sbr.rel @!p2 .LBB2_15-.Ltmp9, $3  }
0x1b1: {  	_ =	sdelay $0x1  }
0x1b2: {  	[sflag:s25] =	ssyncset.done $0x0  }
0x1b3: {  	s30 =	simm.s32 $0x6800;
	s24 =	simm.s32 $0x180;
	[sflag:s25] =	ssyncadd.s32 $0xFFFFE000  }
.LBB2_11:
0x1b4: {  	s8 =	sld [smem:$0x7F9]  }
0x1b5: {  	s19 =	smul.u32 $0x28, s9;
	_ =	sdelay $0x1  }
0x1b6: {  	[smem:$0x7EE] =	sst s9;
	s9 =	sadd.s32 s8, s19  }
0x1b7: {  	s23 =	rddreg [dreg:$0x5];
	s9 =	sshll.u32 s9, $0x4  }
0x1b8: {  	s19 =	sadd.s32 s23, s9;
	s23 =	simm.s32 $0x0  }
0x1b9: {  	[tilespmem:s23], [sflag:$0x12] =	stream.linear.gather [hbm4b:s19+s23], $0x1400, $0x38;
	[tilespmem:$0x1F800] =	vst v63  }
0x1ba: {  	s19 =	simm.s32 $0x12  }
0x1bb: {  	_ =	swait.ge [sflag:s19], $0x1400  }
0x1bc: {  	[sflag:s19] =	ssyncset.done $0x0;
	s25 =	rddreg [dreg:$0x6]  }
0x1bd: {  	[sflag:s19] =	ssyncadd.s32 $0xFFFFEC00;
	s9 =	sadd.s32 s25, s9;
	s25 =	simm.s32 $0x1400  }
0x1be: {  	[tilespmem:s25], [sflag:$0x12] =	stream.linear.gather [hbm4b:s9+s23], $0x1400, $0x38;
	[tilespmem:$0x1F800] =	vst v63  }
0x1bf: {  	_ =	swait.ge [sflag:s19], $0x1400  }
0x1c0: {  	[sflag:s19] =	ssyncset.done $0x0  }
0x1c1: {  	[sflag:s19] =	ssyncadd.s32 $0xFFFFEC00  }
0x1c2: {  	[tilespmem:s14], [sflag:$0x1] =	stream.indirect.gather [hbm4b:s7+s28], $0x40, s23, s28, $0xb8;
	[tilespmem:$0x1F800] =	vst v63  }
0x1c3: {  	_ = 	snop  }
0x1c4: {  	[tilespmem:s0], [sflag:$0x2] =	stream.indirect.gather [hbm4b:s7+s28], $0x40, s28, s28, $0xb8;
	[tilespmem:$0x1F800] =	vst v63  }
0x1c5: {  	s25 =	simm.s32 $0x100  }
0x1c6: {  	[tilespmem:s30], [sflag:$0x3] =	stream.indirect.gather [hbm4b:s7+s28], $0x40, s25, s28, $0xb8;
	[tilespmem:$0x1F800] =	vst v63  }
0x1c7: {  	s9 =	simm.s32 $0x0  }
0x1c8: {  	[tilespmem:s1], [sflag:$0x4] =	stream.indirect.gather [hbm4b:s7+s28], $0x40, s24, s28, $0xb8;
	[tilespmem:$0x1F800] =	vst v63  }
.LBB2_12:
0x1c9: {  	_ =	swait.ge [sflag:s10], $0x2000  }
0x1ca: {  	s19 =	sshra.s32 s9, $0x2;
	[sflag:s10] =	ssyncset.done $0x0  }
0x1cb: {  	p2 =	seq.s32 s9, $0x0;
	s24 =	sadd.s32 $0x1400, s19;
	[sflag:s10] =	ssyncadd.s32 $0xFFFFE000  }
0x1cc: {  	[spmem:s2] =	stream.indirect.scatter.add.f32 [tilespmem:s14], [sflag:$0x9], $0x40, s24, s28, $0xb8;
	[tilespmem:$0x1F800] =	vst v63  }
0x1cd: {  	s24 =	simm.s32 @!p2 $0xD  }
0x1ce: {  	_ =	swait.ge @!p2 [sflag:s24], $0x2000  }
0x1cf: {  	[sflag:s24] =	ssyncset.done @!p2 $0x0  }
0x1d0: {  	s25 =	sadd.s32 $0x200, s19;
	[sflag:s24] =	ssyncadd.s32 @!p2 $0xFFFFE000  }
0x1d1: {  	[tilespmem:s12], [sflag:$0x5] =	stream.indirect.gather [hbm4b:s7+s28], $0x40, s25, s28, $0xb8;
	[tilespmem:$0x1F800] =	vst v63  }
0x1d2: {  	_ =	swait.ge [sflag:s13], $0x2000  }
0x1d3: {  	[sflag:s13] =	ssyncset.done $0x0  }
0x1d4: {  	s8 =	sadd.s32 $0x1480, s19;
	s24 =	simm.s32 @!p2 $0xE;
	[sflag:s13] =	ssyncadd.s32 $0xFFFFE000  }
0x1d5: {  	[spmem:s2] =	stream.indirect.scatter.add.f32 [tilespmem:s0], [sflag:$0xA], $0x40, s8, s28, $0xb8;
	[tilespmem:$0x1F800] =	vst v63  }
0x1d6: {  	_ =	swait.ge @!p2 [sflag:s24], $0x2000  }
0x1d7: {  	[sflag:s24] =	ssyncset.done @!p2 $0x0  }
0x1d8: {  	s23 =	sadd.s32 $0x280, s19;
	[sflag:s24] =	ssyncadd.s32 @!p2 $0xFFFFE000  }
0x1d9: {  	[tilespmem:s29], [sflag:$0x6] =	stream.indirect.gather [hbm4b:s7+s28], $0x40, s23, s28, $0xb8;
	[tilespmem:$0x1F800] =	vst v63  }
0x1da: {  	_ =	swait.ge [sflag:s15], $0x2000  }
0x1db: {  	[sflag:s15] =	ssyncset.done $0x0  }
0x1dc: {  	s25 =	sadd.s32 $0x1500, s19;
	s24 =	simm.s32 @!p2 $0xF;
	[sflag:s15] =	ssyncadd.s32 $0xFFFFE000  }
0x1dd: {  	[spmem:s2] =	stream.indirect.scatter.add.f32 [tilespmem:s30], [sflag:$0xB], $0x40, s25, s28, $0xb8;
	[tilespmem:$0x1F800] =	vst v63  }
0x1de: {  	_ =	swait.ge @!p2 [sflag:s24], $0x2000  }
0x1df: {  	[sflag:s24] =	ssyncset.done @!p2 $0x0  }
0x1e0: {  	s30 =	sadd.s32 $0x300, s19;
	[sflag:s24] =	ssyncadd.s32 @!p2 $0xFFFFE000  }
0x1e1: {  	[tilespmem:s16], [sflag:$0x7] =	stream.indirect.gather [hbm4b:s7+s28], $0x40, s30, s28, $0xb8;
	[tilespmem:$0x1F800] =	vst v63  }
0x1e2: {  	_ =	swait.ge [sflag:s17], $0x2000  }
0x1e3: {  	[sflag:s17] =	ssyncset.done $0x0  }
0x1e4: {  	s8 =	sadd.s32 $0x1580, s19;
	s24 =	simm.s32 @!p2 $0x10;
	[sflag:s17] =	ssyncadd.s32 $0xFFFFE000  }
0x1e5: {  	[spmem:s2] =	stream.indirect.scatter.add.f32 [tilespmem:s1], [sflag:$0xC], $0x40, s8, s28, $0xb8;
	[tilespmem:$0x1F800] =	vst v63  }
0x1e6: {  	_ =	swait.ge @!p2 [sflag:s24], $0x2000  }
0x1e7: {  	[sflag:s24] =	ssyncset.done @!p2 $0x0  }
0x1e8: {  	s23 =	sadd.s32 $0x380, s19;
	[sflag:s24] =	ssyncadd.s32 @!p2 $0xFFFFE000  }
0x1e9: {  	[tilespmem:s18], [sflag:$0x8] =	stream.indirect.gather [hbm4b:s7+s28], $0x40, s23, s28, $0xb8;
	[tilespmem:$0x1F800] =	vst v63  }
0x1ea: {  	_ =	swait.ge [sflag:s20], $0x2000  }
0x1eb: {  	[sflag:s20] =	ssyncset.done $0x0  }
0x1ec: {  	s25 =	sadd.s32 $0x1600, s19;
	[sflag:s20] =	ssyncadd.s32 $0xFFFFE000  }
0x1ed: {  	[spmem:s2] =	stream.indirect.scatter.add.f32 [tilespmem:s12], [sflag:$0xD], $0x40, s25, s28, $0xb8;
	[tilespmem:$0x1F800] =	vst v63  }
0x1ee: {  	_ =	swait.ge [sflag:s21], $0x2000  }
0x1ef: {  	p2 =	seq.s32 s9, $0x4000;
	[sflag:s21] =	ssyncset.done $0x0  }
0x1f0: {  	s24 =	simm.s32 @p2 $0x6;
	[sflag:s21] =	ssyncadd.s32 $0xFFFFE000  }
0x1f1: {  	_ =	swait.ge @p2 [sflag:s24], $0x2000  }
0x1f2: {  	[sflag:s24] =	ssyncset.done @p2 $0x0  }
0x1f3: {  	[sflag:s24] =	ssyncadd.s32 @p2 $0xFFFFE000;
	s24 =	sshra.s32 @p2 s9, $0x2  }
0x1f4: {  	s30 =	simm.s32 @p2 $0xC800;
	s25 =	simm.s32 @p2 $0x80;
	s24 =	sadd.s32 @p2 $0x1680, s24  }
0x1f5: {  	[spmem:s2] =	stream.indirect.scatter.add.f32 @p2 [tilespmem:s30], [sflag:$0xE], $0x40, s24, s25, $0xb8;
	[tilespmem:$0x1F800] =	vst v63  }
0x1f6: {  	s24 =	simm.s32 @p2 $0xA  }
0x1f7: {  	_ =	swait.ge @p2 [sflag:s24], $0x2000  }
0x1f8: {  	[sflag:s24] =	ssyncset.done @p2 $0x0  }
0x1f9: {  	[sflag:s24] =	ssyncadd.s32 @p2 $0xFFFFE000;
	s24 =	sshra.s32 @!p2 s9, $0x2  }
0x1fa: {  	s8 =	simm.s32 @!p2 $0x2800;
	s30 =	simm.s32 @!p2 $0x80;
	s25 =	sadd.s32 @!p2 $0x400, s24  }
0x1fb: {  	[tilespmem:s8], [sflag:$0x1] =	stream.indirect.gather @!p2 [hbm4b:s7+s30], $0x40, s25, s30, $0xb8;
	[tilespmem:$0x1F800] =	vst v63  }
0x1fc: {  	s8 =	simm.s32 @!p2 $0x6  }
0x1fd: {  	_ =	swait.ge @!p2 [sflag:s8], $0x2000  }
0x1fe: {  	[sflag:s8] =	ssyncset.done @!p2 $0x0  }
0x1ff: {  	s25 =	simm.s32 @!p2 $0xC800;
	[sflag:s8] =	ssyncadd.s32 @!p2 $0xFFFFE000;
	s8 =	sadd.s32 @!p2 $0x1680, s24  }
0x200: {  	[spmem:s2] =	stream.indirect.scatter.add.f32 @!p2 [tilespmem:s25], [sflag:$0xE], $0x40, s8, s30, $0xb8;
	[tilespmem:$0x1F800] =	vst v63  }
0x201: {  	s8 =	simm.s32 @!p2 $0xA  }
0x202: {  	_ =	swait.ge @!p2 [sflag:s8], $0x2000  }
0x203: {  	[sflag:s8] =	ssyncset.done @!p2 $0x0  }
0x204: {  	[sflag:s8] =	ssyncadd.s32 @!p2 $0xFFFFE000;
	s8 =	sadd.s32 @!p2 $0x480, s24;
	s24 =	simm.s32 @!p2 $0x4800  }
0x205: {  	[tilespmem:s24], [sflag:$0x2] =	stream.indirect.gather @!p2 [hbm4b:s7+s30], $0x40, s8, s30, $0xb8;
	[tilespmem:$0x1F800] =	vst v63  }
0x206: {  	_ =	swait.ge [sflag:s4], $0x2000  }
0x207: {  	[sflag:s4] =	ssyncset.done $0x0  }
.Ltmp10:
0x208: {  	s30 =	sadd.s32 $0x1700, s19;
	[sflag:s4] =	ssyncadd.s32 $0xFFFFE000;
	(pc) =	sbr.rel @p2 .LBB2_14-.Ltmp10, $4  }
0x209: {  	[spmem:s2] =	stream.indirect.scatter.add.f32 [tilespmem:s16], [sflag:$0xF], $0x40, s30, s28, $0xb8;
	[tilespmem:$0x1F800] =	vst v63  }
0x20a: {  	_ =	swait.ge [sflag:s26], $0x2000  }
0x20b: {  	[sflag:s26] =	ssyncset.done $0x0  }
0x20c: {  	s23 =	simm.s32 $0x6800;
	s25 =	sadd.s32 $0x1780, s19;
	[sflag:s26] =	ssyncadd.s32 $0xFFFFE000  }
0x20d: {  	s8 =	sadd.s32 $0x500, s19  }
0x20e: {  	[tilespmem:s23], [sflag:$0x3] =	stream.indirect.gather [hbm4b:s7+s28], $0x40, s8, s28, $0xb8;
	[tilespmem:$0x1F800] =	vst v63  }
0x20f: {  	_ =	swait.ge [sflag:s31], $0x2000  }
0x210: {  	[sflag:s31] =	ssyncset.done $0x0  }
0x211: {  	[sflag:s31] =	ssyncadd.s32 $0xFFFFE000  }
0x212: {  	[spmem:s2] =	stream.indirect.scatter.add.f32 [tilespmem:s18], [sflag:$0x10], $0x40, s25, s28, $0xb8;
	[tilespmem:$0x1F800] =	vst v63  }
.Ltmp11:
0x213: {  	_ = 	snop;
	(pc) =	sbr.rel .LBB2_12-.Ltmp11, $4  }
0x214: {  	_ =	swait.ge [sflag:s6], $0x2000  }
0x215: {  	s9 =	sadd.s32 $0x1000, s9;
	[sflag:s6] =	ssyncset.done $0x0  }
0x216: {  	s30 =	simm.s32 $0x6800;
	s25 =	sadd.s32 $0x580, s19;
	[sflag:s6] =	ssyncadd.s32 $0xFFFFE000  }
0x217: {  	[tilespmem:s1], [sflag:$0x4] =	stream.indirect.gather [hbm4b:s7+s28], $0x40, s25, s28, $0xb8;
	[tilespmem:$0x1F800] =	vst v63  }
.LBB2_10:
.Ltmp12:
0x218: {  	(pc) =	sbr.rel .LBB2_16-.Ltmp12, $3  }
0x219: {  	_ =	sdelay $0x1  }
0x21a: {  	s8 =	rddreg [dreg:$0x1]  }
0x21b: {  	s23 =	sld [smem:$0x7F0]  }
.LBB2_17:
0x21c: {  	_ =	sfence.sel $0x180000  }
0x21d: {  	[bflag:$0x0] =	sbarrier.arrive $0xFFFF  }
0x21e: {  	_ =	strace $0x90000047  }
0x21f: {  	s0 =	stileid.u32;
	[bflag:$0x2] =	sbarrier.arrive $0xFFFF  }
0x220: {  	p0 =	sne.s32 s0, $0x0;
	s0 =	rddreg [dreg:$0x4]  }
0x221: {  	s0 =	sadd.s32 @!p0 $0x100000, s0  }
0x222: {  	[sflag:s0] =	ssyncadd.tile.s32 @!p0 $0x1;
	_ =	shalt  }
.Lfunc_end2:
_tile_overlayer_lowered:
.L_overlay_start_2:
0x223: {  	(tag) =	ssettag $0x2  }
0x224: {  	s0 =	rddreg [dreg:$0x0];
	s2 =	stileid.u32  }
0x225: {  	s1 =	rddreg [dreg:$0x1];
	p0 =	sne.s32 s2, $0x0  }
0x226: {  	s3 =	rddreg [dreg:$0x2];
	[bflag:$0x3] =	sbarrier.arrive $0xFFFF;
	s2 =	simm.s32 @!p0 $0x1C12  }
0x227: {  	[timem:s3], [sflag:s2] =	dma.local @!p0 [hbm:s0], s1  }
0x228: {  	s0 =	simm.s32 @!p0 $0x12  }
0x229: {  	_ =	swait.ge @!p0 [sflag:s0], s1  }
0x22a: {  	s1 =	ssub.s32 @!p0 $0x0, s1;
	[sflag:s0] =	ssyncset.done @!p0 $0x0  }
0x22b: {  	[sflag:s0] =	ssyncadd.s32 @!p0 s1  }
0x22c: {  	[bflag:$0x3] =	sbarrier.arrive $0xFFFF  }
0x22d: {  	_ =	shalt  }

</sc_bundles>
